<compile_context>
chip_gen: v7x
topology: tpu7x:2x2x1
jax: 0.10.2.dev20260603
libtpu: 0.0.44.dev20260713+nightly
codegen_flags: <defaults>
</compile_context>

<pallas_src>
import functools

import jax
import jax.numpy as jnp
from jax import lax
from jax.experimental import pallas as pl
from jax.experimental.pallas import tpu as pltpu
from jax.experimental.pallas import tpu_sc as plsc

N_NODES = 10000
N_EDGES = 320000
D = 128
N_GRAPHS = 64

_NC, _NS = 2, 16
_NW = _NC * _NS
_CHUNK = 128
_K = 80
_KH = _K // 2
_NE_PAD = _NW * _K * _CHUNK
_R_AGG = 10112
_R_DUMP = _R_AGG - N_NODES
_ZROWS = _R_AGG // _NS

_DOT = dict(preferred_element_type=jnp.float32, precision=lax.Precision.DEFAULT)
_DOT_X = dict(preferred_element_type=jnp.float32, precision=lax.Precision.HIGHEST)


def _prelu(v, a):
    return jnp.where(v > 0, v, a * v)



def _pre_body(x_ref, w1_ref, b1_ref, a1_ref, w2_ref, b2_ref, a2_ref,
              gamma_ref, beta_ref, wm_ref, bm_ref, h_ref, g_ref):
    h1 = _prelu(jnp.dot(x_ref[...], w1_ref[...], **_DOT) + b1_ref[...], a1_ref[...])
    h2 = _prelu(jnp.dot(h1, w2_ref[...], **_DOT) + b2_ref[...], a2_ref[...])
    mu = jnp.mean(h2, axis=0, keepdims=True)
    var = jnp.mean((h2 - mu) ** 2, axis=0, keepdims=True)
    h = (h2 - mu) / jnp.sqrt(var + 1e-5) * gamma_ref[...] + beta_ref[...]
    h_ref[...] = h
    g_ref[...] = jnp.dot(h, wm_ref[...], **_DOT) + bm_ref[...]


def _layer_body(aggr_ref, h_ref, a_ref, wm_ref, bm_ref, ho_ref, go_ref):
    aggr = aggr_ref[0, :N_NODES, :] + aggr_ref[1, :N_NODES, :]
    h = _prelu(aggr + h_ref[...], a_ref[...])
    ho_ref[...] = h
    go_ref[...] = jnp.dot(h, wm_ref[...], **_DOT) + bm_ref[...]


def _last_body(aggr_ref, h_ref, a_ref, ho_ref):
    aggr = aggr_ref[0, :N_NODES, :] + aggr_ref[1, :N_NODES, :]
    ho_ref[...] = _prelu(aggr + h_ref[...], a_ref[...])


def _pool_body(h0_ref, h1_ref, h2_ref, h3_ref, h4_ref, bi_ref,
               wf1_ref, bf1_ref, wf2_ref, bf2_ref, out_ref):
    gid = lax.broadcasted_iota(jnp.int32, (N_GRAPHS, N_NODES), 0)
    onehot = jnp.where(gid == bi_ref[...], 1.0, 0.0).astype(jnp.float32)
    parts = [jnp.dot(onehot, h[...], **_DOT_X)
             for h in (h0_ref, h1_ref, h2_ref, h3_ref, h4_ref)]
    pooled = jnp.concatenate(parts, axis=1)
    z = jnp.maximum(jnp.dot(pooled, wf1_ref[...], **_DOT) + bf1_ref[...], 0.0)
    out_ref[...] = jnp.dot(z, wf2_ref[...], **_DOT) + bf2_ref[...]


_f32 = jnp.float32
_nd = jax.ShapeDtypeStruct((N_NODES, D), _f32)

_pre_call = pl.pallas_call(_pre_body, out_shape=(_nd, _nd))
_layer_call = pl.pallas_call(_layer_body, out_shape=(_nd, _nd))
_last_call = pl.pallas_call(_last_body, out_shape=_nd)
_pool_call = pl.pallas_call(
    _pool_body, out_shape=jax.ShapeDtypeStruct((N_GRAPHS, 1), _f32))



def _sc_body(g_hbm, src_hbm, dst_hbm, zeros_hbm, out_hbm,
             src_v, dst_v, rows0_v, rows1_v, aggr_s, semg0, semg1):
    cid = lax.axis_index("c")
    sid = lax.axis_index("s")
    wid = sid * _NC + cid
    pltpu.sync_copy(zeros_hbm, aggr_s.at[pl.ds(sid * _ZROWS, _ZROWS)])
    plsc.subcore_barrier()

    for half in range(2):
        base = half * _KH
        pltpu.sync_copy(src_hbm.at[wid, pl.ds(base, _KH)], src_v)
        pltpu.sync_copy(dst_hbm.at[wid, pl.ds(base, _KH)], dst_v)
        pltpu.async_copy(g_hbm.at[src_v.at[0]], rows0_v, semg0)

        def pair(jj, carry):
            j0 = jj * 2
            j1 = j0 + 1
            pltpu.async_copy(g_hbm.at[src_v.at[j1]], rows1_v, semg1)
            pltpu.make_async_copy(g_hbm.at[src_v.at[j0]], rows0_v, semg0).wait()
            pltpu.sync_copy(rows0_v, aggr_s.at[dst_v.at[j0]], add=True)

            @pl.when(jj + 1 < _KH // 2)
            def _():
                pltpu.async_copy(g_hbm.at[src_v.at[j0 + 2]], rows0_v, semg0)

            pltpu.make_async_copy(g_hbm.at[src_v.at[j1]], rows1_v, semg1).wait()
            pltpu.sync_copy(rows1_v, aggr_s.at[dst_v.at[j1]], add=True)
            return carry

        lax.fori_loop(0, _KH // 2, pair, 0)
    plsc.subcore_barrier()
    pltpu.sync_copy(aggr_s.at[pl.ds(sid * _ZROWS, _ZROWS)],
                    out_hbm.at[cid, pl.ds(sid * _ZROWS, _ZROWS)])


@functools.cache
def _sc_edge_aggregate_call():
    return pl.kernel(
        _sc_body,
        out_type=jax.ShapeDtypeStruct((_NC, _R_AGG, D), _f32),
        mesh=plsc.VectorSubcoreMesh(core_axis_name="c", subcore_axis_name="s"),
        scratch_types=[
            pltpu.VMEM((_KH, _CHUNK), jnp.int32),
            pltpu.VMEM((_KH, _CHUNK), jnp.int32),
            pltpu.VMEM((_CHUNK, D), _f32),
            pltpu.VMEM((_CHUNK, D), _f32),
            pltpu.VMEM_SHARED((_R_AGG, D), _f32),
            pltpu.SemaphoreType.DMA,
            pltpu.SemaphoreType.DMA,
        ],
    )



def kernel(x, edge_index, batchidxs, W1, b1, a1, W2, b2, a2, gamma, beta, act_a,
           Wm0, bm0, Wm1, bm1, Wm2, bm2, Wm3, bm3, Wf1, bf1, Wf2, bf2):
    r1 = lambda v: v.reshape(1, -1)
    src = edge_index[0].astype(jnp.int32)
    dst = edge_index[1].astype(jnp.int32)
    npad = _NE_PAD - N_EDGES
    pad_src = (jnp.arange(npad, dtype=jnp.int32) * 131) % N_NODES
    pad_dst = N_NODES + (jnp.arange(npad, dtype=jnp.int32) % _R_DUMP)
    src3 = jnp.concatenate([src, pad_src]).reshape(_NW, _K, _CHUNK)
    dst3 = jnp.concatenate([dst, pad_dst]).reshape(_NW, _K, _CHUNK)
    zeros = jnp.zeros((_ZROWS, D), _f32)

    h, g = _pre_call(x, W1, r1(b1), r1(a1), W2, r1(b2), r1(a2),
                     r1(gamma), r1(beta), Wm0, r1(bm0))
    hs = [h]
    next_w = ((Wm1, bm1), (Wm2, bm2), (Wm3, bm3))
    sc_aggregate = _sc_edge_aggregate_call()
    for i in range(4):
        aggr = sc_aggregate(g, src3, dst3, zeros)
        if i < 3:
            wm, bm = next_w[i]
            h, g = _layer_call(aggr, h, r1(act_a), wm, r1(bm))
        else:
            h = _last_call(aggr, h, r1(act_a))
        hs.append(h)
    return _pool_call(*hs, batchidxs.reshape(1, -1).astype(jnp.int32),
                      Wf1, r1(bf1), Wf2, r1(bf2))

# --- scband reference (transcript-rebuilt; emitter-appended) ---
"""Pipeline reference for scband-model-class-27779848471455 (READ-ONLY COPY).

The authoritative reference and input builder live on the scoring server;
editing this copy changes nothing except your own understanding.
"""

import jax, jax.numpy as jnp
import numpy as np

N_NODES = 10000
N_EDGES = 320000
N_FEAT = 128
N_GRAPHS = 64

def prelu(x, a):
    return jnp.where(x > 0, x, a * x)

def batchnorm(x, gamma, beta, eps=1e-5):
    mu = x.mean(axis=0)
    var = x.var(axis=0)
    return (x - mu) / jnp.sqrt(var + eps) * gamma + beta

def setup_inputs(seed: int = 0):
    key = jax.random.key(seed)
    ks = jax.random.split(key, 32)
    d = N_FEAT
    inp = {}
    inp['x'] = jax.random.normal(ks[0], (N_NODES, d), dtype=jnp.float32)
    inp['edge_index'] = jax.random.randint(ks[1], (2, N_EDGES), 0, N_NODES)
    inp['batchidxs'] = jnp.sort(jax.random.randint(ks[2], (N_NODES,), 0, N_GRAPHS))
    # pre_nn params: Linear -> PReLU -> Linear -> PReLU -> BatchNorm
    inp['W1'] = jax.random.normal(ks[3], (d, d), dtype=jnp.float32) * 0.05
    inp['b1'] = jnp.zeros((d,), dtype=jnp.float32)
    inp['a1'] = jnp.full((d,), 0.25, dtype=jnp.float32)
    inp['W2'] = jax.random.normal(ks[4], (d, d), dtype=jnp.float32) * 0.05
    inp['b2'] = jnp.zeros((d,), dtype=jnp.float32)
    inp['a2'] = jnp.full((d,), 0.25, dtype=jnp.float32)
    inp['gamma'] = jnp.ones((d,), dtype=jnp.float32)
    inp['beta'] = jnp.zeros((d,), dtype=jnp.float32)
    # shared PReLU activation after each conv
    inp['act_a'] = jnp.full((d,), 0.25, dtype=jnp.float32)
    # 4 GeneralConv layers (lin_msg weight+bias each; skip is identity since in==out)
    for i in range(4):
        inp[f'Wm{i}'] = jax.random.normal(ks[5 + i], (d, d), dtype=jnp.float32) * 0.05
        inp[f'bm{i}'] = jnp.zeros((d,), dtype=jnp.float32)
    # hlv_dnn FFN(5*d -> 1): Linear(5d,5d) + ReLU + Linear(5d,1)
    D = 5 * d
    inp['Wf1'] = jax.random.normal(ks[10], (D, D), dtype=jnp.float32) * 0.02
    inp['bf1'] = jnp.zeros((D,), dtype=jnp.float32)
    inp['Wf2'] = jax.random.normal(ks[11], (D, 1), dtype=jnp.float32) * 0.02
    inp['bf2'] = jnp.zeros((1,), dtype=jnp.float32)
    return inp

def reference(x, edge_index, batchidxs, W1, b1, a1, W2, b2, a2, gamma, beta, act_a,
              Wm0, bm0, Wm1, bm1, Wm2, bm2, Wm3, bm3, Wf1, bf1, Wf2, bf2):
    # pre_nn
    h = prelu(x @ W1 + b1, a1)
    h = prelu(h @ W2 + b2, a2)
    h = batchnorm(h, gamma, beta)
    src = edge_index[0]
    dst = edge_index[1]
    xs = [h]
    for Wm, bm in ((Wm0, bm0), (Wm1, bm1), (Wm2, bm2), (Wm3, bm3)):
        msg = (h @ Wm + bm)[src]
        aggr = jax.ops.segment_sum(msg, dst, num_segments=N_NODES)
        h = prelu(aggr + h, act_a)  # GeneralConv: sum-aggr + identity skip, then PReLU
        xs.append(h)
    cat = jnp.concatenate(xs, axis=1)  # JumpingKnowledge cat -> [N, 5*d]
    pooled = jax.ops.segment_sum(cat, batchidxs, num_segments=N_GRAPHS)  # global_add_pool
    out = jax.nn.relu(pooled @ Wf1 + bf1) @ Wf2 + bf2  # hlv_dnn FFN
    return out

if __name__ == "__main__":
    import jax
    _d = setup_inputs()
    print(jax.jit(kernel)(*tuple(_d.values())))

</pallas_src>

<mosaic_0001>
#map = affine_map<(d0, d1) -> (0, 0)>
#map1 = affine_map<(d0, d1) -> (0, 0, 0)>
module attributes {stable_mosaic.version = 14 : i64} {
  func.func @_sc_body(%arg0: i32, %arg1: i32, %arg2: memref<10000x128xf32, #tpu.memory_space<hbm>>, %arg3: memref<32x80x128xi32, #tpu.memory_space<hbm>>, %arg4: memref<32x80x128xi32, #tpu.memory_space<hbm>>, %arg5: memref<632x128xf32, #tpu.memory_space<hbm>>, %arg6: memref<2x10112x128xf32, #tpu.memory_space<hbm>>, %arg7: memref<40x128xi32, #tpu.memory_space<vmem>>, %arg8: memref<40x128xi32, #tpu.memory_space<vmem>>, %arg9: memref<128x128xf32, #tpu.memory_space<vmem>>, %arg10: memref<128x128xf32, #tpu.memory_space<vmem>>, %arg11: memref<10112x128xf32, #tpu.memory_space<vmem_shared>>, %arg12: memref<!tpu.dma_semaphore, #tpu.memory_space<semaphore_mem>>, %arg13: memref<!tpu.dma_semaphore, #tpu.memory_space<semaphore_mem>>) attributes {dimension_semantics = [#tpu.dimension_semantics<core_parallel>, #tpu.dimension_semantics<subcore_parallel>], iteration_bounds = array<i64: 2, 16>, scalar_prefetch = 0 : i64, scratch_operands = 7 : i64, tpu.core_type = #tpu.core_type<sc_vector_subcore>, window_params = [{transform_indices = #map}, {transform_indices = #map1}, {transform_indices = #map1}, {transform_indices = #map}, {transform_indices = #map1}]} {
    %mul3A = arith.constant 2 : i32
    %mul3A_0 = arith.muli %arg1, %mul3A : i32
    %add3A = arith.addi %mul3A_0, %arg0 : i32
    %mul3A_1 = arith.constant 632 : i32
    %mul3A_2 = arith.muli %arg1, %mul3A_1 : i32
    "tpu.region"() ({
      %run_scoped3A = tpu.sem_alloc : memref<!tpu.dma_semaphore, #tpu.memory_space<semaphore_mem>>
      %dma_start3A_32 = arith.constant 0 : i32
      %dma_start3A_33 = tpu.memref_slice %arg11[%mul3A_2, %dma_start3A_32] : memref<10112x128xf32, #tpu.memory_space<vmem_shared>> -> memref<632x128xf32, #tpu.memory_space<vmem_shared>>
      tpu.enqueue_dma source(%arg5 : memref<632x128xf32, #tpu.memory_space<hbm>>) target(%dma_start3A_33 : memref<632x128xf32, #tpu.memory_space<vmem_shared>>) target_semaphore(%run_scoped3A : memref<!tpu.dma_semaphore, #tpu.memory_space<semaphore_mem>>)
      %dma_wait3A = arith.constant 0 : i32
      %dma_wait3A_34 = tpu.memref_slice %arg11[%mul3A_2, %dma_wait3A] : memref<10112x128xf32, #tpu.memory_space<vmem_shared>> -> memref<632x128xf32, #tpu.memory_space<vmem_shared>>
      tpu.wait_dma2 semaphore(%run_scoped3A : memref<!tpu.dma_semaphore, #tpu.memory_space<semaphore_mem>>) src(%arg5 : memref<632x128xf32, #tpu.memory_space<hbm>>) dst(%dma_wait3A_34 : memref<632x128xf32, #tpu.memory_space<vmem_shared>>)
      tpu.yield
    }) : () -> ()
    %barrier3A = arith.constant 0 : index
    tpu.barrier barrier_id(%barrier3A)
    "tpu.region"() ({
      %run_scoped3A = tpu.sem_alloc : memref<!tpu.dma_semaphore, #tpu.memory_space<semaphore_mem>>
      %dma_start3A_32 = arith.constant 0 : i32
      %dma_start3A_33 = arith.constant 0 : i32
      %dma_start3A_34 = tpu.memref_slice %arg3[%add3A, %dma_start3A_32, %dma_start3A_33] : memref<32x80x128xi32, #tpu.memory_space<hbm>> -> memref<1x40x128xi32, #tpu.memory_space<hbm>>
      %dma_start3A_35 = tpu.memref_squeeze %dma_start3A_34 : memref<1x40x128xi32, #tpu.memory_space<hbm>> -> memref<40x128xi32, #tpu.memory_space<hbm>>
      %dma_start3A_36 = arith.constant 0 : i32
      %dma_start3A_37 = arith.constant 0 : i32
      %dma_start3A_38 = tpu.memref_slice %arg3[%add3A, %dma_start3A_36, %dma_start3A_37] : memref<32x80x128xi32, #tpu.memory_space<hbm>> -> memref<1x40x128xi32, #tpu.memory_space<hbm>>
      %dma_start3A_39 = tpu.memref_squeeze %dma_start3A_38 : memref<1x40x128xi32, #tpu.memory_space<hbm>> -> memref<40x128xi32, #tpu.memory_space<hbm>>
      tpu.enqueue_dma source(%dma_start3A_39 : memref<40x128xi32, #tpu.memory_space<hbm>>) target(%arg7 : memref<40x128xi32, #tpu.memory_space<vmem>>) target_semaphore(%run_scoped3A : memref<!tpu.dma_semaphore, #tpu.memory_space<semaphore_mem>>)
      %dma_wait3A = arith.constant 0 : i32
      %dma_wait3A_40 = arith.constant 0 : i32
      %dma_wait3A_41 = tpu.memref_slice %arg3[%add3A, %dma_wait3A, %dma_wait3A_40] : memref<32x80x128xi32, #tpu.memory_space<hbm>> -> memref<1x40x128xi32, #tpu.memory_space<hbm>>
      %dma_wait3A_42 = tpu.memref_squeeze %dma_wait3A_41 : memref<1x40x128xi32, #tpu.memory_space<hbm>> -> memref<40x128xi32, #tpu.memory_space<hbm>>
      %dma_wait3A_43 = arith.constant 0 : i32
      %dma_wait3A_44 = arith.constant 0 : i32
      %dma_wait3A_45 = tpu.memref_slice %arg3[%add3A, %dma_wait3A_43, %dma_wait3A_44] : memref<32x80x128xi32, #tpu.memory_space<hbm>> -> memref<1x40x128xi32, #tpu.memory_space<hbm>>
      %dma_wait3A_46 = tpu.memref_squeeze %dma_wait3A_45 : memref<1x40x128xi32, #tpu.memory_space<hbm>> -> memref<40x128xi32, #tpu.memory_space<hbm>>
      tpu.wait_dma2 semaphore(%run_scoped3A : memref<!tpu.dma_semaphore, #tpu.memory_space<semaphore_mem>>) src(%dma_wait3A_46 : memref<40x128xi32, #tpu.memory_space<hbm>>) dst(%arg7 : memref<40x128xi32, #tpu.memory_space<vmem>>)
      tpu.yield
    }) : () -> ()
    "tpu.region"() ({
      %run_scoped3A = tpu.sem_alloc : memref<!tpu.dma_semaphore, #tpu.memory_space<semaphore_mem>>
      %dma_start3A_32 = arith.constant 0 : i32
      %dma_start3A_33 = arith.constant 0 : i32
      %dma_start3A_34 = tpu.memref_slice %arg4[%add3A, %dma_start3A_32, %dma_start3A_33] : memref<32x80x128xi32, #tpu.memory_space<hbm>> -> memref<1x40x128xi32, #tpu.memory_space<hbm>>
      %dma_start3A_35 = tpu.memref_squeeze %dma_start3A_34 : memref<1x40x128xi32, #tpu.memory_space<hbm>> -> memref<40x128xi32, #tpu.memory_space<hbm>>
      %dma_start3A_36 = arith.constant 0 : i32
      %dma_start3A_37 = arith.constant 0 : i32
      %dma_start3A_38 = tpu.memref_slice %arg4[%add3A, %dma_start3A_36, %dma_start3A_37] : memref<32x80x128xi32, #tpu.memory_space<hbm>> -> memref<1x40x128xi32, #tpu.memory_space<hbm>>
      %dma_start3A_39 = tpu.memref_squeeze %dma_start3A_38 : memref<1x40x128xi32, #tpu.memory_space<hbm>> -> memref<40x128xi32, #tpu.memory_space<hbm>>
      tpu.enqueue_dma source(%dma_start3A_39 : memref<40x128xi32, #tpu.memory_space<hbm>>) target(%arg8 : memref<40x128xi32, #tpu.memory_space<vmem>>) target_semaphore(%run_scoped3A : memref<!tpu.dma_semaphore, #tpu.memory_space<semaphore_mem>>)
      %dma_wait3A = arith.constant 0 : i32
      %dma_wait3A_40 = arith.constant 0 : i32
      %dma_wait3A_41 = tpu.memref_slice %arg4[%add3A, %dma_wait3A, %dma_wait3A_40] : memref<32x80x128xi32, #tpu.memory_space<hbm>> -> memref<1x40x128xi32, #tpu.memory_space<hbm>>
      %dma_wait3A_42 = tpu.memref_squeeze %dma_wait3A_41 : memref<1x40x128xi32, #tpu.memory_space<hbm>> -> memref<40x128xi32, #tpu.memory_space<hbm>>
      %dma_wait3A_43 = arith.constant 0 : i32
      %dma_wait3A_44 = arith.constant 0 : i32
      %dma_wait3A_45 = tpu.memref_slice %arg4[%add3A, %dma_wait3A_43, %dma_wait3A_44] : memref<32x80x128xi32, #tpu.memory_space<hbm>> -> memref<1x40x128xi32, #tpu.memory_space<hbm>>
      %dma_wait3A_46 = tpu.memref_squeeze %dma_wait3A_45 : memref<1x40x128xi32, #tpu.memory_space<hbm>> -> memref<40x128xi32, #tpu.memory_space<hbm>>
      tpu.wait_dma2 semaphore(%run_scoped3A : memref<!tpu.dma_semaphore, #tpu.memory_space<semaphore_mem>>) src(%dma_wait3A_46 : memref<40x128xi32, #tpu.memory_space<hbm>>) dst(%arg8 : memref<40x128xi32, #tpu.memory_space<vmem>>)
      tpu.yield
    }) : () -> ()
    %dma_start3A = arith.constant 0 : i32
    %dma_start3A_3 = arith.constant 0 : i32
    %dma_start3A_4 = tpu.memref_slice %arg7[%dma_start3A, %dma_start3A_3] : memref<40x128xi32, #tpu.memory_space<vmem>> -> memref<1x128xi32, #tpu.memory_space<vmem>>
    %dma_start3A_5 = tpu.memref_squeeze %dma_start3A_4 : memref<1x128xi32, #tpu.memory_space<vmem>> -> memref<128xi32, #tpu.memory_space<vmem>>
    %dma_start3A_6 = arith.constant 0 : i32
    %dma_start3A_7 = arith.constant 0 : i32
    %dma_start3A_8 = tpu.memref_slice %arg2[%dma_start3A_6, %dma_start3A_7] : memref<10000x128xf32, #tpu.memory_space<hbm>> -> memref<10000x128xf32, #tpu.memory_space<hbm>>
    tpu.enqueue_indirect_dma source(%dma_start3A_8 : memref<10000x128xf32, #tpu.memory_space<hbm>>) target(%arg9 : memref<128x128xf32, #tpu.memory_space<vmem>>) offsets(%dma_start3A_5 : memref<128xi32, #tpu.memory_space<vmem>>) semaphore(%arg12 : memref<!tpu.dma_semaphore, #tpu.memory_space<semaphore_mem>>)
    %scan3A = arith.constant 0 : i32
    %scan3A_9 = arith.constant 0 : i32
    %scan3A_10 = arith.constant 20 : i32
    %scan3A_11 = arith.addi %scan3A_9, %scan3A_10 : i32
    %scan3A_12 = arith.constant 1 : i32
    scf.for %scan3A_32 = %scan3A_9 to %scan3A_11 step %scan3A_12  : i32 {
      %mul3A_33 = arith.constant 2 : i32
      %mul3A_34 = arith.muli %scan3A_32, %mul3A_33 : i32
      %add3A_35 = arith.constant 1 : i32
      %add3A_36 = arith.addi %mul3A_34, %add3A_35 : i32
      %dma_start3A_37 = arith.constant 0 : i32
      %dma_start3A_38 = tpu.memref_slice %arg7[%add3A_36, %dma_start3A_37] : memref<40x128xi32, #tpu.memory_space<vmem>> -> memref<1x128xi32, #tpu.memory_space<vmem>>
      %dma_start3A_39 = tpu.memref_squeeze %dma_start3A_38 : memref<1x128xi32, #tpu.memory_space<vmem>> -> memref<128xi32, #tpu.memory_space<vmem>>
      %dma_start3A_40 = arith.constant 0 : i32
      %dma_start3A_41 = arith.constant 0 : i32
      %dma_start3A_42 = tpu.memref_slice %arg2[%dma_start3A_40, %dma_start3A_41] : memref<10000x128xf32, #tpu.memory_space<hbm>> -> memref<10000x128xf32, #tpu.memory_space<hbm>>
      tpu.enqueue_indirect_dma source(%dma_start3A_42 : memref<10000x128xf32, #tpu.memory_space<hbm>>) target(%arg10 : memref<128x128xf32, #tpu.memory_space<vmem>>) offsets(%dma_start3A_39 : memref<128xi32, #tpu.memory_space<vmem>>) semaphore(%arg13 : memref<!tpu.dma_semaphore, #tpu.memory_space<semaphore_mem>>)
      %dma_wait3A = arith.constant 0 : i32
      %dma_wait3A_43 = tpu.memref_slice %arg7[%mul3A_34, %dma_wait3A] : memref<40x128xi32, #tpu.memory_space<vmem>> -> memref<1x128xi32, #tpu.memory_space<vmem>>
      %dma_wait3A_44 = tpu.memref_squeeze %dma_wait3A_43 : memref<1x128xi32, #tpu.memory_space<vmem>> -> memref<128xi32, #tpu.memory_space<vmem>>
      %dma_wait3A_45 = arith.constant 0 : i32
      %dma_wait3A_46 = arith.constant 0 : i32
      %dma_wait3A_47 = tpu.memref_slice %arg2[%dma_wait3A_45, %dma_wait3A_46] : memref<10000x128xf32, #tpu.memory_space<hbm>> -> memref<10000x128xf32, #tpu.memory_space<hbm>>
      tpu.wait_indirect_dma semaphore(%arg12 : memref<!tpu.dma_semaphore, #tpu.memory_space<semaphore_mem>>) src(%dma_wait3A_47 : memref<10000x128xf32, #tpu.memory_space<hbm>>) dst(%arg9 : memref<128x128xf32, #tpu.memory_space<vmem>>)
      "tpu.region"() ({
        %run_scoped3A = tpu.sem_alloc : memref<!tpu.dma_semaphore, #tpu.memory_space<semaphore_mem>>
        %dma_start3A_58 = arith.constant 0 : i32
        %dma_start3A_59 = tpu.memref_slice %arg8[%mul3A_34, %dma_start3A_58] : memref<40x128xi32, #tpu.memory_space<vmem>> -> memref<1x128xi32, #tpu.memory_space<vmem>>
        %dma_start3A_60 = tpu.memref_squeeze %dma_start3A_59 : memref<1x128xi32, #tpu.memory_space<vmem>> -> memref<128xi32, #tpu.memory_space<vmem>>
        %dma_start3A_61 = arith.constant 0 : i32
        %dma_start3A_62 = arith.constant 0 : i32
        %dma_start3A_63 = tpu.memref_slice %arg11[%dma_start3A_61, %dma_start3A_62] : memref<10112x128xf32, #tpu.memory_space<vmem_shared>> -> memref<10112x128xf32, #tpu.memory_space<vmem_shared>>
        tpu.enqueue_indirect_dma source(%arg9 : memref<128x128xf32, #tpu.memory_space<vmem>>) target(%dma_start3A_63 : memref<10112x128xf32, #tpu.memory_space<vmem_shared>>) offsets(%dma_start3A_60 : memref<128xi32, #tpu.memory_space<vmem>>) semaphore(%run_scoped3A : memref<!tpu.dma_semaphore, #tpu.memory_space<semaphore_mem>>) {add = true}
        %dma_wait3A_64 = arith.constant 0 : i32
        %dma_wait3A_65 = tpu.memref_slice %arg8[%mul3A_34, %dma_wait3A_64] : memref<40x128xi32, #tpu.memory_space<vmem>> -> memref<1x128xi32, #tpu.memory_space<vmem>>
        %dma_wait3A_66 = tpu.memref_squeeze %dma_wait3A_65 : memref<1x128xi32, #tpu.memory_space<vmem>> -> memref<128xi32, #tpu.memory_space<vmem>>
        %dma_wait3A_67 = arith.constant 0 : i32
        %dma_wait3A_68 = arith.constant 0 : i32
        %dma_wait3A_69 = tpu.memref_slice %arg11[%dma_wait3A_67, %dma_wait3A_68] : memref<10112x128xf32, #tpu.memory_space<vmem_shared>> -> memref<10112x128xf32, #tpu.memory_space<vmem_shared>>
        tpu.wait_indirect_dma semaphore(%run_scoped3A : memref<!tpu.dma_semaphore, #tpu.memory_space<semaphore_mem>>) src(%arg9 : memref<128x128xf32, #tpu.memory_space<vmem>>) dst(%dma_wait3A_69 : memref<10112x128xf32, #tpu.memory_space<vmem_shared>>)
        tpu.yield
      }) : () -> ()
      %add3A_48 = arith.constant 1 : i32
      %add3A_49 = arith.addi %scan3A_32, %add3A_48 : i32
      %lt3A = arith.constant 20 : i32
      %lt3A_50 = arith.cmpi slt, %add3A_49, %lt3A : i32
      %convert_element_type3A = arith.extui %lt3A_50 : i1 to i32
      %cond3A = arith.constant 0 : i32
      %cond3A_51 = arith.cmpi ne, %convert_element_type3A, %cond3A : i32
      scf.if %cond3A_51 {
        %add3A_58 = arith.constant 2 : i32
        %add3A_59 = arith.addi %mul3A_34, %add3A_58 : i32
        %dma_start3A_60 = arith.constant 0 : i32
        %dma_start3A_61 = tpu.memref_slice %arg7[%add3A_59, %dma_start3A_60] : memref<40x128xi32, #tpu.memory_space<vmem>> -> memref<1x128xi32, #tpu.memory_space<vmem>>
        %dma_start3A_62 = tpu.memref_squeeze %dma_start3A_61 : memref<1x128xi32, #tpu.memory_space<vmem>> -> memref<128xi32, #tpu.memory_space<vmem>>
        %dma_start3A_63 = arith.constant 0 : i32
        %dma_start3A_64 = arith.constant 0 : i32
        %dma_start3A_65 = tpu.memref_slice %arg2[%dma_start3A_63, %dma_start3A_64] : memref<10000x128xf32, #tpu.memory_space<hbm>> -> memref<10000x128xf32, #tpu.memory_space<hbm>>
        tpu.enqueue_indirect_dma source(%dma_start3A_65 : memref<10000x128xf32, #tpu.memory_space<hbm>>) target(%arg9 : memref<128x128xf32, #tpu.memory_space<vmem>>) offsets(%dma_start3A_62 : memref<128xi32, #tpu.memory_space<vmem>>) semaphore(%arg12 : memref<!tpu.dma_semaphore, #tpu.memory_space<semaphore_mem>>)
      } else {
      }
      %dma_wait3A_52 = arith.constant 0 : i32
      %dma_wait3A_53 = tpu.memref_slice %arg7[%add3A_36, %dma_wait3A_52] : memref<40x128xi32, #tpu.memory_space<vmem>> -> memref<1x128xi32, #tpu.memory_space<vmem>>
      %dma_wait3A_54 = tpu.memref_squeeze %dma_wait3A_53 : memref<1x128xi32, #tpu.memory_space<vmem>> -> memref<128xi32, #tpu.memory_space<vmem>>
      %dma_wait3A_55 = arith.constant 0 : i32
      %dma_wait3A_56 = arith.constant 0 : i32
      %dma_wait3A_57 = tpu.memref_slice %arg2[%dma_wait3A_55, %dma_wait3A_56] : memref<10000x128xf32, #tpu.memory_space<hbm>> -> memref<10000x128xf32, #tpu.memory_space<hbm>>
      tpu.wait_indirect_dma semaphore(%arg13 : memref<!tpu.dma_semaphore, #tpu.memory_space<semaphore_mem>>) src(%dma_wait3A_57 : memref<10000x128xf32, #tpu.memory_space<hbm>>) dst(%arg10 : memref<128x128xf32, #tpu.memory_space<vmem>>)
      "tpu.region"() ({
        %run_scoped3A = tpu.sem_alloc : memref<!tpu.dma_semaphore, #tpu.memory_space<semaphore_mem>>
        %dma_start3A_58 = arith.constant 0 : i32
        %dma_start3A_59 = tpu.memref_slice %arg8[%add3A_36, %dma_start3A_58] : memref<40x128xi32, #tpu.memory_space<vmem>> -> memref<1x128xi32, #tpu.memory_space<vmem>>
        %dma_start3A_60 = tpu.memref_squeeze %dma_start3A_59 : memref<1x128xi32, #tpu.memory_space<vmem>> -> memref<128xi32, #tpu.memory_space<vmem>>
        %dma_start3A_61 = arith.constant 0 : i32
        %dma_start3A_62 = arith.constant 0 : i32
        %dma_start3A_63 = tpu.memref_slice %arg11[%dma_start3A_61, %dma_start3A_62] : memref<10112x128xf32, #tpu.memory_space<vmem_shared>> -> memref<10112x128xf32, #tpu.memory_space<vmem_shared>>
        tpu.enqueue_indirect_dma source(%arg10 : memref<128x128xf32, #tpu.memory_space<vmem>>) target(%dma_start3A_63 : memref<10112x128xf32, #tpu.memory_space<vmem_shared>>) offsets(%dma_start3A_60 : memref<128xi32, #tpu.memory_space<vmem>>) semaphore(%run_scoped3A : memref<!tpu.dma_semaphore, #tpu.memory_space<semaphore_mem>>) {add = true}
        %dma_wait3A_64 = arith.constant 0 : i32
        %dma_wait3A_65 = tpu.memref_slice %arg8[%add3A_36, %dma_wait3A_64] : memref<40x128xi32, #tpu.memory_space<vmem>> -> memref<1x128xi32, #tpu.memory_space<vmem>>
        %dma_wait3A_66 = tpu.memref_squeeze %dma_wait3A_65 : memref<1x128xi32, #tpu.memory_space<vmem>> -> memref<128xi32, #tpu.memory_space<vmem>>
        %dma_wait3A_67 = arith.constant 0 : i32
        %dma_wait3A_68 = arith.constant 0 : i32
        %dma_wait3A_69 = tpu.memref_slice %arg11[%dma_wait3A_67, %dma_wait3A_68] : memref<10112x128xf32, #tpu.memory_space<vmem_shared>> -> memref<10112x128xf32, #tpu.memory_space<vmem_shared>>
        tpu.wait_indirect_dma semaphore(%run_scoped3A : memref<!tpu.dma_semaphore, #tpu.memory_space<semaphore_mem>>) src(%arg10 : memref<128x128xf32, #tpu.memory_space<vmem>>) dst(%dma_wait3A_69 : memref<10112x128xf32, #tpu.memory_space<vmem_shared>>)
        tpu.yield
      }) : () -> ()
    }
    %scan3A_13 = arith.constant 20 : i32
    "tpu.region"() ({
      %run_scoped3A = tpu.sem_alloc : memref<!tpu.dma_semaphore, #tpu.memory_space<semaphore_mem>>
      %dma_start3A_32 = arith.constant 40 : i32
      %dma_start3A_33 = arith.constant 0 : i32
      %dma_start3A_34 = tpu.memref_slice %arg3[%add3A, %dma_start3A_32, %dma_start3A_33] : memref<32x80x128xi32, #tpu.memory_space<hbm>> -> memref<1x40x128xi32, #tpu.memory_space<hbm>>
      %dma_start3A_35 = tpu.memref_squeeze %dma_start3A_34 : memref<1x40x128xi32, #tpu.memory_space<hbm>> -> memref<40x128xi32, #tpu.memory_space<hbm>>
      %dma_start3A_36 = arith.constant 40 : i32
      %dma_start3A_37 = arith.constant 0 : i32
      %dma_start3A_38 = tpu.memref_slice %arg3[%add3A, %dma_start3A_36, %dma_start3A_37] : memref<32x80x128xi32, #tpu.memory_space<hbm>> -> memref<1x40x128xi32, #tpu.memory_space<hbm>>
      %dma_start3A_39 = tpu.memref_squeeze %dma_start3A_38 : memref<1x40x128xi32, #tpu.memory_space<hbm>> -> memref<40x128xi32, #tpu.memory_space<hbm>>
      tpu.enqueue_dma source(%dma_start3A_39 : memref<40x128xi32, #tpu.memory_space<hbm>>) target(%arg7 : memref<40x128xi32, #tpu.memory_space<vmem>>) target_semaphore(%run_scoped3A : memref<!tpu.dma_semaphore, #tpu.memory_space<semaphore_mem>>)
      %dma_wait3A = arith.constant 40 : i32
      %dma_wait3A_40 = arith.constant 0 : i32
      %dma_wait3A_41 = tpu.memref_slice %arg3[%add3A, %dma_wait3A, %dma_wait3A_40] : memref<32x80x128xi32, #tpu.memory_space<hbm>> -> memref<1x40x128xi32, #tpu.memory_space<hbm>>
      %dma_wait3A_42 = tpu.memref_squeeze %dma_wait3A_41 : memref<1x40x128xi32, #tpu.memory_space<hbm>> -> memref<40x128xi32, #tpu.memory_space<hbm>>
      %dma_wait3A_43 = arith.constant 40 : i32
      %dma_wait3A_44 = arith.constant 0 : i32
      %dma_wait3A_45 = tpu.memref_slice %arg3[%add3A, %dma_wait3A_43, %dma_wait3A_44] : memref<32x80x128xi32, #tpu.memory_space<hbm>> -> memref<1x40x128xi32, #tpu.memory_space<hbm>>
      %dma_wait3A_46 = tpu.memref_squeeze %dma_wait3A_45 : memref<1x40x128xi32, #tpu.memory_space<hbm>> -> memref<40x128xi32, #tpu.memory_space<hbm>>
      tpu.wait_dma2 semaphore(%run_scoped3A : memref<!tpu.dma_semaphore, #tpu.memory_space<semaphore_mem>>) src(%dma_wait3A_46 : memref<40x128xi32, #tpu.memory_space<hbm>>) dst(%arg7 : memref<40x128xi32, #tpu.memory_space<vmem>>)
      tpu.yield
    }) : () -> ()
    "tpu.region"() ({
      %run_scoped3A = tpu.sem_alloc : memref<!tpu.dma_semaphore, #tpu.memory_space<semaphore_mem>>
      %dma_start3A_32 = arith.constant 40 : i32
      %dma_start3A_33 = arith.constant 0 : i32
      %dma_start3A_34 = tpu.memref_slice %arg4[%add3A, %dma_start3A_32, %dma_start3A_33] : memref<32x80x128xi32, #tpu.memory_space<hbm>> -> memref<1x40x128xi32, #tpu.memory_space<hbm>>
      %dma_start3A_35 = tpu.memref_squeeze %dma_start3A_34 : memref<1x40x128xi32, #tpu.memory_space<hbm>> -> memref<40x128xi32, #tpu.memory_space<hbm>>
      %dma_start3A_36 = arith.constant 40 : i32
      %dma_start3A_37 = arith.constant 0 : i32
      %dma_start3A_38 = tpu.memref_slice %arg4[%add3A, %dma_start3A_36, %dma_start3A_37] : memref<32x80x128xi32, #tpu.memory_space<hbm>> -> memref<1x40x128xi32, #tpu.memory_space<hbm>>
      %dma_start3A_39 = tpu.memref_squeeze %dma_start3A_38 : memref<1x40x128xi32, #tpu.memory_space<hbm>> -> memref<40x128xi32, #tpu.memory_space<hbm>>
      tpu.enqueue_dma source(%dma_start3A_39 : memref<40x128xi32, #tpu.memory_space<hbm>>) target(%arg8 : memref<40x128xi32, #tpu.memory_space<vmem>>) target_semaphore(%run_scoped3A : memref<!tpu.dma_semaphore, #tpu.memory_space<semaphore_mem>>)
      %dma_wait3A = arith.constant 40 : i32
      %dma_wait3A_40 = arith.constant 0 : i32
      %dma_wait3A_41 = tpu.memref_slice %arg4[%add3A, %dma_wait3A, %dma_wait3A_40] : memref<32x80x128xi32, #tpu.memory_space<hbm>> -> memref<1x40x128xi32, #tpu.memory_space<hbm>>
      %dma_wait3A_42 = tpu.memref_squeeze %dma_wait3A_41 : memref<1x40x128xi32, #tpu.memory_space<hbm>> -> memref<40x128xi32, #tpu.memory_space<hbm>>
      %dma_wait3A_43 = arith.constant 40 : i32
      %dma_wait3A_44 = arith.constant 0 : i32
      %dma_wait3A_45 = tpu.memref_slice %arg4[%add3A, %dma_wait3A_43, %dma_wait3A_44] : memref<32x80x128xi32, #tpu.memory_space<hbm>> -> memref<1x40x128xi32, #tpu.memory_space<hbm>>
      %dma_wait3A_46 = tpu.memref_squeeze %dma_wait3A_45 : memref<1x40x128xi32, #tpu.memory_space<hbm>> -> memref<40x128xi32, #tpu.memory_space<hbm>>
      tpu.wait_dma2 semaphore(%run_scoped3A : memref<!tpu.dma_semaphore, #tpu.memory_space<semaphore_mem>>) src(%dma_wait3A_46 : memref<40x128xi32, #tpu.memory_space<hbm>>) dst(%arg8 : memref<40x128xi32, #tpu.memory_space<vmem>>)
      tpu.yield
    }) : () -> ()
    %dma_start3A_14 = arith.constant 0 : i32
    %dma_start3A_15 = arith.constant 0 : i32
    %dma_start3A_16 = tpu.memref_slice %arg7[%dma_start3A_14, %dma_start3A_15] : memref<40x128xi32, #tpu.memory_space<vmem>> -> memref<1x128xi32, #tpu.memory_space<vmem>>
    %dma_start3A_17 = tpu.memref_squeeze %dma_start3A_16 : memref<1x128xi32, #tpu.memory_space<vmem>> -> memref<128xi32, #tpu.memory_space<vmem>>
    %dma_start3A_18 = arith.constant 0 : i32
    %dma_start3A_19 = arith.constant 0 : i32
    %dma_start3A_20 = tpu.memref_slice %arg2[%dma_start3A_18, %dma_start3A_19] : memref<10000x128xf32, #tpu.memory_space<hbm>> -> memref<10000x128xf32, #tpu.memory_space<hbm>>
    tpu.enqueue_indirect_dma source(%dma_start3A_20 : memref<10000x128xf32, #tpu.memory_space<hbm>>) target(%arg9 : memref<128x128xf32, #tpu.memory_space<vmem>>) offsets(%dma_start3A_17 : memref<128xi32, #tpu.memory_space<vmem>>) semaphore(%arg12 : memref<!tpu.dma_semaphore, #tpu.memory_space<semaphore_mem>>)
    %scan3A_21 = arith.constant 0 : i32
    %scan3A_22 = arith.constant 0 : i32
    %scan3A_23 = arith.constant 20 : i32
    %scan3A_24 = arith.addi %scan3A_22, %scan3A_23 : i32
    %scan3A_25 = arith.constant 1 : i32
    scf.for %scan3A_32 = %scan3A_22 to %scan3A_24 step %scan3A_25  : i32 {
      %mul3A_33 = arith.constant 2 : i32
      %mul3A_34 = arith.muli %scan3A_32, %mul3A_33 : i32
      %add3A_35 = arith.constant 1 : i32
      %add3A_36 = arith.addi %mul3A_34, %add3A_35 : i32
      %dma_start3A_37 = arith.constant 0 : i32
      %dma_start3A_38 = tpu.memref_slice %arg7[%add3A_36, %dma_start3A_37] : memref<40x128xi32, #tpu.memory_space<vmem>> -> memref<1x128xi32, #tpu.memory_space<vmem>>
      %dma_start3A_39 = tpu.memref_squeeze %dma_start3A_38 : memref<1x128xi32, #tpu.memory_space<vmem>> -> memref<128xi32, #tpu.memory_space<vmem>>
      %dma_start3A_40 = arith.constant 0 : i32
      %dma_start3A_41 = arith.constant 0 : i32
      %dma_start3A_42 = tpu.memref_slice %arg2[%dma_start3A_40, %dma_start3A_41] : memref<10000x128xf32, #tpu.memory_space<hbm>> -> memref<10000x128xf32, #tpu.memory_space<hbm>>
      tpu.enqueue_indirect_dma source(%dma_start3A_42 : memref<10000x128xf32, #tpu.memory_space<hbm>>) target(%arg10 : memref<128x128xf32, #tpu.memory_space<vmem>>) offsets(%dma_start3A_39 : memref<128xi32, #tpu.memory_space<vmem>>) semaphore(%arg13 : memref<!tpu.dma_semaphore, #tpu.memory_space<semaphore_mem>>)
      %dma_wait3A = arith.constant 0 : i32
      %dma_wait3A_43 = tpu.memref_slice %arg7[%mul3A_34, %dma_wait3A] : memref<40x128xi32, #tpu.memory_space<vmem>> -> memref<1x128xi32, #tpu.memory_space<vmem>>
      %dma_wait3A_44 = tpu.memref_squeeze %dma_wait3A_43 : memref<1x128xi32, #tpu.memory_space<vmem>> -> memref<128xi32, #tpu.memory_space<vmem>>
      %dma_wait3A_45 = arith.constant 0 : i32
      %dma_wait3A_46 = arith.constant 0 : i32
      %dma_wait3A_47 = tpu.memref_slice %arg2[%dma_wait3A_45, %dma_wait3A_46] : memref<10000x128xf32, #tpu.memory_space<hbm>> -> memref<10000x128xf32, #tpu.memory_space<hbm>>
      tpu.wait_indirect_dma semaphore(%arg12 : memref<!tpu.dma_semaphore, #tpu.memory_space<semaphore_mem>>) src(%dma_wait3A_47 : memref<10000x128xf32, #tpu.memory_space<hbm>>) dst(%arg9 : memref<128x128xf32, #tpu.memory_space<vmem>>)
      "tpu.region"() ({
        %run_scoped3A = tpu.sem_alloc : memref<!tpu.dma_semaphore, #tpu.memory_space<semaphore_mem>>
        %dma_start3A_58 = arith.constant 0 : i32
        %dma_start3A_59 = tpu.memref_slice %arg8[%mul3A_34, %dma_start3A_58] : memref<40x128xi32, #tpu.memory_space<vmem>> -> memref<1x128xi32, #tpu.memory_space<vmem>>
        %dma_start3A_60 = tpu.memref_squeeze %dma_start3A_59 : memref<1x128xi32, #tpu.memory_space<vmem>> -> memref<128xi32, #tpu.memory_space<vmem>>
        %dma_start3A_61 = arith.constant 0 : i32
        %dma_start3A_62 = arith.constant 0 : i32
        %dma_start3A_63 = tpu.memref_slice %arg11[%dma_start3A_61, %dma_start3A_62] : memref<10112x128xf32, #tpu.memory_space<vmem_shared>> -> memref<10112x128xf32, #tpu.memory_space<vmem_shared>>
        tpu.enqueue_indirect_dma source(%arg9 : memref<128x128xf32, #tpu.memory_space<vmem>>) target(%dma_start3A_63 : memref<10112x128xf32, #tpu.memory_space<vmem_shared>>) offsets(%dma_start3A_60 : memref<128xi32, #tpu.memory_space<vmem>>) semaphore(%run_scoped3A : memref<!tpu.dma_semaphore, #tpu.memory_space<semaphore_mem>>) {add = true}
        %dma_wait3A_64 = arith.constant 0 : i32
        %dma_wait3A_65 = tpu.memref_slice %arg8[%mul3A_34, %dma_wait3A_64] : memref<40x128xi32, #tpu.memory_space<vmem>> -> memref<1x128xi32, #tpu.memory_space<vmem>>
        %dma_wait3A_66 = tpu.memref_squeeze %dma_wait3A_65 : memref<1x128xi32, #tpu.memory_space<vmem>> -> memref<128xi32, #tpu.memory_space<vmem>>
        %dma_wait3A_67 = arith.constant 0 : i32
        %dma_wait3A_68 = arith.constant 0 : i32
        %dma_wait3A_69 = tpu.memref_slice %arg11[%dma_wait3A_67, %dma_wait3A_68] : memref<10112x128xf32, #tpu.memory_space<vmem_shared>> -> memref<10112x128xf32, #tpu.memory_space<vmem_shared>>
        tpu.wait_indirect_dma semaphore(%run_scoped3A : memref<!tpu.dma_semaphore, #tpu.memory_space<semaphore_mem>>) src(%arg9 : memref<128x128xf32, #tpu.memory_space<vmem>>) dst(%dma_wait3A_69 : memref<10112x128xf32, #tpu.memory_space<vmem_shared>>)
        tpu.yield
      }) : () -> ()
      %add3A_48 = arith.constant 1 : i32
      %add3A_49 = arith.addi %scan3A_32, %add3A_48 : i32
      %lt3A = arith.constant 20 : i32
      %lt3A_50 = arith.cmpi slt, %add3A_49, %lt3A : i32
      %convert_element_type3A = arith.extui %lt3A_50 : i1 to i32
      %cond3A = arith.constant 0 : i32
      %cond3A_51 = arith.cmpi ne, %convert_element_type3A, %cond3A : i32
      scf.if %cond3A_51 {
        %add3A_58 = arith.constant 2 : i32
        %add3A_59 = arith.addi %mul3A_34, %add3A_58 : i32
        %dma_start3A_60 = arith.constant 0 : i32
        %dma_start3A_61 = tpu.memref_slice %arg7[%add3A_59, %dma_start3A_60] : memref<40x128xi32, #tpu.memory_space<vmem>> -> memref<1x128xi32, #tpu.memory_space<vmem>>
        %dma_start3A_62 = tpu.memref_squeeze %dma_start3A_61 : memref<1x128xi32, #tpu.memory_space<vmem>> -> memref<128xi32, #tpu.memory_space<vmem>>
        %dma_start3A_63 = arith.constant 0 : i32
        %dma_start3A_64 = arith.constant 0 : i32
        %dma_start3A_65 = tpu.memref_slice %arg2[%dma_start3A_63, %dma_start3A_64] : memref<10000x128xf32, #tpu.memory_space<hbm>> -> memref<10000x128xf32, #tpu.memory_space<hbm>>
        tpu.enqueue_indirect_dma source(%dma_start3A_65 : memref<10000x128xf32, #tpu.memory_space<hbm>>) target(%arg9 : memref<128x128xf32, #tpu.memory_space<vmem>>) offsets(%dma_start3A_62 : memref<128xi32, #tpu.memory_space<vmem>>) semaphore(%arg12 : memref<!tpu.dma_semaphore, #tpu.memory_space<semaphore_mem>>)
      } else {
      }
      %dma_wait3A_52 = arith.constant 0 : i32
      %dma_wait3A_53 = tpu.memref_slice %arg7[%add3A_36, %dma_wait3A_52] : memref<40x128xi32, #tpu.memory_space<vmem>> -> memref<1x128xi32, #tpu.memory_space<vmem>>
      %dma_wait3A_54 = tpu.memref_squeeze %dma_wait3A_53 : memref<1x128xi32, #tpu.memory_space<vmem>> -> memref<128xi32, #tpu.memory_space<vmem>>
      %dma_wait3A_55 = arith.constant 0 : i32
      %dma_wait3A_56 = arith.constant 0 : i32
      %dma_wait3A_57 = tpu.memref_slice %arg2[%dma_wait3A_55, %dma_wait3A_56] : memref<10000x128xf32, #tpu.memory_space<hbm>> -> memref<10000x128xf32, #tpu.memory_space<hbm>>
      tpu.wait_indirect_dma semaphore(%arg13 : memref<!tpu.dma_semaphore, #tpu.memory_space<semaphore_mem>>) src(%dma_wait3A_57 : memref<10000x128xf32, #tpu.memory_space<hbm>>) dst(%arg10 : memref<128x128xf32, #tpu.memory_space<vmem>>)
      "tpu.region"() ({
        %run_scoped3A = tpu.sem_alloc : memref<!tpu.dma_semaphore, #tpu.memory_space<semaphore_mem>>
        %dma_start3A_58 = arith.constant 0 : i32
        %dma_start3A_59 = tpu.memref_slice %arg8[%add3A_36, %dma_start3A_58] : memref<40x128xi32, #tpu.memory_space<vmem>> -> memref<1x128xi32, #tpu.memory_space<vmem>>
        %dma_start3A_60 = tpu.memref_squeeze %dma_start3A_59 : memref<1x128xi32, #tpu.memory_space<vmem>> -> memref<128xi32, #tpu.memory_space<vmem>>
        %dma_start3A_61 = arith.constant 0 : i32
        %dma_start3A_62 = arith.constant 0 : i32
        %dma_start3A_63 = tpu.memref_slice %arg11[%dma_start3A_61, %dma_start3A_62] : memref<10112x128xf32, #tpu.memory_space<vmem_shared>> -> memref<10112x128xf32, #tpu.memory_space<vmem_shared>>
        tpu.enqueue_indirect_dma source(%arg10 : memref<128x128xf32, #tpu.memory_space<vmem>>) target(%dma_start3A_63 : memref<10112x128xf32, #tpu.memory_space<vmem_shared>>) offsets(%dma_start3A_60 : memref<128xi32, #tpu.memory_space<vmem>>) semaphore(%run_scoped3A : memref<!tpu.dma_semaphore, #tpu.memory_space<semaphore_mem>>) {add = true}
        %dma_wait3A_64 = arith.constant 0 : i32
        %dma_wait3A_65 = tpu.memref_slice %arg8[%add3A_36, %dma_wait3A_64] : memref<40x128xi32, #tpu.memory_space<vmem>> -> memref<1x128xi32, #tpu.memory_space<vmem>>
        %dma_wait3A_66 = tpu.memref_squeeze %dma_wait3A_65 : memref<1x128xi32, #tpu.memory_space<vmem>> -> memref<128xi32, #tpu.memory_space<vmem>>
        %dma_wait3A_67 = arith.constant 0 : i32
        %dma_wait3A_68 = arith.constant 0 : i32
        %dma_wait3A_69 = tpu.memref_slice %arg11[%dma_wait3A_67, %dma_wait3A_68] : memref<10112x128xf32, #tpu.memory_space<vmem_shared>> -> memref<10112x128xf32, #tpu.memory_space<vmem_shared>>
        tpu.wait_indirect_dma semaphore(%run_scoped3A : memref<!tpu.dma_semaphore, #tpu.memory_space<semaphore_mem>>) src(%arg10 : memref<128x128xf32, #tpu.memory_space<vmem>>) dst(%dma_wait3A_69 : memref<10112x128xf32, #tpu.memory_space<vmem_shared>>)
        tpu.yield
      }) : () -> ()
    }
    %scan3A_26 = arith.constant 20 : i32
    %barrier3A_27 = arith.constant 0 : index
    tpu.barrier barrier_id(%barrier3A_27)
    %mul3A_28 = arith.constant 632 : i32
    %mul3A_29 = arith.muli %arg1, %mul3A_28 : i32
    %mul3A_30 = arith.constant 632 : i32
    %mul3A_31 = arith.muli %arg1, %mul3A_30 : i32
    "tpu.region"() ({
      %run_scoped3A = tpu.sem_alloc : memref<!tpu.dma_semaphore, #tpu.memory_space<semaphore_mem>>
      %dma_start3A_32 = arith.constant 0 : i32
      %dma_start3A_33 = tpu.memref_slice %arg6[%arg0, %mul3A_31, %dma_start3A_32] : memref<2x10112x128xf32, #tpu.memory_space<hbm>> -> memref<1x632x128xf32, #tpu.memory_space<hbm>>
      %dma_start3A_34 = tpu.memref_squeeze %dma_start3A_33 : memref<1x632x128xf32, #tpu.memory_space<hbm>> -> memref<632x128xf32, #tpu.memory_space<hbm>>
      %dma_start3A_35 = arith.constant 0 : i32
      %dma_start3A_36 = tpu.memref_slice %arg11[%mul3A_29, %dma_start3A_35] : memref<10112x128xf32, #tpu.memory_space<vmem_shared>> -> memref<632x128xf32, #tpu.memory_space<vmem_shared>>
      tpu.enqueue_dma source(%dma_start3A_36 : memref<632x128xf32, #tpu.memory_space<vmem_shared>>) target(%dma_start3A_34 : memref<632x128xf32, #tpu.memory_space<hbm>>) target_semaphore(%run_scoped3A : memref<!tpu.dma_semaphore, #tpu.memory_space<semaphore_mem>>)
      %dma_wait3A = arith.constant 0 : i32
      %dma_wait3A_37 = tpu.memref_slice %arg6[%arg0, %mul3A_31, %dma_wait3A] : memref<2x10112x128xf32, #tpu.memory_space<hbm>> -> memref<1x632x128xf32, #tpu.memory_space<hbm>>
      %dma_wait3A_38 = tpu.memref_squeeze %dma_wait3A_37 : memref<1x632x128xf32, #tpu.memory_space<hbm>> -> memref<632x128xf32, #tpu.memory_space<hbm>>
      %dma_wait3A_39 = arith.constant 0 : i32
      %dma_wait3A_40 = tpu.memref_slice %arg11[%mul3A_29, %dma_wait3A_39] : memref<10112x128xf32, #tpu.memory_space<vmem_shared>> -> memref<632x128xf32, #tpu.memory_space<vmem_shared>>
      tpu.wait_dma2 semaphore(%run_scoped3A : memref<!tpu.dma_semaphore, #tpu.memory_space<semaphore_mem>>) src(%dma_wait3A_40 : memref<632x128xf32, #tpu.memory_space<vmem_shared>>) dst(%dma_wait3A_38 : memref<632x128xf32, #tpu.memory_space<hbm>>)
      tpu.yield
    }) : () -> ()
    return
  }
}

#map = affine_map<(d0, d1) -> (0, 0)>
#map1 = affine_map<(d0, d1) -> (0, 0, 0)>
module attributes {stable_mosaic.version = 14 : i64} {
  func.func @_sc_body(%arg0: i32, %arg1: i32, %arg2: memref<10000x128xf32, #tpu.memory_space<hbm>>, %arg3: memref<32x80x128xi32, #tpu.memory_space<hbm>>, %arg4: memref<32x80x128xi32, #tpu.memory_space<hbm>>, %arg5: memref<632x128xf32, #tpu.memory_space<hbm>>, %arg6: memref<2x10112x128xf32, #tpu.memory_space<hbm>>, %arg7: memref<40x128xi32, #tpu.memory_space<vmem>>, %arg8: memref<40x128xi32, #tpu.memory_space<vmem>>, %arg9: memref<128x128xf32, #tpu.memory_space<vmem>>, %arg10: memref<128x128xf32, #tpu.memory_space<vmem>>, %arg11: memref<10112x128xf32, #tpu.memory_space<vmem_shared>>, %arg12: memref<!tpu.dma_semaphore, #tpu.memory_space<semaphore_mem>>, %arg13: memref<!tpu.dma_semaphore, #tpu.memory_space<semaphore_mem>>) attributes {dimension_semantics = [#tpu.dimension_semantics<core_parallel>, #tpu.dimension_semantics<subcore_parallel>], iteration_bounds = array<i64: 2, 16>, scalar_prefetch = 0 : i64, scratch_operands = 7 : i64, tpu.core_type = #tpu.core_type<sc_vector_subcore>, window_params = [{transform_indices = #map}, {transform_indices = #map1}, {transform_indices = #map1}, {transform_indices = #map}, {transform_indices = #map1}]} {
    %mul3A = arith.constant 2 : i32
    %mul3A_0 = arith.muli %arg1, %mul3A : i32
    %add3A = arith.addi %mul3A_0, %arg0 : i32
    %mul3A_1 = arith.constant 632 : i32
    %mul3A_2 = arith.muli %arg1, %mul3A_1 : i32
    "tpu.region"() ({
      %run_scoped3A = tpu.sem_alloc : memref<!tpu.dma_semaphore, #tpu.memory_space<semaphore_mem>>
      %dma_start3A_32 = arith.constant 0 : i32
      %dma_start3A_33 = tpu.memref_slice %arg11[%mul3A_2, %dma_start3A_32] : memref<10112x128xf32, #tpu.memory_space<vmem_shared>> -> memref<632x128xf32, #tpu.memory_space<vmem_shared>>
      tpu.enqueue_dma source(%arg5 : memref<632x128xf32, #tpu.memory_space<hbm>>) target(%dma_start3A_33 : memref<632x128xf32, #tpu.memory_space<vmem_shared>>) target_semaphore(%run_scoped3A : memref<!tpu.dma_semaphore, #tpu.memory_space<semaphore_mem>>)
      %dma_wait3A = arith.constant 0 : i32
      %dma_wait3A_34 = tpu.memref_slice %arg11[%mul3A_2, %dma_wait3A] : memref<10112x128xf32, #tpu.memory_space<vmem_shared>> -> memref<632x128xf32, #tpu.memory_space<vmem_shared>>
      tpu.wait_dma2 semaphore(%run_scoped3A : memref<!tpu.dma_semaphore, #tpu.memory_space<semaphore_mem>>) src(%arg5 : memref<632x128xf32, #tpu.memory_space<hbm>>) dst(%dma_wait3A_34 : memref<632x128xf32, #tpu.memory_space<vmem_shared>>)
      tpu.yield
    }) : () -> ()
    %barrier3A = arith.constant 0 : index
    tpu.barrier barrier_id(%barrier3A)
    "tpu.region"() ({
      %run_scoped3A = tpu.sem_alloc : memref<!tpu.dma_semaphore, #tpu.memory_space<semaphore_mem>>
      %dma_start3A_32 = arith.constant 0 : i32
      %dma_start3A_33 = arith.constant 0 : i32
      %dma_start3A_34 = tpu.memref_slice %arg3[%add3A, %dma_start3A_32, %dma_start3A_33] : memref<32x80x128xi32, #tpu.memory_space<hbm>> -> memref<1x40x128xi32, #tpu.memory_space<hbm>>
      %dma_start3A_35 = tpu.memref_squeeze %dma_start3A_34 : memref<1x40x128xi32, #tpu.memory_space<hbm>> -> memref<40x128xi32, #tpu.memory_space<hbm>>
      %dma_start3A_36 = arith.constant 0 : i32
      %dma_start3A_37 = arith.constant 0 : i32
      %dma_start3A_38 = tpu.memref_slice %arg3[%add3A, %dma_start3A_36, %dma_start3A_37] : memref<32x80x128xi32, #tpu.memory_space<hbm>> -> memref<1x40x128xi32, #tpu.memory_space<hbm>>
      %dma_start3A_39 = tpu.memref_squeeze %dma_start3A_38 : memref<1x40x128xi32, #tpu.memory_space<hbm>> -> memref<40x128xi32, #tpu.memory_space<hbm>>
      tpu.enqueue_dma source(%dma_start3A_39 : memref<40x128xi32, #tpu.memory_space<hbm>>) target(%arg7 : memref<40x128xi32, #tpu.memory_space<vmem>>) target_semaphore(%run_scoped3A : memref<!tpu.dma_semaphore, #tpu.memory_space<semaphore_mem>>)
      %dma_wait3A = arith.constant 0 : i32
      %dma_wait3A_40 = arith.constant 0 : i32
      %dma_wait3A_41 = tpu.memref_slice %arg3[%add3A, %dma_wait3A, %dma_wait3A_40] : memref<32x80x128xi32, #tpu.memory_space<hbm>> -> memref<1x40x128xi32, #tpu.memory_space<hbm>>
      %dma_wait3A_42 = tpu.memref_squeeze %dma_wait3A_41 : memref<1x40x128xi32, #tpu.memory_space<hbm>> -> memref<40x128xi32, #tpu.memory_space<hbm>>
      %dma_wait3A_43 = arith.constant 0 : i32
      %dma_wait3A_44 = arith.constant 0 : i32
      %dma_wait3A_45 = tpu.memref_slice %arg3[%add3A, %dma_wait3A_43, %dma_wait3A_44] : memref<32x80x128xi32, #tpu.memory_space<hbm>> -> memref<1x40x128xi32, #tpu.memory_space<hbm>>
      %dma_wait3A_46 = tpu.memref_squeeze %dma_wait3A_45 : memref<1x40x128xi32, #tpu.memory_space<hbm>> -> memref<40x128xi32, #tpu.memory_space<hbm>>
      tpu.wait_dma2 semaphore(%run_scoped3A : memref<!tpu.dma_semaphore, #tpu.memory_space<semaphore_mem>>) src(%dma_wait3A_46 : memref<40x128xi32, #tpu.memory_space<hbm>>) dst(%arg7 : memref<40x128xi32, #tpu.memory_space<vmem>>)
      tpu.yield
    }) : () -> ()
    "tpu.region"() ({
      %run_scoped3A = tpu.sem_alloc : memref<!tpu.dma_semaphore, #tpu.memory_space<semaphore_mem>>
      %dma_start3A_32 = arith.constant 0 : i32
      %dma_start3A_33 = arith.constant 0 : i32
      %dma_start3A_34 = tpu.memref_slice %arg4[%add3A, %dma_start3A_32, %dma_start3A_33] : memref<32x80x128xi32, #tpu.memory_space<hbm>> -> memref<1x40x128xi32, #tpu.memory_space<hbm>>
      %dma_start3A_35 = tpu.memref_squeeze %dma_start3A_34 : memref<1x40x128xi32, #tpu.memory_space<hbm>> -> memref<40x128xi32, #tpu.memory_space<hbm>>
      %dma_start3A_36 = arith.constant 0 : i32
      %dma_start3A_37 = arith.constant 0 : i32
      %dma_start3A_38 = tpu.memref_slice %arg4[%add3A, %dma_start3A_36, %dma_start3A_37] : memref<32x80x128xi32, #tpu.memory_space<hbm>> -> memref<1x40x128xi32, #tpu.memory_space<hbm>>
      %dma_start3A_39 = tpu.memref_squeeze %dma_start3A_38 : memref<1x40x128xi32, #tpu.memory_space<hbm>> -> memref<40x128xi32, #tpu.memory_space<hbm>>
      tpu.enqueue_dma source(%dma_start3A_39 : memref<40x128xi32, #tpu.memory_space<hbm>>) target(%arg8 : memref<40x128xi32, #tpu.memory_space<vmem>>) target_semaphore(%run_scoped3A : memref<!tpu.dma_semaphore, #tpu.memory_space<semaphore_mem>>)
      %dma_wait3A = arith.constant 0 : i32
      %dma_wait3A_40 = arith.constant 0 : i32
      %dma_wait3A_41 = tpu.memref_slice %arg4[%add3A, %dma_wait3A, %dma_wait3A_40] : memref<32x80x128xi32, #tpu.memory_space<hbm>> -> memref<1x40x128xi32, #tpu.memory_space<hbm>>
      %dma_wait3A_42 = tpu.memref_squeeze %dma_wait3A_41 : memref<1x40x128xi32, #tpu.memory_space<hbm>> -> memref<40x128xi32, #tpu.memory_space<hbm>>
      %dma_wait3A_43 = arith.constant 0 : i32
      %dma_wait3A_44 = arith.constant 0 : i32
      %dma_wait3A_45 = tpu.memref_slice %arg4[%add3A, %dma_wait3A_43, %dma_wait3A_44] : memref<32x80x128xi32, #tpu.memory_space<hbm>> -> memref<1x40x128xi32, #tpu.memory_space<hbm>>
      %dma_wait3A_46 = tpu.memref_squeeze %dma_wait3A_45 : memref<1x40x128xi32, #tpu.memory_space<hbm>> -> memref<40x128xi32, #tpu.memory_space<hbm>>
      tpu.wait_dma2 semaphore(%run_scoped3A : memref<!tpu.dma_semaphore, #tpu.memory_space<semaphore_mem>>) src(%dma_wait3A_46 : memref<40x128xi32, #tpu.memory_space<hbm>>) dst(%arg8 : memref<40x128xi32, #tpu.memory_space<vmem>>)
      tpu.yield
    }) : () -> ()
    %dma_start3A = arith.constant 0 : i32
    %dma_start3A_3 = arith.constant 0 : i32
    %dma_start3A_4 = tpu.memref_slice %arg7[%dma_start3A, %dma_start3A_3] : memref<40x128xi32, #tpu.memory_space<vmem>> -> memref<1x128xi32, #tpu.memory_space<vmem>>
    %dma_start3A_5 = tpu.memref_squeeze %dma_start3A_4 : memref<1x128xi32, #tpu.memory_space<vmem>> -> memref<128xi32, #tpu.memory_space<vmem>>
    %dma_start3A_6 = arith.constant 0 : i32
    %dma_start3A_7 = arith.constant 0 : i32
    %dma_start3A_8 = tpu.memref_slice %arg2[%dma_start3A_6, %dma_start3A_7] : memref<10000x128xf32, #tpu.memory_space<hbm>> -> memref<10000x128xf32, #tpu.memory_space<hbm>>
    tpu.enqueue_indirect_dma source(%dma_start3A_8 : memref<10000x128xf32, #tpu.memory_space<hbm>>) target(%arg9 : memref<128x128xf32, #tpu.memory_space<vmem>>) offsets(%dma_start3A_5 : memref<128xi32, #tpu.memory_space<vmem>>) semaphore(%arg12 : memref<!tpu.dma_semaphore, #tpu.memory_space<semaphore_mem>>)
    %scan3A = arith.constant 0 : i32
    %scan3A_9 = arith.constant 0 : i32
    %scan3A_10 = arith.constant 20 : i32
    %scan3A_11 = arith.addi %scan3A_9, %scan3A_10 : i32
    %scan3A_12 = arith.constant 1 : i32
    scf.for %scan3A_32 = %scan3A_9 to %scan3A_11 step %scan3A_12  : i32 {
      %mul3A_33 = arith.constant 2 : i32
      %mul3A_34 = arith.muli %scan3A_32, %mul3A_33 : i32
      %add3A_35 = arith.constant 1 : i32
      %add3A_36 = arith.addi %mul3A_34, %add3A_35 : i32
      %dma_start3A_37 = arith.constant 0 : i32
      %dma_start3A_38 = tpu.memref_slice %arg7[%add3A_36, %dma_start3A_37] : memref<40x128xi32, #tpu.memory_space<vmem>> -> memref<1x128xi32, #tpu.memory_space<vmem>>
      %dma_start3A_39 = tpu.memref_squeeze %dma_start3A_38 : memref<1x128xi32, #tpu.memory_space<vmem>> -> memref<128xi32, #tpu.memory_space<vmem>>
      %dma_start3A_40 = arith.constant 0 : i32
      %dma_start3A_41 = arith.constant 0 : i32
      %dma_start3A_42 = tpu.memref_slice %arg2[%dma_start3A_40, %dma_start3A_41] : memref<10000x128xf32, #tpu.memory_space<hbm>> -> memref<10000x128xf32, #tpu.memory_space<hbm>>
      tpu.enqueue_indirect_dma source(%dma_start3A_42 : memref<10000x128xf32, #tpu.memory_space<hbm>>) target(%arg10 : memref<128x128xf32, #tpu.memory_space<vmem>>) offsets(%dma_start3A_39 : memref<128xi32, #tpu.memory_space<vmem>>) semaphore(%arg13 : memref<!tpu.dma_semaphore, #tpu.memory_space<semaphore_mem>>)
      %dma_wait3A = arith.constant 0 : i32
      %dma_wait3A_43 = tpu.memref_slice %arg7[%mul3A_34, %dma_wait3A] : memref<40x128xi32, #tpu.memory_space<vmem>> -> memref<1x128xi32, #tpu.memory_space<vmem>>
      %dma_wait3A_44 = tpu.memref_squeeze %dma_wait3A_43 : memref<1x128xi32, #tpu.memory_space<vmem>> -> memref<128xi32, #tpu.memory_space<vmem>>
      %dma_wait3A_45 = arith.constant 0 : i32
      %dma_wait3A_46 = arith.constant 0 : i32
      %dma_wait3A_47 = tpu.memref_slice %arg2[%dma_wait3A_45, %dma_wait3A_46] : memref<10000x128xf32, #tpu.memory_space<hbm>> -> memref<10000x128xf32, #tpu.memory_space<hbm>>
      tpu.wait_indirect_dma semaphore(%arg12 : memref<!tpu.dma_semaphore, #tpu.memory_space<semaphore_mem>>) src(%dma_wait3A_47 : memref<10000x128xf32, #tpu.memory_space<hbm>>) dst(%arg9 : memref<128x128xf32, #tpu.memory_space<vmem>>)
      "tpu.region"() ({
        %run_scoped3A = tpu.sem_alloc : memref<!tpu.dma_semaphore, #tpu.memory_space<semaphore_mem>>
        %dma_start3A_58 = arith.constant 0 : i32
        %dma_start3A_59 = tpu.memref_slice %arg8[%mul3A_34, %dma_start3A_58] : memref<40x128xi32, #tpu.memory_space<vmem>> -> memref<1x128xi32, #tpu.memory_space<vmem>>
        %dma_start3A_60 = tpu.memref_squeeze %dma_start3A_59 : memref<1x128xi32, #tpu.memory_space<vmem>> -> memref<128xi32, #tpu.memory_space<vmem>>
        %dma_start3A_61 = arith.constant 0 : i32
        %dma_start3A_62 = arith.constant 0 : i32
        %dma_start3A_63 = tpu.memref_slice %arg11[%dma_start3A_61, %dma_start3A_62] : memref<10112x128xf32, #tpu.memory_space<vmem_shared>> -> memref<10112x128xf32, #tpu.memory_space<vmem_shared>>
        tpu.enqueue_indirect_dma source(%arg9 : memref<128x128xf32, #tpu.memory_space<vmem>>) target(%dma_start3A_63 : memref<10112x128xf32, #tpu.memory_space<vmem_shared>>) offsets(%dma_start3A_60 : memref<128xi32, #tpu.memory_space<vmem>>) semaphore(%run_scoped3A : memref<!tpu.dma_semaphore, #tpu.memory_space<semaphore_mem>>) {add = true}
        %dma_wait3A_64 = arith.constant 0 : i32
        %dma_wait3A_65 = tpu.memref_slice %arg8[%mul3A_34, %dma_wait3A_64] : memref<40x128xi32, #tpu.memory_space<vmem>> -> memref<1x128xi32, #tpu.memory_space<vmem>>
        %dma_wait3A_66 = tpu.memref_squeeze %dma_wait3A_65 : memref<1x128xi32, #tpu.memory_space<vmem>> -> memref<128xi32, #tpu.memory_space<vmem>>
        %dma_wait3A_67 = arith.constant 0 : i32
        %dma_wait3A_68 = arith.constant 0 : i32
        %dma_wait3A_69 = tpu.memref_slice %arg11[%dma_wait3A_67, %dma_wait3A_68] : memref<10112x128xf32, #tpu.memory_space<vmem_shared>> -> memref<10112x128xf32, #tpu.memory_space<vmem_shared>>
        tpu.wait_indirect_dma semaphore(%run_scoped3A : memref<!tpu.dma_semaphore, #tpu.memory_space<semaphore_mem>>) src(%arg9 : memref<128x128xf32, #tpu.memory_space<vmem>>) dst(%dma_wait3A_69 : memref<10112x128xf32, #tpu.memory_space<vmem_shared>>)
        tpu.yield
      }) : () -> ()
      %add3A_48 = arith.constant 1 : i32
      %add3A_49 = arith.addi %scan3A_32, %add3A_48 : i32
      %lt3A = arith.constant 20 : i32
      %lt3A_50 = arith.cmpi slt, %add3A_49, %lt3A : i32
      %convert_element_type3A = arith.extui %lt3A_50 : i1 to i32
      %cond3A = arith.constant 0 : i32
      %cond3A_51 = arith.cmpi ne, %convert_element_type3A, %cond3A : i32
      scf.if %cond3A_51 {
        %add3A_58 = arith.constant 2 : i32
        %add3A_59 = arith.addi %mul3A_34, %add3A_58 : i32
        %dma_start3A_60 = arith.constant 0 : i32
        %dma_start3A_61 = tpu.memref_slice %arg7[%add3A_59, %dma_start3A_60] : memref<40x128xi32, #tpu.memory_space<vmem>> -> memref<1x128xi32, #tpu.memory_space<vmem>>
        %dma_start3A_62 = tpu.memref_squeeze %dma_start3A_61 : memref<1x128xi32, #tpu.memory_space<vmem>> -> memref<128xi32, #tpu.memory_space<vmem>>
        %dma_start3A_63 = arith.constant 0 : i32
        %dma_start3A_64 = arith.constant 0 : i32
        %dma_start3A_65 = tpu.memref_slice %arg2[%dma_start3A_63, %dma_start3A_64] : memref<10000x128xf32, #tpu.memory_space<hbm>> -> memref<10000x128xf32, #tpu.memory_space<hbm>>
        tpu.enqueue_indirect_dma source(%dma_start3A_65 : memref<10000x128xf32, #tpu.memory_space<hbm>>) target(%arg9 : memref<128x128xf32, #tpu.memory_space<vmem>>) offsets(%dma_start3A_62 : memref<128xi32, #tpu.memory_space<vmem>>) semaphore(%arg12 : memref<!tpu.dma_semaphore, #tpu.memory_space<semaphore_mem>>)
      } else {
      }
      %dma_wait3A_52 = arith.constant 0 : i32
      %dma_wait3A_53 = tpu.memref_slice %arg7[%add3A_36, %dma_wait3A_52] : memref<40x128xi32, #tpu.memory_space<vmem>> -> memref<1x128xi32, #tpu.memory_space<vmem>>
      %dma_wait3A_54 = tpu.memref_squeeze %dma_wait3A_53 : memref<1x128xi32, #tpu.memory_space<vmem>> -> memref<128xi32, #tpu.memory_space<vmem>>
      %dma_wait3A_55 = arith.constant 0 : i32
      %dma_wait3A_56 = arith.constant 0 : i32
      %dma_wait3A_57 = tpu.memref_slice %arg2[%dma_wait3A_55, %dma_wait3A_56] : memref<10000x128xf32, #tpu.memory_space<hbm>> -> memref<10000x128xf32, #tpu.memory_space<hbm>>
      tpu.wait_indirect_dma semaphore(%arg13 : memref<!tpu.dma_semaphore, #tpu.memory_space<semaphore_mem>>) src(%dma_wait3A_57 : memref<10000x128xf32, #tpu.memory_space<hbm>>) dst(%arg10 : memref<128x128xf32, #tpu.memory_space<vmem>>)
      "tpu.region"() ({
        %run_scoped3A = tpu.sem_alloc : memref<!tpu.dma_semaphore, #tpu.memory_space<semaphore_mem>>
        %dma_start3A_58 = arith.constant 0 : i32
        %dma_start3A_59 = tpu.memref_slice %arg8[%add3A_36, %dma_start3A_58] : memref<40x128xi32, #tpu.memory_space<vmem>> -> memref<1x128xi32, #tpu.memory_space<vmem>>
        %dma_start3A_60 = tpu.memref_squeeze %dma_start3A_59 : memref<1x128xi32, #tpu.memory_space<vmem>> -> memref<128xi32, #tpu.memory_space<vmem>>
        %dma_start3A_61 = arith.constant 0 : i32
        %dma_start3A_62 = arith.constant 0 : i32
        %dma_start3A_63 = tpu.memref_slice %arg11[%dma_start3A_61, %dma_start3A_62] : memref<10112x128xf32, #tpu.memory_space<vmem_shared>> -> memref<10112x128xf32, #tpu.memory_space<vmem_shared>>
        tpu.enqueue_indirect_dma source(%arg10 : memref<128x128xf32, #tpu.memory_space<vmem>>) target(%dma_start3A_63 : memref<10112x128xf32, #tpu.memory_space<vmem_shared>>) offsets(%dma_start3A_60 : memref<128xi32, #tpu.memory_space<vmem>>) semaphore(%run_scoped3A : memref<!tpu.dma_semaphore, #tpu.memory_space<semaphore_mem>>) {add = true}
        %dma_wait3A_64 = arith.constant 0 : i32
        %dma_wait3A_65 = tpu.memref_slice %arg8[%add3A_36, %dma_wait3A_64] : memref<40x128xi32, #tpu.memory_space<vmem>> -> memref<1x128xi32, #tpu.memory_space<vmem>>
        %dma_wait3A_66 = tpu.memref_squeeze %dma_wait3A_65 : memref<1x128xi32, #tpu.memory_space<vmem>> -> memref<128xi32, #tpu.memory_space<vmem>>
        %dma_wait3A_67 = arith.constant 0 : i32
        %dma_wait3A_68 = arith.constant 0 : i32
        %dma_wait3A_69 = tpu.memref_slice %arg11[%dma_wait3A_67, %dma_wait3A_68] : memref<10112x128xf32, #tpu.memory_space<vmem_shared>> -> memref<10112x128xf32, #tpu.memory_space<vmem_shared>>
        tpu.wait_indirect_dma semaphore(%run_scoped3A : memref<!tpu.dma_semaphore, #tpu.memory_space<semaphore_mem>>) src(%arg10 : memref<128x128xf32, #tpu.memory_space<vmem>>) dst(%dma_wait3A_69 : memref<10112x128xf32, #tpu.memory_space<vmem_shared>>)
        tpu.yield
      }) : () -> ()
    }
    %scan3A_13 = arith.constant 20 : i32
    "tpu.region"() ({
      %run_scoped3A = tpu.sem_alloc : memref<!tpu.dma_semaphore, #tpu.memory_space<semaphore_mem>>
      %dma_start3A_32 = arith.constant 40 : i32
      %dma_start3A_33 = arith.constant 0 : i32
      %dma_start3A_34 = tpu.memref_slice %arg3[%add3A, %dma_start3A_32, %dma_start3A_33] : memref<32x80x128xi32, #tpu.memory_space<hbm>> -> memref<1x40x128xi32, #tpu.memory_space<hbm>>
      %dma_start3A_35 = tpu.memref_squeeze %dma_start3A_34 : memref<1x40x128xi32, #tpu.memory_space<hbm>> -> memref<40x128xi32, #tpu.memory_space<hbm>>
      %dma_start3A_36 = arith.constant 40 : i32
      %dma_start3A_37 = arith.constant 0 : i32
      %dma_start3A_38 = tpu.memref_slice %arg3[%add3A, %dma_start3A_36, %dma_start3A_37] : memref<32x80x128xi32, #tpu.memory_space<hbm>> -> memref<1x40x128xi32, #tpu.memory_space<hbm>>
      %dma_start3A_39 = tpu.memref_squeeze %dma_start3A_38 : memref<1x40x128xi32, #tpu.memory_space<hbm>> -> memref<40x128xi32, #tpu.memory_space<hbm>>
      tpu.enqueue_dma source(%dma_start3A_39 : memref<40x128xi32, #tpu.memory_space<hbm>>) target(%arg7 : memref<40x128xi32, #tpu.memory_space<vmem>>) target_semaphore(%run_scoped3A : memref<!tpu.dma_semaphore, #tpu.memory_space<semaphore_mem>>)
      %dma_wait3A = arith.constant 40 : i32
      %dma_wait3A_40 = arith.constant 0 : i32
      %dma_wait3A_41 = tpu.memref_slice %arg3[%add3A, %dma_wait3A, %dma_wait3A_40] : memref<32x80x128xi32, #tpu.memory_space<hbm>> -> memref<1x40x128xi32, #tpu.memory_space<hbm>>
      %dma_wait3A_42 = tpu.memref_squeeze %dma_wait3A_41 : memref<1x40x128xi32, #tpu.memory_space<hbm>> -> memref<40x128xi32, #tpu.memory_space<hbm>>
      %dma_wait3A_43 = arith.constant 40 : i32
      %dma_wait3A_44 = arith.constant 0 : i32
      %dma_wait3A_45 = tpu.memref_slice %arg3[%add3A, %dma_wait3A_43, %dma_wait3A_44] : memref<32x80x128xi32, #tpu.memory_space<hbm>> -> memref<1x40x128xi32, #tpu.memory_space<hbm>>
      %dma_wait3A_46 = tpu.memref_squeeze %dma_wait3A_45 : memref<1x40x128xi32, #tpu.memory_space<hbm>> -> memref<40x128xi32, #tpu.memory_space<hbm>>
      tpu.wait_dma2 semaphore(%run_scoped3A : memref<!tpu.dma_semaphore, #tpu.memory_space<semaphore_mem>>) src(%dma_wait3A_46 : memref<40x128xi32, #tpu.memory_space<hbm>>) dst(%arg7 : memref<40x128xi32, #tpu.memory_space<vmem>>)
      tpu.yield
    }) : () -> ()
    "tpu.region"() ({
      %run_scoped3A = tpu.sem_alloc : memref<!tpu.dma_semaphore, #tpu.memory_space<semaphore_mem>>
      %dma_start3A_32 = arith.constant 40 : i32
      %dma_start3A_33 = arith.constant 0 : i32
      %dma_start3A_34 = tpu.memref_slice %arg4[%add3A, %dma_start3A_32, %dma_start3A_33] : memref<32x80x128xi32, #tpu.memory_space<hbm>> -> memref<1x40x128xi32, #tpu.memory_space<hbm>>
      %dma_start3A_35 = tpu.memref_squeeze %dma_start3A_34 : memref<1x40x128xi32, #tpu.memory_space<hbm>> -> memref<40x128xi32, #tpu.memory_space<hbm>>
      %dma_start3A_36 = arith.constant 40 : i32
      %dma_start3A_37 = arith.constant 0 : i32
      %dma_start3A_38 = tpu.memref_slice %arg4[%add3A, %dma_start3A_36, %dma_start3A_37] : memref<32x80x128xi32, #tpu.memory_space<hbm>> -> memref<1x40x128xi32, #tpu.memory_space<hbm>>
      %dma_start3A_39 = tpu.memref_squeeze %dma_start3A_38 : memref<1x40x128xi32, #tpu.memory_space<hbm>> -> memref<40x128xi32, #tpu.memory_space<hbm>>
      tpu.enqueue_dma source(%dma_start3A_39 : memref<40x128xi32, #tpu.memory_space<hbm>>) target(%arg8 : memref<40x128xi32, #tpu.memory_space<vmem>>) target_semaphore(%run_scoped3A : memref<!tpu.dma_semaphore, #tpu.memory_space<semaphore_mem>>)
      %dma_wait3A = arith.constant 40 : i32
      %dma_wait3A_40 = arith.constant 0 : i32
      %dma_wait3A_41 = tpu.memref_slice %arg4[%add3A, %dma_wait3A, %dma_wait3A_40] : memref<32x80x128xi32, #tpu.memory_space<hbm>> -> memref<1x40x128xi32, #tpu.memory_space<hbm>>
      %dma_wait3A_42 = tpu.memref_squeeze %dma_wait3A_41 : memref<1x40x128xi32, #tpu.memory_space<hbm>> -> memref<40x128xi32, #tpu.memory_space<hbm>>
      %dma_wait3A_43 = arith.constant 40 : i32
      %dma_wait3A_44 = arith.constant 0 : i32
      %dma_wait3A_45 = tpu.memref_slice %arg4[%add3A, %dma_wait3A_43, %dma_wait3A_44] : memref<32x80x128xi32, #tpu.memory_space<hbm>> -> memref<1x40x128xi32, #tpu.memory_space<hbm>>
      %dma_wait3A_46 = tpu.memref_squeeze %dma_wait3A_45 : memref<1x40x128xi32, #tpu.memory_space<hbm>> -> memref<40x128xi32, #tpu.memory_space<hbm>>
      tpu.wait_dma2 semaphore(%run_scoped3A : memref<!tpu.dma_semaphore, #tpu.memory_space<semaphore_mem>>) src(%dma_wait3A_46 : memref<40x128xi32, #tpu.memory_space<hbm>>) dst(%arg8 : memref<40x128xi32, #tpu.memory_space<vmem>>)
      tpu.yield
    }) : () -> ()
    %dma_start3A_14 = arith.constant 0 : i32
    %dma_start3A_15 = arith.constant 0 : i32
    %dma_start3A_16 = tpu.memref_slice %arg7[%dma_start3A_14, %dma_start3A_15] : memref<40x128xi32, #tpu.memory_space<vmem>> -> memref<1x128xi32, #tpu.memory_space<vmem>>
    %dma_start3A_17 = tpu.memref_squeeze %dma_start3A_16 : memref<1x128xi32, #tpu.memory_space<vmem>> -> memref<128xi32, #tpu.memory_space<vmem>>
    %dma_start3A_18 = arith.constant 0 : i32
    %dma_start3A_19 = arith.constant 0 : i32
    %dma_start3A_20 = tpu.memref_slice %arg2[%dma_start3A_18, %dma_start3A_19] : memref<10000x128xf32, #tpu.memory_space<hbm>> -> memref<10000x128xf32, #tpu.memory_space<hbm>>
    tpu.enqueue_indirect_dma source(%dma_start3A_20 : memref<10000x128xf32, #tpu.memory_space<hbm>>) target(%arg9 : memref<128x128xf32, #tpu.memory_space<vmem>>) offsets(%dma_start3A_17 : memref<128xi32, #tpu.memory_space<vmem>>) semaphore(%arg12 : memref<!tpu.dma_semaphore, #tpu.memory_space<semaphore_mem>>)
    %scan3A_21 = arith.constant 0 : i32
    %scan3A_22 = arith.constant 0 : i32
    %scan3A_23 = arith.constant 20 : i32
    %scan3A_24 = arith.addi %scan3A_22, %scan3A_23 : i32
    %scan3A_25 = arith.constant 1 : i32
    scf.for %scan3A_32 = %scan3A_22 to %scan3A_24 step %scan3A_25  : i32 {
      %mul3A_33 = arith.constant 2 : i32
      %mul3A_34 = arith.muli %scan3A_32, %mul3A_33 : i32
      %add3A_35 = arith.constant 1 : i32
      %add3A_36 = arith.addi %mul3A_34, %add3A_35 : i32
      %dma_start3A_37 = arith.constant 0 : i32
      %dma_start3A_38 = tpu.memref_slice %arg7[%add3A_36, %dma_start3A_37] : memref<40x128xi32, #tpu.memory_space<vmem>> -> memref<1x128xi32, #tpu.memory_space<vmem>>
      %dma_start3A_39 = tpu.memref_squeeze %dma_start3A_38 : memref<1x128xi32, #tpu.memory_space<vmem>> -> memref<128xi32, #tpu.memory_space<vmem>>
      %dma_start3A_40 = arith.constant 0 : i32
      %dma_start3A_41 = arith.constant 0 : i32
      %dma_start3A_42 = tpu.memref_slice %arg2[%dma_start3A_40, %dma_start3A_41] : memref<10000x128xf32, #tpu.memory_space<hbm>> -> memref<10000x128xf32, #tpu.memory_space<hbm>>
      tpu.enqueue_indirect_dma source(%dma_start3A_42 : memref<10000x128xf32, #tpu.memory_space<hbm>>) target(%arg10 : memref<128x128xf32, #tpu.memory_space<vmem>>) offsets(%dma_start3A_39 : memref<128xi32, #tpu.memory_space<vmem>>) semaphore(%arg13 : memref<!tpu.dma_semaphore, #tpu.memory_space<semaphore_mem>>)
      %dma_wait3A = arith.constant 0 : i32
      %dma_wait3A_43 = tpu.memref_slice %arg7[%mul3A_34, %dma_wait3A] : memref<40x128xi32, #tpu.memory_space<vmem>> -> memref<1x128xi32, #tpu.memory_space<vmem>>
      %dma_wait3A_44 = tpu.memref_squeeze %dma_wait3A_43 : memref<1x128xi32, #tpu.memory_space<vmem>> -> memref<128xi32, #tpu.memory_space<vmem>>
      %dma_wait3A_45 = arith.constant 0 : i32
      %dma_wait3A_46 = arith.constant 0 : i32
      %dma_wait3A_47 = tpu.memref_slice %arg2[%dma_wait3A_45, %dma_wait3A_46] : memref<10000x128xf32, #tpu.memory_space<hbm>> -> memref<10000x128xf32, #tpu.memory_space<hbm>>
      tpu.wait_indirect_dma semaphore(%arg12 : memref<!tpu.dma_semaphore, #tpu.memory_space<semaphore_mem>>) src(%dma_wait3A_47 : memref<10000x128xf32, #tpu.memory_space<hbm>>) dst(%arg9 : memref<128x128xf32, #tpu.memory_space<vmem>>)
      "tpu.region"() ({
        %run_scoped3A = tpu.sem_alloc : memref<!tpu.dma_semaphore, #tpu.memory_space<semaphore_mem>>
        %dma_start3A_58 = arith.constant 0 : i32
        %dma_start3A_59 = tpu.memref_slice %arg8[%mul3A_34, %dma_start3A_58] : memref<40x128xi32, #tpu.memory_space<vmem>> -> memref<1x128xi32, #tpu.memory_space<vmem>>
        %dma_start3A_60 = tpu.memref_squeeze %dma_start3A_59 : memref<1x128xi32, #tpu.memory_space<vmem>> -> memref<128xi32, #tpu.memory_space<vmem>>
        %dma_start3A_61 = arith.constant 0 : i32
        %dma_start3A_62 = arith.constant 0 : i32
        %dma_start3A_63 = tpu.memref_slice %arg11[%dma_start3A_61, %dma_start3A_62] : memref<10112x128xf32, #tpu.memory_space<vmem_shared>> -> memref<10112x128xf32, #tpu.memory_space<vmem_shared>>
        tpu.enqueue_indirect_dma source(%arg9 : memref<128x128xf32, #tpu.memory_space<vmem>>) target(%dma_start3A_63 : memref<10112x128xf32, #tpu.memory_space<vmem_shared>>) offsets(%dma_start3A_60 : memref<128xi32, #tpu.memory_space<vmem>>) semaphore(%run_scoped3A : memref<!tpu.dma_semaphore, #tpu.memory_space<semaphore_mem>>) {add = true}
        %dma_wait3A_64 = arith.constant 0 : i32
        %dma_wait3A_65 = tpu.memref_slice %arg8[%mul3A_34, %dma_wait3A_64] : memref<40x128xi32, #tpu.memory_space<vmem>> -> memref<1x128xi32, #tpu.memory_space<vmem>>
        %dma_wait3A_66 = tpu.memref_squeeze %dma_wait3A_65 : memref<1x128xi32, #tpu.memory_space<vmem>> -> memref<128xi32, #tpu.memory_space<vmem>>
        %dma_wait3A_67 = arith.constant 0 : i32
        %dma_wait3A_68 = arith.constant 0 : i32
        %dma_wait3A_69 = tpu.memref_slice %arg11[%dma_wait3A_67, %dma_wait3A_68] : memref<10112x128xf32, #tpu.memory_space<vmem_shared>> -> memref<10112x128xf32, #tpu.memory_space<vmem_shared>>
        tpu.wait_indirect_dma semaphore(%run_scoped3A : memref<!tpu.dma_semaphore, #tpu.memory_space<semaphore_mem>>) src(%arg9 : memref<128x128xf32, #tpu.memory_space<vmem>>) dst(%dma_wait3A_69 : memref<10112x128xf32, #tpu.memory_space<vmem_shared>>)
        tpu.yield
      }) : () -> ()
      %add3A_48 = arith.constant 1 : i32
      %add3A_49 = arith.addi %scan3A_32, %add3A_48 : i32
      %lt3A = arith.constant 20 : i32
      %lt3A_50 = arith.cmpi slt, %add3A_49, %lt3A : i32
      %convert_element_type3A = arith.extui %lt3A_50 : i1 to i32
      %cond3A = arith.constant 0 : i32
      %cond3A_51 = arith.cmpi ne, %convert_element_type3A, %cond3A : i32
      scf.if %cond3A_51 {
        %add3A_58 = arith.constant 2 : i32
        %add3A_59 = arith.addi %mul3A_34, %add3A_58 : i32
        %dma_start3A_60 = arith.constant 0 : i32
        %dma_start3A_61 = tpu.memref_slice %arg7[%add3A_59, %dma_start3A_60] : memref<40x128xi32, #tpu.memory_space<vmem>> -> memref<1x128xi32, #tpu.memory_space<vmem>>
        %dma_start3A_62 = tpu.memref_squeeze %dma_start3A_61 : memref<1x128xi32, #tpu.memory_space<vmem>> -> memref<128xi32, #tpu.memory_space<vmem>>
        %dma_start3A_63 = arith.constant 0 : i32
        %dma_start3A_64 = arith.constant 0 : i32
        %dma_start3A_65 = tpu.memref_slice %arg2[%dma_start3A_63, %dma_start3A_64] : memref<10000x128xf32, #tpu.memory_space<hbm>> -> memref<10000x128xf32, #tpu.memory_space<hbm>>
        tpu.enqueue_indirect_dma source(%dma_start3A_65 : memref<10000x128xf32, #tpu.memory_space<hbm>>) target(%arg9 : memref<128x128xf32, #tpu.memory_space<vmem>>) offsets(%dma_start3A_62 : memref<128xi32, #tpu.memory_space<vmem>>) semaphore(%arg12 : memref<!tpu.dma_semaphore, #tpu.memory_space<semaphore_mem>>)
      } else {
      }
      %dma_wait3A_52 = arith.constant 0 : i32
      %dma_wait3A_53 = tpu.memref_slice %arg7[%add3A_36, %dma_wait3A_52] : memref<40x128xi32, #tpu.memory_space<vmem>> -> memref<1x128xi32, #tpu.memory_space<vmem>>
      %dma_wait3A_54 = tpu.memref_squeeze %dma_wait3A_53 : memref<1x128xi32, #tpu.memory_space<vmem>> -> memref<128xi32, #tpu.memory_space<vmem>>
      %dma_wait3A_55 = arith.constant 0 : i32
      %dma_wait3A_56 = arith.constant 0 : i32
      %dma_wait3A_57 = tpu.memref_slice %arg2[%dma_wait3A_55, %dma_wait3A_56] : memref<10000x128xf32, #tpu.memory_space<hbm>> -> memref<10000x128xf32, #tpu.memory_space<hbm>>
      tpu.wait_indirect_dma semaphore(%arg13 : memref<!tpu.dma_semaphore, #tpu.memory_space<semaphore_mem>>) src(%dma_wait3A_57 : memref<10000x128xf32, #tpu.memory_space<hbm>>) dst(%arg10 : memref<128x128xf32, #tpu.memory_space<vmem>>)
      "tpu.region"() ({
        %run_scoped3A = tpu.sem_alloc : memref<!tpu.dma_semaphore, #tpu.memory_space<semaphore_mem>>
        %dma_start3A_58 = arith.constant 0 : i32
        %dma_start3A_59 = tpu.memref_slice %arg8[%add3A_36, %dma_start3A_58] : memref<40x128xi32, #tpu.memory_space<vmem>> -> memref<1x128xi32, #tpu.memory_space<vmem>>
        %dma_start3A_60 = tpu.memref_squeeze %dma_start3A_59 : memref<1x128xi32, #tpu.memory_space<vmem>> -> memref<128xi32, #tpu.memory_space<vmem>>
        %dma_start3A_61 = arith.constant 0 : i32
        %dma_start3A_62 = arith.constant 0 : i32
        %dma_start3A_63 = tpu.memref_slice %arg11[%dma_start3A_61, %dma_start3A_62] : memref<10112x128xf32, #tpu.memory_space<vmem_shared>> -> memref<10112x128xf32, #tpu.memory_space<vmem_shared>>
        tpu.enqueue_indirect_dma source(%arg10 : memref<128x128xf32, #tpu.memory_space<vmem>>) target(%dma_start3A_63 : memref<10112x128xf32, #tpu.memory_space<vmem_shared>>) offsets(%dma_start3A_60 : memref<128xi32, #tpu.memory_space<vmem>>) semaphore(%run_scoped3A : memref<!tpu.dma_semaphore, #tpu.memory_space<semaphore_mem>>) {add = true}
        %dma_wait3A_64 = arith.constant 0 : i32
        %dma_wait3A_65 = tpu.memref_slice %arg8[%add3A_36, %dma_wait3A_64] : memref<40x128xi32, #tpu.memory_space<vmem>> -> memref<1x128xi32, #tpu.memory_space<vmem>>
        %dma_wait3A_66 = tpu.memref_squeeze %dma_wait3A_65 : memref<1x128xi32, #tpu.memory_space<vmem>> -> memref<128xi32, #tpu.memory_space<vmem>>
        %dma_wait3A_67 = arith.constant 0 : i32
        %dma_wait3A_68 = arith.constant 0 : i32
        %dma_wait3A_69 = tpu.memref_slice %arg11[%dma_wait3A_67, %dma_wait3A_68] : memref<10112x128xf32, #tpu.memory_space<vmem_shared>> -> memref<10112x128xf32, #tpu.memory_space<vmem_shared>>
        tpu.wait_indirect_dma semaphore(%run_scoped3A : memref<!tpu.dma_semaphore, #tpu.memory_space<semaphore_mem>>) src(%arg10 : memref<128x128xf32, #tpu.memory_space<vmem>>) dst(%dma_wait3A_69 : memref<10112x128xf32, #tpu.memory_space<vmem_shared>>)
        tpu.yield
      }) : () -> ()
    }
    %scan3A_26 = arith.constant 20 : i32
    %barrier3A_27 = arith.constant 0 : index
    tpu.barrier barrier_id(%barrier3A_27)
    %mul3A_28 = arith.constant 632 : i32
    %mul3A_29 = arith.muli %arg1, %mul3A_28 : i32
    %mul3A_30 = arith.constant 632 : i32
    %mul3A_31 = arith.muli %arg1, %mul3A_30 : i32
    "tpu.region"() ({
      %run_scoped3A = tpu.sem_alloc : memref<!tpu.dma_semaphore, #tpu.memory_space<semaphore_mem>>
      %dma_start3A_32 = arith.constant 0 : i32
      %dma_start3A_33 = tpu.memref_slice %arg6[%arg0, %mul3A_31, %dma_start3A_32] : memref<2x10112x128xf32, #tpu.memory_space<hbm>> -> memref<1x632x128xf32, #tpu.memory_space<hbm>>
      %dma_start3A_34 = tpu.memref_squeeze %dma_start3A_33 : memref<1x632x128xf32, #tpu.memory_space<hbm>> -> memref<632x128xf32, #tpu.memory_space<hbm>>
      %dma_start3A_35 = arith.constant 0 : i32
      %dma_start3A_36 = tpu.memref_slice %arg11[%mul3A_29, %dma_start3A_35] : memref<10112x128xf32, #tpu.memory_space<vmem_shared>> -> memref<632x128xf32, #tpu.memory_space<vmem_shared>>
      tpu.enqueue_dma source(%dma_start3A_36 : memref<632x128xf32, #tpu.memory_space<vmem_shared>>) target(%dma_start3A_34 : memref<632x128xf32, #tpu.memory_space<hbm>>) target_semaphore(%run_scoped3A : memref<!tpu.dma_semaphore, #tpu.memory_space<semaphore_mem>>)
      %dma_wait3A = arith.constant 0 : i32
      %dma_wait3A_37 = tpu.memref_slice %arg6[%arg0, %mul3A_31, %dma_wait3A] : memref<2x10112x128xf32, #tpu.memory_space<hbm>> -> memref<1x632x128xf32, #tpu.memory_space<hbm>>
      %dma_wait3A_38 = tpu.memref_squeeze %dma_wait3A_37 : memref<1x632x128xf32, #tpu.memory_space<hbm>> -> memref<632x128xf32, #tpu.memory_space<hbm>>
      %dma_wait3A_39 = arith.constant 0 : i32
      %dma_wait3A_40 = tpu.memref_slice %arg11[%mul3A_29, %dma_wait3A_39] : memref<10112x128xf32, #tpu.memory_space<vmem_shared>> -> memref<632x128xf32, #tpu.memory_space<vmem_shared>>
      tpu.wait_dma2 semaphore(%run_scoped3A : memref<!tpu.dma_semaphore, #tpu.memory_space<semaphore_mem>>) src(%dma_wait3A_40 : memref<632x128xf32, #tpu.memory_space<vmem_shared>>) dst(%dma_wait3A_38 : memref<632x128xf32, #tpu.memory_space<hbm>>)
      tpu.yield
    }) : () -> ()
    return
  }
}

#map = affine_map<(d0, d1) -> (0, 0)>
#map1 = affine_map<(d0, d1) -> (0, 0, 0)>
module attributes {stable_mosaic.version = 14 : i64} {
  func.func @_sc_body(%arg0: i32, %arg1: i32, %arg2: memref<10000x128xf32, #tpu.memory_space<hbm>>, %arg3: memref<32x80x128xi32, #tpu.memory_space<hbm>>, %arg4: memref<32x80x128xi32, #tpu.memory_space<hbm>>, %arg5: memref<632x128xf32, #tpu.memory_space<hbm>>, %arg6: memref<2x10112x128xf32, #tpu.memory_space<hbm>>, %arg7: memref<40x128xi32, #tpu.memory_space<vmem>>, %arg8: memref<40x128xi32, #tpu.memory_space<vmem>>, %arg9: memref<128x128xf32, #tpu.memory_space<vmem>>, %arg10: memref<128x128xf32, #tpu.memory_space<vmem>>, %arg11: memref<10112x128xf32, #tpu.memory_space<vmem_shared>>, %arg12: memref<!tpu.dma_semaphore, #tpu.memory_space<semaphore_mem>>, %arg13: memref<!tpu.dma_semaphore, #tpu.memory_space<semaphore_mem>>) attributes {dimension_semantics = [#tpu.dimension_semantics<core_parallel>, #tpu.dimension_semantics<subcore_parallel>], iteration_bounds = array<i64: 2, 16>, scalar_prefetch = 0 : i64, scratch_operands = 7 : i64, tpu.core_type = #tpu.core_type<sc_vector_subcore>, window_params = [{transform_indices = #map}, {transform_indices = #map1}, {transform_indices = #map1}, {transform_indices = #map}, {transform_indices = #map1}]} {
    %mul3A = arith.constant 2 : i32
    %mul3A_0 = arith.muli %arg1, %mul3A : i32
    %add3A = arith.addi %mul3A_0, %arg0 : i32
    %mul3A_1 = arith.constant 632 : i32
    %mul3A_2 = arith.muli %arg1, %mul3A_1 : i32
    "tpu.region"() ({
      %run_scoped3A = tpu.sem_alloc : memref<!tpu.dma_semaphore, #tpu.memory_space<semaphore_mem>>
      %dma_start3A_32 = arith.constant 0 : i32
      %dma_start3A_33 = tpu.memref_slice %arg11[%mul3A_2, %dma_start3A_32] : memref<10112x128xf32, #tpu.memory_space<vmem_shared>> -> memref<632x128xf32, #tpu.memory_space<vmem_shared>>
      tpu.enqueue_dma source(%arg5 : memref<632x128xf32, #tpu.memory_space<hbm>>) target(%dma_start3A_33 : memref<632x128xf32, #tpu.memory_space<vmem_shared>>) target_semaphore(%run_scoped3A : memref<!tpu.dma_semaphore, #tpu.memory_space<semaphore_mem>>)
      %dma_wait3A = arith.constant 0 : i32
      %dma_wait3A_34 = tpu.memref_slice %arg11[%mul3A_2, %dma_wait3A] : memref<10112x128xf32, #tpu.memory_space<vmem_shared>> -> memref<632x128xf32, #tpu.memory_space<vmem_shared>>
      tpu.wait_dma2 semaphore(%run_scoped3A : memref<!tpu.dma_semaphore, #tpu.memory_space<semaphore_mem>>) src(%arg5 : memref<632x128xf32, #tpu.memory_space<hbm>>) dst(%dma_wait3A_34 : memref<632x128xf32, #tpu.memory_space<vmem_shared>>)
      tpu.yield
    }) : () -> ()
    %barrier3A = arith.constant 0 : index
    tpu.barrier barrier_id(%barrier3A)
    "tpu.region"() ({
      %run_scoped3A = tpu.sem_alloc : memref<!tpu.dma_semaphore, #tpu.memory_space<semaphore_mem>>
      %dma_start3A_32 = arith.constant 0 : i32
      %dma_start3A_33 = arith.constant 0 : i32
      %dma_start3A_34 = tpu.memref_slice %arg3[%add3A, %dma_start3A_32, %dma_start3A_33] : memref<32x80x128xi32, #tpu.memory_space<hbm>> -> memref<1x40x128xi32, #tpu.memory_space<hbm>>
      %dma_start3A_35 = tpu.memref_squeeze %dma_start3A_34 : memref<1x40x128xi32, #tpu.memory_space<hbm>> -> memref<40x128xi32, #tpu.memory_space<hbm>>
      %dma_start3A_36 = arith.constant 0 : i32
      %dma_start3A_37 = arith.constant 0 : i32
      %dma_start3A_38 = tpu.memref_slice %arg3[%add3A, %dma_start3A_36, %dma_start3A_37] : memref<32x80x128xi32, #tpu.memory_space<hbm>> -> memref<1x40x128xi32, #tpu.memory_space<hbm>>
      %dma_start3A_39 = tpu.memref_squeeze %dma_start3A_38 : memref<1x40x128xi32, #tpu.memory_space<hbm>> -> memref<40x128xi32, #tpu.memory_space<hbm>>
      tpu.enqueue_dma source(%dma_start3A_39 : memref<40x128xi32, #tpu.memory_space<hbm>>) target(%arg7 : memref<40x128xi32, #tpu.memory_space<vmem>>) target_semaphore(%run_scoped3A : memref<!tpu.dma_semaphore, #tpu.memory_space<semaphore_mem>>)
      %dma_wait3A = arith.constant 0 : i32
      %dma_wait3A_40 = arith.constant 0 : i32
      %dma_wait3A_41 = tpu.memref_slice %arg3[%add3A, %dma_wait3A, %dma_wait3A_40] : memref<32x80x128xi32, #tpu.memory_space<hbm>> -> memref<1x40x128xi32, #tpu.memory_space<hbm>>
      %dma_wait3A_42 = tpu.memref_squeeze %dma_wait3A_41 : memref<1x40x128xi32, #tpu.memory_space<hbm>> -> memref<40x128xi32, #tpu.memory_space<hbm>>
      %dma_wait3A_43 = arith.constant 0 : i32
      %dma_wait3A_44 = arith.constant 0 : i32
      %dma_wait3A_45 = tpu.memref_slice %arg3[%add3A, %dma_wait3A_43, %dma_wait3A_44] : memref<32x80x128xi32, #tpu.memory_space<hbm>> -> memref<1x40x128xi32, #tpu.memory_space<hbm>>
      %dma_wait3A_46 = tpu.memref_squeeze %dma_wait3A_45 : memref<1x40x128xi32, #tpu.memory_space<hbm>> -> memref<40x128xi32, #tpu.memory_space<hbm>>
      tpu.wait_dma2 semaphore(%run_scoped3A : memref<!tpu.dma_semaphore, #tpu.memory_space<semaphore_mem>>) src(%dma_wait3A_46 : memref<40x128xi32, #tpu.memory_space<hbm>>) dst(%arg7 : memref<40x128xi32, #tpu.memory_space<vmem>>)
      tpu.yield
    }) : () -> ()
    "tpu.region"() ({
      %run_scoped3A = tpu.sem_alloc : memref<!tpu.dma_semaphore, #tpu.memory_space<semaphore_mem>>
      %dma_start3A_32 = arith.constant 0 : i32
      %dma_start3A_33 = arith.constant 0 : i32
      %dma_start3A_34 = tpu.memref_slice %arg4[%add3A, %dma_start3A_32, %dma_start3A_33] : memref<32x80x128xi32, #tpu.memory_space<hbm>> -> memref<1x40x128xi32, #tpu.memory_space<hbm>>
      %dma_start3A_35 = tpu.memref_squeeze %dma_start3A_34 : memref<1x40x128xi32, #tpu.memory_space<hbm>> -> memref<40x128xi32, #tpu.memory_space<hbm>>
      %dma_start3A_36 = arith.constant 0 : i32
      %dma_start3A_37 = arith.constant 0 : i32
      %dma_start3A_38 = tpu.memref_slice %arg4[%add3A, %dma_start3A_36, %dma_start3A_37] : memref<32x80x128xi32, #tpu.memory_space<hbm>> -> memref<1x40x128xi32, #tpu.memory_space<hbm>>
      %dma_start3A_39 = tpu.memref_squeeze %dma_start3A_38 : memref<1x40x128xi32, #tpu.memory_space<hbm>> -> memref<40x128xi32, #tpu.memory_space<hbm>>
      tpu.enqueue_dma source(%dma_start3A_39 : memref<40x128xi32, #tpu.memory_space<hbm>>) target(%arg8 : memref<40x128xi32, #tpu.memory_space<vmem>>) target_semaphore(%run_scoped3A : memref<!tpu.dma_semaphore, #tpu.memory_space<semaphore_mem>>)
      %dma_wait3A = arith.constant 0 : i32
      %dma_wait3A_40 = arith.constant 0 : i32
      %dma_wait3A_41 = tpu.memref_slice %arg4[%add3A, %dma_wait3A, %dma_wait3A_40] : memref<32x80x128xi32, #tpu.memory_space<hbm>> -> memref<1x40x128xi32, #tpu.memory_space<hbm>>
      %dma_wait3A_42 = tpu.memref_squeeze %dma_wait3A_41 : memref<1x40x128xi32, #tpu.memory_space<hbm>> -> memref<40x128xi32, #tpu.memory_space<hbm>>
      %dma_wait3A_43 = arith.constant 0 : i32
      %dma_wait3A_44 = arith.constant 0 : i32
      %dma_wait3A_45 = tpu.memref_slice %arg4[%add3A, %dma_wait3A_43, %dma_wait3A_44] : memref<32x80x128xi32, #tpu.memory_space<hbm>> -> memref<1x40x128xi32, #tpu.memory_space<hbm>>
      %dma_wait3A_46 = tpu.memref_squeeze %dma_wait3A_45 : memref<1x40x128xi32, #tpu.memory_space<hbm>> -> memref<40x128xi32, #tpu.memory_space<hbm>>
      tpu.wait_dma2 semaphore(%run_scoped3A : memref<!tpu.dma_semaphore, #tpu.memory_space<semaphore_mem>>) src(%dma_wait3A_46 : memref<40x128xi32, #tpu.memory_space<hbm>>) dst(%arg8 : memref<40x128xi32, #tpu.memory_space<vmem>>)
      tpu.yield
    }) : () -> ()
    %dma_start3A = arith.constant 0 : i32
    %dma_start3A_3 = arith.constant 0 : i32
    %dma_start3A_4 = tpu.memref_slice %arg7[%dma_start3A, %dma_start3A_3] : memref<40x128xi32, #tpu.memory_space<vmem>> -> memref<1x128xi32, #tpu.memory_space<vmem>>
    %dma_start3A_5 = tpu.memref_squeeze %dma_start3A_4 : memref<1x128xi32, #tpu.memory_space<vmem>> -> memref<128xi32, #tpu.memory_space<vmem>>
    %dma_start3A_6 = arith.constant 0 : i32
    %dma_start3A_7 = arith.constant 0 : i32
    %dma_start3A_8 = tpu.memref_slice %arg2[%dma_start3A_6, %dma_start3A_7] : memref<10000x128xf32, #tpu.memory_space<hbm>> -> memref<10000x128xf32, #tpu.memory_space<hbm>>
    tpu.enqueue_indirect_dma source(%dma_start3A_8 : memref<10000x128xf32, #tpu.memory_space<hbm>>) target(%arg9 : memref<128x128xf32, #tpu.memory_space<vmem>>) offsets(%dma_start3A_5 : memref<128xi32, #tpu.memory_space<vmem>>) semaphore(%arg12 : memref<!tpu.dma_semaphore, #tpu.memory_space<semaphore_mem>>)
    %scan3A = arith.constant 0 : i32
    %scan3A_9 = arith.constant 0 : i32
    %scan3A_10 = arith.constant 20 : i32
    %scan3A_11 = arith.addi %scan3A_9, %scan3A_10 : i32
    %scan3A_12 = arith.constant 1 : i32
    scf.for %scan3A_32 = %scan3A_9 to %scan3A_11 step %scan3A_12  : i32 {
      %mul3A_33 = arith.constant 2 : i32
      %mul3A_34 = arith.muli %scan3A_32, %mul3A_33 : i32
      %add3A_35 = arith.constant 1 : i32
      %add3A_36 = arith.addi %mul3A_34, %add3A_35 : i32
      %dma_start3A_37 = arith.constant 0 : i32
      %dma_start3A_38 = tpu.memref_slice %arg7[%add3A_36, %dma_start3A_37] : memref<40x128xi32, #tpu.memory_space<vmem>> -> memref<1x128xi32, #tpu.memory_space<vmem>>
      %dma_start3A_39 = tpu.memref_squeeze %dma_start3A_38 : memref<1x128xi32, #tpu.memory_space<vmem>> -> memref<128xi32, #tpu.memory_space<vmem>>
      %dma_start3A_40 = arith.constant 0 : i32
      %dma_start3A_41 = arith.constant 0 : i32
      %dma_start3A_42 = tpu.memref_slice %arg2[%dma_start3A_40, %dma_start3A_41] : memref<10000x128xf32, #tpu.memory_space<hbm>> -> memref<10000x128xf32, #tpu.memory_space<hbm>>
      tpu.enqueue_indirect_dma source(%dma_start3A_42 : memref<10000x128xf32, #tpu.memory_space<hbm>>) target(%arg10 : memref<128x128xf32, #tpu.memory_space<vmem>>) offsets(%dma_start3A_39 : memref<128xi32, #tpu.memory_space<vmem>>) semaphore(%arg13 : memref<!tpu.dma_semaphore, #tpu.memory_space<semaphore_mem>>)
      %dma_wait3A = arith.constant 0 : i32
      %dma_wait3A_43 = tpu.memref_slice %arg7[%mul3A_34, %dma_wait3A] : memref<40x128xi32, #tpu.memory_space<vmem>> -> memref<1x128xi32, #tpu.memory_space<vmem>>
      %dma_wait3A_44 = tpu.memref_squeeze %dma_wait3A_43 : memref<1x128xi32, #tpu.memory_space<vmem>> -> memref<128xi32, #tpu.memory_space<vmem>>
      %dma_wait3A_45 = arith.constant 0 : i32
      %dma_wait3A_46 = arith.constant 0 : i32
      %dma_wait3A_47 = tpu.memref_slice %arg2[%dma_wait3A_45, %dma_wait3A_46] : memref<10000x128xf32, #tpu.memory_space<hbm>> -> memref<10000x128xf32, #tpu.memory_space<hbm>>
      tpu.wait_indirect_dma semaphore(%arg12 : memref<!tpu.dma_semaphore, #tpu.memory_space<semaphore_mem>>) src(%dma_wait3A_47 : memref<10000x128xf32, #tpu.memory_space<hbm>>) dst(%arg9 : memref<128x128xf32, #tpu.memory_space<vmem>>)
      "tpu.region"() ({
        %run_scoped3A = tpu.sem_alloc : memref<!tpu.dma_semaphore, #tpu.memory_space<semaphore_mem>>
        %dma_start3A_58 = arith.constant 0 : i32
        %dma_start3A_59 = tpu.memref_slice %arg8[%mul3A_34, %dma_start3A_58] : memref<40x128xi32, #tpu.memory_space<vmem>> -> memref<1x128xi32, #tpu.memory_space<vmem>>
        %dma_start3A_60 = tpu.memref_squeeze %dma_start3A_59 : memref<1x128xi32, #tpu.memory_space<vmem>> -> memref<128xi32, #tpu.memory_space<vmem>>
        %dma_start3A_61 = arith.constant 0 : i32
        %dma_start3A_62 = arith.constant 0 : i32
        %dma_start3A_63 = tpu.memref_slice %arg11[%dma_start3A_61, %dma_start3A_62] : memref<10112x128xf32, #tpu.memory_space<vmem_shared>> -> memref<10112x128xf32, #tpu.memory_space<vmem_shared>>
        tpu.enqueue_indirect_dma source(%arg9 : memref<128x128xf32, #tpu.memory_space<vmem>>) target(%dma_start3A_63 : memref<10112x128xf32, #tpu.memory_space<vmem_shared>>) offsets(%dma_start3A_60 : memref<128xi32, #tpu.memory_space<vmem>>) semaphore(%run_scoped3A : memref<!tpu.dma_semaphore, #tpu.memory_space<semaphore_mem>>) {add = true}
        %dma_wait3A_64 = arith.constant 0 : i32
        %dma_wait3A_65 = tpu.memref_slice %arg8[%mul3A_34, %dma_wait3A_64] : memref<40x128xi32, #tpu.memory_space<vmem>> -> memref<1x128xi32, #tpu.memory_space<vmem>>
        %dma_wait3A_66 = tpu.memref_squeeze %dma_wait3A_65 : memref<1x128xi32, #tpu.memory_space<vmem>> -> memref<128xi32, #tpu.memory_space<vmem>>
        %dma_wait3A_67 = arith.constant 0 : i32
        %dma_wait3A_68 = arith.constant 0 : i32
        %dma_wait3A_69 = tpu.memref_slice %arg11[%dma_wait3A_67, %dma_wait3A_68] : memref<10112x128xf32, #tpu.memory_space<vmem_shared>> -> memref<10112x128xf32, #tpu.memory_space<vmem_shared>>
        tpu.wait_indirect_dma semaphore(%run_scoped3A : memref<!tpu.dma_semaphore, #tpu.memory_space<semaphore_mem>>) src(%arg9 : memref<128x128xf32, #tpu.memory_space<vmem>>) dst(%dma_wait3A_69 : memref<10112x128xf32, #tpu.memory_space<vmem_shared>>)
        tpu.yield
      }) : () -> ()
      %add3A_48 = arith.constant 1 : i32
      %add3A_49 = arith.addi %scan3A_32, %add3A_48 : i32
      %lt3A = arith.constant 20 : i32
      %lt3A_50 = arith.cmpi slt, %add3A_49, %lt3A : i32
      %convert_element_type3A = arith.extui %lt3A_50 : i1 to i32
      %cond3A = arith.constant 0 : i32
      %cond3A_51 = arith.cmpi ne, %convert_element_type3A, %cond3A : i32
      scf.if %cond3A_51 {
        %add3A_58 = arith.constant 2 : i32
        %add3A_59 = arith.addi %mul3A_34, %add3A_58 : i32
        %dma_start3A_60 = arith.constant 0 : i32
        %dma_start3A_61 = tpu.memref_slice %arg7[%add3A_59, %dma_start3A_60] : memref<40x128xi32, #tpu.memory_space<vmem>> -> memref<1x128xi32, #tpu.memory_space<vmem>>
        %dma_start3A_62 = tpu.memref_squeeze %dma_start3A_61 : memref<1x128xi32, #tpu.memory_space<vmem>> -> memref<128xi32, #tpu.memory_space<vmem>>
        %dma_start3A_63 = arith.constant 0 : i32
        %dma_start3A_64 = arith.constant 0 : i32
        %dma_start3A_65 = tpu.memref_slice %arg2[%dma_start3A_63, %dma_start3A_64] : memref<10000x128xf32, #tpu.memory_space<hbm>> -> memref<10000x128xf32, #tpu.memory_space<hbm>>
        tpu.enqueue_indirect_dma source(%dma_start3A_65 : memref<10000x128xf32, #tpu.memory_space<hbm>>) target(%arg9 : memref<128x128xf32, #tpu.memory_space<vmem>>) offsets(%dma_start3A_62 : memref<128xi32, #tpu.memory_space<vmem>>) semaphore(%arg12 : memref<!tpu.dma_semaphore, #tpu.memory_space<semaphore_mem>>)
      } else {
      }
      %dma_wait3A_52 = arith.constant 0 : i32
      %dma_wait3A_53 = tpu.memref_slice %arg7[%add3A_36, %dma_wait3A_52] : memref<40x128xi32, #tpu.memory_space<vmem>> -> memref<1x128xi32, #tpu.memory_space<vmem>>
      %dma_wait3A_54 = tpu.memref_squeeze %dma_wait3A_53 : memref<1x128xi32, #tpu.memory_space<vmem>> -> memref<128xi32, #tpu.memory_space<vmem>>
      %dma_wait3A_55 = arith.constant 0 : i32
      %dma_wait3A_56 = arith.constant 0 : i32
      %dma_wait3A_57 = tpu.memref_slice %arg2[%dma_wait3A_55, %dma_wait3A_56] : memref<10000x128xf32, #tpu.memory_space<hbm>> -> memref<10000x128xf32, #tpu.memory_space<hbm>>
      tpu.wait_indirect_dma semaphore(%arg13 : memref<!tpu.dma_semaphore, #tpu.memory_space<semaphore_mem>>) src(%dma_wait3A_57 : memref<10000x128xf32, #tpu.memory_space<hbm>>) dst(%arg10 : memref<128x128xf32, #tpu.memory_space<vmem>>)
      "tpu.region"() ({
        %run_scoped3A = tpu.sem_alloc : memref<!tpu.dma_semaphore, #tpu.memory_space<semaphore_mem>>
        %dma_start3A_58 = arith.constant 0 : i32
        %dma_start3A_59 = tpu.memref_slice %arg8[%add3A_36, %dma_start3A_58] : memref<40x128xi32, #tpu.memory_space<vmem>> -> memref<1x128xi32, #tpu.memory_space<vmem>>
        %dma_start3A_60 = tpu.memref_squeeze %dma_start3A_59 : memref<1x128xi32, #tpu.memory_space<vmem>> -> memref<128xi32, #tpu.memory_space<vmem>>
        %dma_start3A_61 = arith.constant 0 : i32
        %dma_start3A_62 = arith.constant 0 : i32
        %dma_start3A_63 = tpu.memref_slice %arg11[%dma_start3A_61, %dma_start3A_62] : memref<10112x128xf32, #tpu.memory_space<vmem_shared>> -> memref<10112x128xf32, #tpu.memory_space<vmem_shared>>
        tpu.enqueue_indirect_dma source(%arg10 : memref<128x128xf32, #tpu.memory_space<vmem>>) target(%dma_start3A_63 : memref<10112x128xf32, #tpu.memory_space<vmem_shared>>) offsets(%dma_start3A_60 : memref<128xi32, #tpu.memory_space<vmem>>) semaphore(%run_scoped3A : memref<!tpu.dma_semaphore, #tpu.memory_space<semaphore_mem>>) {add = true}
        %dma_wait3A_64 = arith.constant 0 : i32
        %dma_wait3A_65 = tpu.memref_slice %arg8[%add3A_36, %dma_wait3A_64] : memref<40x128xi32, #tpu.memory_space<vmem>> -> memref<1x128xi32, #tpu.memory_space<vmem>>
        %dma_wait3A_66 = tpu.memref_squeeze %dma_wait3A_65 : memref<1x128xi32, #tpu.memory_space<vmem>> -> memref<128xi32, #tpu.memory_space<vmem>>
        %dma_wait3A_67 = arith.constant 0 : i32
        %dma_wait3A_68 = arith.constant 0 : i32
        %dma_wait3A_69 = tpu.memref_slice %arg11[%dma_wait3A_67, %dma_wait3A_68] : memref<10112x128xf32, #tpu.memory_space<vmem_shared>> -> memref<10112x128xf32, #tpu.memory_space<vmem_shared>>
        tpu.wait_indirect_dma semaphore(%run_scoped3A : memref<!tpu.dma_semaphore, #tpu.memory_space<semaphore_mem>>) src(%arg10 : memref<128x128xf32, #tpu.memory_space<vmem>>) dst(%dma_wait3A_69 : memref<10112x128xf32, #tpu.memory_space<vmem_shared>>)
        tpu.yield
      }) : () -> ()
    }
    %scan3A_13 = arith.constant 20 : i32
    "tpu.region"() ({
      %run_scoped3A = tpu.sem_alloc : memref<!tpu.dma_semaphore, #tpu.memory_space<semaphore_mem>>
      %dma_start3A_32 = arith.constant 40 : i32
      %dma_start3A_33 = arith.constant 0 : i32
      %dma_start3A_34 = tpu.memref_slice %arg3[%add3A, %dma_start3A_32, %dma_start3A_33] : memref<32x80x128xi32, #tpu.memory_space<hbm>> -> memref<1x40x128xi32, #tpu.memory_space<hbm>>
      %dma_start3A_35 = tpu.memref_squeeze %dma_start3A_34 : memref<1x40x128xi32, #tpu.memory_space<hbm>> -> memref<40x128xi32, #tpu.memory_space<hbm>>
      %dma_start3A_36 = arith.constant 40 : i32
      %dma_start3A_37 = arith.constant 0 : i32
      %dma_start3A_38 = tpu.memref_slice %arg3[%add3A, %dma_start3A_36, %dma_start3A_37] : memref<32x80x128xi32, #tpu.memory_space<hbm>> -> memref<1x40x128xi32, #tpu.memory_space<hbm>>
      %dma_start3A_39 = tpu.memref_squeeze %dma_start3A_38 : memref<1x40x128xi32, #tpu.memory_space<hbm>> -> memref<40x128xi32, #tpu.memory_space<hbm>>
      tpu.enqueue_dma source(%dma_start3A_39 : memref<40x128xi32, #tpu.memory_space<hbm>>) target(%arg7 : memref<40x128xi32, #tpu.memory_space<vmem>>) target_semaphore(%run_scoped3A : memref<!tpu.dma_semaphore, #tpu.memory_space<semaphore_mem>>)
      %dma_wait3A = arith.constant 40 : i32
      %dma_wait3A_40 = arith.constant 0 : i32
      %dma_wait3A_41 = tpu.memref_slice %arg3[%add3A, %dma_wait3A, %dma_wait3A_40] : memref<32x80x128xi32, #tpu.memory_space<hbm>> -> memref<1x40x128xi32, #tpu.memory_space<hbm>>
      %dma_wait3A_42 = tpu.memref_squeeze %dma_wait3A_41 : memref<1x40x128xi32, #tpu.memory_space<hbm>> -> memref<40x128xi32, #tpu.memory_space<hbm>>
      %dma_wait3A_43 = arith.constant 40 : i32
      %dma_wait3A_44 = arith.constant 0 : i32
      %dma_wait3A_45 = tpu.memref_slice %arg3[%add3A, %dma_wait3A_43, %dma_wait3A_44] : memref<32x80x128xi32, #tpu.memory_space<hbm>> -> memref<1x40x128xi32, #tpu.memory_space<hbm>>
      %dma_wait3A_46 = tpu.memref_squeeze %dma_wait3A_45 : memref<1x40x128xi32, #tpu.memory_space<hbm>> -> memref<40x128xi32, #tpu.memory_space<hbm>>
      tpu.wait_dma2 semaphore(%run_scoped3A : memref<!tpu.dma_semaphore, #tpu.memory_space<semaphore_mem>>) src(%dma_wait3A_46 : memref<40x128xi32, #tpu.memory_space<hbm>>) dst(%arg7 : memref<40x128xi32, #tpu.memory_space<vmem>>)
      tpu.yield
    }) : () -> ()
    "tpu.region"() ({
      %run_scoped3A = tpu.sem_alloc : memref<!tpu.dma_semaphore, #tpu.memory_space<semaphore_mem>>
      %dma_start3A_32 = arith.constant 40 : i32
      %dma_start3A_33 = arith.constant 0 : i32
      %dma_start3A_34 = tpu.memref_slice %arg4[%add3A, %dma_start3A_32, %dma_start3A_33] : memref<32x80x128xi32, #tpu.memory_space<hbm>> -> memref<1x40x128xi32, #tpu.memory_space<hbm>>
      %dma_start3A_35 = tpu.memref_squeeze %dma_start3A_34 : memref<1x40x128xi32, #tpu.memory_space<hbm>> -> memref<40x128xi32, #tpu.memory_space<hbm>>
      %dma_start3A_36 = arith.constant 40 : i32
      %dma_start3A_37 = arith.constant 0 : i32
      %dma_start3A_38 = tpu.memref_slice %arg4[%add3A, %dma_start3A_36, %dma_start3A_37] : memref<32x80x128xi32, #tpu.memory_space<hbm>> -> memref<1x40x128xi32, #tpu.memory_space<hbm>>
      %dma_start3A_39 = tpu.memref_squeeze %dma_start3A_38 : memref<1x40x128xi32, #tpu.memory_space<hbm>> -> memref<40x128xi32, #tpu.memory_space<hbm>>
      tpu.enqueue_dma source(%dma_start3A_39 : memref<40x128xi32, #tpu.memory_space<hbm>>) target(%arg8 : memref<40x128xi32, #tpu.memory_space<vmem>>) target_semaphore(%run_scoped3A : memref<!tpu.dma_semaphore, #tpu.memory_space<semaphore_mem>>)
      %dma_wait3A = arith.constant 40 : i32
      %dma_wait3A_40 = arith.constant 0 : i32
      %dma_wait3A_41 = tpu.memref_slice %arg4[%add3A, %dma_wait3A, %dma_wait3A_40] : memref<32x80x128xi32, #tpu.memory_space<hbm>> -> memref<1x40x128xi32, #tpu.memory_space<hbm>>
      %dma_wait3A_42 = tpu.memref_squeeze %dma_wait3A_41 : memref<1x40x128xi32, #tpu.memory_space<hbm>> -> memref<40x128xi32, #tpu.memory_space<hbm>>
      %dma_wait3A_43 = arith.constant 40 : i32
      %dma_wait3A_44 = arith.constant 0 : i32
      %dma_wait3A_45 = tpu.memref_slice %arg4[%add3A, %dma_wait3A_43, %dma_wait3A_44] : memref<32x80x128xi32, #tpu.memory_space<hbm>> -> memref<1x40x128xi32, #tpu.memory_space<hbm>>
      %dma_wait3A_46 = tpu.memref_squeeze %dma_wait3A_45 : memref<1x40x128xi32, #tpu.memory_space<hbm>> -> memref<40x128xi32, #tpu.memory_space<hbm>>
      tpu.wait_dma2 semaphore(%run_scoped3A : memref<!tpu.dma_semaphore, #tpu.memory_space<semaphore_mem>>) src(%dma_wait3A_46 : memref<40x128xi32, #tpu.memory_space<hbm>>) dst(%arg8 : memref<40x128xi32, #tpu.memory_space<vmem>>)
      tpu.yield
    }) : () -> ()
    %dma_start3A_14 = arith.constant 0 : i32
    %dma_start3A_15 = arith.constant 0 : i32
    %dma_start3A_16 = tpu.memref_slice %arg7[%dma_start3A_14, %dma_start3A_15] : memref<40x128xi32, #tpu.memory_space<vmem>> -> memref<1x128xi32, #tpu.memory_space<vmem>>
    %dma_start3A_17 = tpu.memref_squeeze %dma_start3A_16 : memref<1x128xi32, #tpu.memory_space<vmem>> -> memref<128xi32, #tpu.memory_space<vmem>>
    %dma_start3A_18 = arith.constant 0 : i32
    %dma_start3A_19 = arith.constant 0 : i32
    %dma_start3A_20 = tpu.memref_slice %arg2[%dma_start3A_18, %dma_start3A_19] : memref<10000x128xf32, #tpu.memory_space<hbm>> -> memref<10000x128xf32, #tpu.memory_space<hbm>>
    tpu.enqueue_indirect_dma source(%dma_start3A_20 : memref<10000x128xf32, #tpu.memory_space<hbm>>) target(%arg9 : memref<128x128xf32, #tpu.memory_space<vmem>>) offsets(%dma_start3A_17 : memref<128xi32, #tpu.memory_space<vmem>>) semaphore(%arg12 : memref<!tpu.dma_semaphore, #tpu.memory_space<semaphore_mem>>)
    %scan3A_21 = arith.constant 0 : i32
    %scan3A_22 = arith.constant 0 : i32
    %scan3A_23 = arith.constant 20 : i32
    %scan3A_24 = arith.addi %scan3A_22, %scan3A_23 : i32
    %scan3A_25 = arith.constant 1 : i32
    scf.for %scan3A_32 = %scan3A_22 to %scan3A_24 step %scan3A_25  : i32 {
      %mul3A_33 = arith.constant 2 : i32
      %mul3A_34 = arith.muli %scan3A_32, %mul3A_33 : i32
      %add3A_35 = arith.constant 1 : i32
      %add3A_36 = arith.addi %mul3A_34, %add3A_35 : i32
      %dma_start3A_37 = arith.constant 0 : i32
      %dma_start3A_38 = tpu.memref_slice %arg7[%add3A_36, %dma_start3A_37] : memref<40x128xi32, #tpu.memory_space<vmem>> -> memref<1x128xi32, #tpu.memory_space<vmem>>
      %dma_start3A_39 = tpu.memref_squeeze %dma_start3A_38 : memref<1x128xi32, #tpu.memory_space<vmem>> -> memref<128xi32, #tpu.memory_space<vmem>>
      %dma_start3A_40 = arith.constant 0 : i32
      %dma_start3A_41 = arith.constant 0 : i32
      %dma_start3A_42 = tpu.memref_slice %arg2[%dma_start3A_40, %dma_start3A_41] : memref<10000x128xf32, #tpu.memory_space<hbm>> -> memref<10000x128xf32, #tpu.memory_space<hbm>>
      tpu.enqueue_indirect_dma source(%dma_start3A_42 : memref<10000x128xf32, #tpu.memory_space<hbm>>) target(%arg10 : memref<128x128xf32, #tpu.memory_space<vmem>>) offsets(%dma_start3A_39 : memref<128xi32, #tpu.memory_space<vmem>>) semaphore(%arg13 : memref<!tpu.dma_semaphore, #tpu.memory_space<semaphore_mem>>)
      %dma_wait3A = arith.constant 0 : i32
      %dma_wait3A_43 = tpu.memref_slice %arg7[%mul3A_34, %dma_wait3A] : memref<40x128xi32, #tpu.memory_space<vmem>> -> memref<1x128xi32, #tpu.memory_space<vmem>>
      %dma_wait3A_44 = tpu.memref_squeeze %dma_wait3A_43 : memref<1x128xi32, #tpu.memory_space<vmem>> -> memref<128xi32, #tpu.memory_space<vmem>>
      %dma_wait3A_45 = arith.constant 0 : i32
      %dma_wait3A_46 = arith.constant 0 : i32
      %dma_wait3A_47 = tpu.memref_slice %arg2[%dma_wait3A_45, %dma_wait3A_46] : memref<10000x128xf32, #tpu.memory_space<hbm>> -> memref<10000x128xf32, #tpu.memory_space<hbm>>
      tpu.wait_indirect_dma semaphore(%arg12 : memref<!tpu.dma_semaphore, #tpu.memory_space<semaphore_mem>>) src(%dma_wait3A_47 : memref<10000x128xf32, #tpu.memory_space<hbm>>) dst(%arg9 : memref<128x128xf32, #tpu.memory_space<vmem>>)
      "tpu.region"() ({
        %run_scoped3A = tpu.sem_alloc : memref<!tpu.dma_semaphore, #tpu.memory_space<semaphore_mem>>
        %dma_start3A_58 = arith.constant 0 : i32
        %dma_start3A_59 = tpu.memref_slice %arg8[%mul3A_34, %dma_start3A_58] : memref<40x128xi32, #tpu.memory_space<vmem>> -> memref<1x128xi32, #tpu.memory_space<vmem>>
        %dma_start3A_60 = tpu.memref_squeeze %dma_start3A_59 : memref<1x128xi32, #tpu.memory_space<vmem>> -> memref<128xi32, #tpu.memory_space<vmem>>
        %dma_start3A_61 = arith.constant 0 : i32
        %dma_start3A_62 = arith.constant 0 : i32
        %dma_start3A_63 = tpu.memref_slice %arg11[%dma_start3A_61, %dma_start3A_62] : memref<10112x128xf32, #tpu.memory_space<vmem_shared>> -> memref<10112x128xf32, #tpu.memory_space<vmem_shared>>
        tpu.enqueue_indirect_dma source(%arg9 : memref<128x128xf32, #tpu.memory_space<vmem>>) target(%dma_start3A_63 : memref<10112x128xf32, #tpu.memory_space<vmem_shared>>) offsets(%dma_start3A_60 : memref<128xi32, #tpu.memory_space<vmem>>) semaphore(%run_scoped3A : memref<!tpu.dma_semaphore, #tpu.memory_space<semaphore_mem>>) {add = true}
        %dma_wait3A_64 = arith.constant 0 : i32
        %dma_wait3A_65 = tpu.memref_slice %arg8[%mul3A_34, %dma_wait3A_64] : memref<40x128xi32, #tpu.memory_space<vmem>> -> memref<1x128xi32, #tpu.memory_space<vmem>>
        %dma_wait3A_66 = tpu.memref_squeeze %dma_wait3A_65 : memref<1x128xi32, #tpu.memory_space<vmem>> -> memref<128xi32, #tpu.memory_space<vmem>>
        %dma_wait3A_67 = arith.constant 0 : i32
        %dma_wait3A_68 = arith.constant 0 : i32
        %dma_wait3A_69 = tpu.memref_slice %arg11[%dma_wait3A_67, %dma_wait3A_68] : memref<10112x128xf32, #tpu.memory_space<vmem_shared>> -> memref<10112x128xf32, #tpu.memory_space<vmem_shared>>
        tpu.wait_indirect_dma semaphore(%run_scoped3A : memref<!tpu.dma_semaphore, #tpu.memory_space<semaphore_mem>>) src(%arg9 : memref<128x128xf32, #tpu.memory_space<vmem>>) dst(%dma_wait3A_69 : memref<10112x128xf32, #tpu.memory_space<vmem_shared>>)
        tpu.yield
      }) : () -> ()
      %add3A_48 = arith.constant 1 : i32
      %add3A_49 = arith.addi %scan3A_32, %add3A_48 : i32
      %lt3A = arith.constant 20 : i32
      %lt3A_50 = arith.cmpi slt, %add3A_49, %lt3A : i32
      %convert_element_type3A = arith.extui %lt3A_50 : i1 to i32
      %cond3A = arith.constant 0 : i32
      %cond3A_51 = arith.cmpi ne, %convert_element_type3A, %cond3A : i32
      scf.if %cond3A_51 {
        %add3A_58 = arith.constant 2 : i32
        %add3A_59 = arith.addi %mul3A_34, %add3A_58 : i32
        %dma_start3A_60 = arith.constant 0 : i32
        %dma_start3A_61 = tpu.memref_slice %arg7[%add3A_59, %dma_start3A_60] : memref<40x128xi32, #tpu.memory_space<vmem>> -> memref<1x128xi32, #tpu.memory_space<vmem>>
        %dma_start3A_62 = tpu.memref_squeeze %dma_start3A_61 : memref<1x128xi32, #tpu.memory_space<vmem>> -> memref<128xi32, #tpu.memory_space<vmem>>
        %dma_start3A_63 = arith.constant 0 : i32
        %dma_start3A_64 = arith.constant 0 : i32
        %dma_start3A_65 = tpu.memref_slice %arg2[%dma_start3A_63, %dma_start3A_64] : memref<10000x128xf32, #tpu.memory_space<hbm>> -> memref<10000x128xf32, #tpu.memory_space<hbm>>
        tpu.enqueue_indirect_dma source(%dma_start3A_65 : memref<10000x128xf32, #tpu.memory_space<hbm>>) target(%arg9 : memref<128x128xf32, #tpu.memory_space<vmem>>) offsets(%dma_start3A_62 : memref<128xi32, #tpu.memory_space<vmem>>) semaphore(%arg12 : memref<!tpu.dma_semaphore, #tpu.memory_space<semaphore_mem>>)
      } else {
      }
      %dma_wait3A_52 = arith.constant 0 : i32
      %dma_wait3A_53 = tpu.memref_slice %arg7[%add3A_36, %dma_wait3A_52] : memref<40x128xi32, #tpu.memory_space<vmem>> -> memref<1x128xi32, #tpu.memory_space<vmem>>
      %dma_wait3A_54 = tpu.memref_squeeze %dma_wait3A_53 : memref<1x128xi32, #tpu.memory_space<vmem>> -> memref<128xi32, #tpu.memory_space<vmem>>
      %dma_wait3A_55 = arith.constant 0 : i32
      %dma_wait3A_56 = arith.constant 0 : i32
      %dma_wait3A_57 = tpu.memref_slice %arg2[%dma_wait3A_55, %dma_wait3A_56] : memref<10000x128xf32, #tpu.memory_space<hbm>> -> memref<10000x128xf32, #tpu.memory_space<hbm>>
      tpu.wait_indirect_dma semaphore(%arg13 : memref<!tpu.dma_semaphore, #tpu.memory_space<semaphore_mem>>) src(%dma_wait3A_57 : memref<10000x128xf32, #tpu.memory_space<hbm>>) dst(%arg10 : memref<128x128xf32, #tpu.memory_space<vmem>>)
      "tpu.region"() ({
        %run_scoped3A = tpu.sem_alloc : memref<!tpu.dma_semaphore, #tpu.memory_space<semaphore_mem>>
        %dma_start3A_58 = arith.constant 0 : i32
        %dma_start3A_59 = tpu.memref_slice %arg8[%add3A_36, %dma_start3A_58] : memref<40x128xi32, #tpu.memory_space<vmem>> -> memref<1x128xi32, #tpu.memory_space<vmem>>
        %dma_start3A_60 = tpu.memref_squeeze %dma_start3A_59 : memref<1x128xi32, #tpu.memory_space<vmem>> -> memref<128xi32, #tpu.memory_space<vmem>>
        %dma_start3A_61 = arith.constant 0 : i32
        %dma_start3A_62 = arith.constant 0 : i32
        %dma_start3A_63 = tpu.memref_slice %arg11[%dma_start3A_61, %dma_start3A_62] : memref<10112x128xf32, #tpu.memory_space<vmem_shared>> -> memref<10112x128xf32, #tpu.memory_space<vmem_shared>>
        tpu.enqueue_indirect_dma source(%arg10 : memref<128x128xf32, #tpu.memory_space<vmem>>) target(%dma_start3A_63 : memref<10112x128xf32, #tpu.memory_space<vmem_shared>>) offsets(%dma_start3A_60 : memref<128xi32, #tpu.memory_space<vmem>>) semaphore(%run_scoped3A : memref<!tpu.dma_semaphore, #tpu.memory_space<semaphore_mem>>) {add = true}
        %dma_wait3A_64 = arith.constant 0 : i32
        %dma_wait3A_65 = tpu.memref_slice %arg8[%add3A_36, %dma_wait3A_64] : memref<40x128xi32, #tpu.memory_space<vmem>> -> memref<1x128xi32, #tpu.memory_space<vmem>>
        %dma_wait3A_66 = tpu.memref_squeeze %dma_wait3A_65 : memref<1x128xi32, #tpu.memory_space<vmem>> -> memref<128xi32, #tpu.memory_space<vmem>>
        %dma_wait3A_67 = arith.constant 0 : i32
        %dma_wait3A_68 = arith.constant 0 : i32
        %dma_wait3A_69 = tpu.memref_slice %arg11[%dma_wait3A_67, %dma_wait3A_68] : memref<10112x128xf32, #tpu.memory_space<vmem_shared>> -> memref<10112x128xf32, #tpu.memory_space<vmem_shared>>
        tpu.wait_indirect_dma semaphore(%run_scoped3A : memref<!tpu.dma_semaphore, #tpu.memory_space<semaphore_mem>>) src(%arg10 : memref<128x128xf32, #tpu.memory_space<vmem>>) dst(%dma_wait3A_69 : memref<10112x128xf32, #tpu.memory_space<vmem_shared>>)
        tpu.yield
      }) : () -> ()
    }
    %scan3A_26 = arith.constant 20 : i32
    %barrier3A_27 = arith.constant 0 : index
    tpu.barrier barrier_id(%barrier3A_27)
    %mul3A_28 = arith.constant 632 : i32
    %mul3A_29 = arith.muli %arg1, %mul3A_28 : i32
    %mul3A_30 = arith.constant 632 : i32
    %mul3A_31 = arith.muli %arg1, %mul3A_30 : i32
    "tpu.region"() ({
      %run_scoped3A = tpu.sem_alloc : memref<!tpu.dma_semaphore, #tpu.memory_space<semaphore_mem>>
      %dma_start3A_32 = arith.constant 0 : i32
      %dma_start3A_33 = tpu.memref_slice %arg6[%arg0, %mul3A_31, %dma_start3A_32] : memref<2x10112x128xf32, #tpu.memory_space<hbm>> -> memref<1x632x128xf32, #tpu.memory_space<hbm>>
      %dma_start3A_34 = tpu.memref_squeeze %dma_start3A_33 : memref<1x632x128xf32, #tpu.memory_space<hbm>> -> memref<632x128xf32, #tpu.memory_space<hbm>>
      %dma_start3A_35 = arith.constant 0 : i32
      %dma_start3A_36 = tpu.memref_slice %arg11[%mul3A_29, %dma_start3A_35] : memref<10112x128xf32, #tpu.memory_space<vmem_shared>> -> memref<632x128xf32, #tpu.memory_space<vmem_shared>>
      tpu.enqueue_dma source(%dma_start3A_36 : memref<632x128xf32, #tpu.memory_space<vmem_shared>>) target(%dma_start3A_34 : memref<632x128xf32, #tpu.memory_space<hbm>>) target_semaphore(%run_scoped3A : memref<!tpu.dma_semaphore, #tpu.memory_space<semaphore_mem>>)
      %dma_wait3A = arith.constant 0 : i32
      %dma_wait3A_37 = tpu.memref_slice %arg6[%arg0, %mul3A_31, %dma_wait3A] : memref<2x10112x128xf32, #tpu.memory_space<hbm>> -> memref<1x632x128xf32, #tpu.memory_space<hbm>>
      %dma_wait3A_38 = tpu.memref_squeeze %dma_wait3A_37 : memref<1x632x128xf32, #tpu.memory_space<hbm>> -> memref<632x128xf32, #tpu.memory_space<hbm>>
      %dma_wait3A_39 = arith.constant 0 : i32
      %dma_wait3A_40 = tpu.memref_slice %arg11[%mul3A_29, %dma_wait3A_39] : memref<10112x128xf32, #tpu.memory_space<vmem_shared>> -> memref<632x128xf32, #tpu.memory_space<vmem_shared>>
      tpu.wait_dma2 semaphore(%run_scoped3A : memref<!tpu.dma_semaphore, #tpu.memory_space<semaphore_mem>>) src(%dma_wait3A_40 : memref<632x128xf32, #tpu.memory_space<vmem_shared>>) dst(%dma_wait3A_38 : memref<632x128xf32, #tpu.memory_space<hbm>>)
      tpu.yield
    }) : () -> ()
    return
  }
}

#map = affine_map<(d0, d1) -> (0, 0)>
#map1 = affine_map<(d0, d1) -> (0, 0, 0)>
module attributes {stable_mosaic.version = 14 : i64} {
  func.func @_sc_body(%arg0: i32, %arg1: i32, %arg2: memref<10000x128xf32, #tpu.memory_space<hbm>>, %arg3: memref<32x80x128xi32, #tpu.memory_space<hbm>>, %arg4: memref<32x80x128xi32, #tpu.memory_space<hbm>>, %arg5: memref<632x128xf32, #tpu.memory_space<hbm>>, %arg6: memref<2x10112x128xf32, #tpu.memory_space<hbm>>, %arg7: memref<40x128xi32, #tpu.memory_space<vmem>>, %arg8: memref<40x128xi32, #tpu.memory_space<vmem>>, %arg9: memref<128x128xf32, #tpu.memory_space<vmem>>, %arg10: memref<128x128xf32, #tpu.memory_space<vmem>>, %arg11: memref<10112x128xf32, #tpu.memory_space<vmem_shared>>, %arg12: memref<!tpu.dma_semaphore, #tpu.memory_space<semaphore_mem>>, %arg13: memref<!tpu.dma_semaphore, #tpu.memory_space<semaphore_mem>>) attributes {dimension_semantics = [#tpu.dimension_semantics<core_parallel>, #tpu.dimension_semantics<subcore_parallel>], iteration_bounds = array<i64: 2, 16>, scalar_prefetch = 0 : i64, scratch_operands = 7 : i64, tpu.core_type = #tpu.core_type<sc_vector_subcore>, window_params = [{transform_indices = #map}, {transform_indices = #map1}, {transform_indices = #map1}, {transform_indices = #map}, {transform_indices = #map1}]} {
    %mul3A = arith.constant 2 : i32
    %mul3A_0 = arith.muli %arg1, %mul3A : i32
    %add3A = arith.addi %mul3A_0, %arg0 : i32
    %mul3A_1 = arith.constant 632 : i32
    %mul3A_2 = arith.muli %arg1, %mul3A_1 : i32
    "tpu.region"() ({
      %run_scoped3A = tpu.sem_alloc : memref<!tpu.dma_semaphore, #tpu.memory_space<semaphore_mem>>
      %dma_start3A_32 = arith.constant 0 : i32
      %dma_start3A_33 = tpu.memref_slice %arg11[%mul3A_2, %dma_start3A_32] : memref<10112x128xf32, #tpu.memory_space<vmem_shared>> -> memref<632x128xf32, #tpu.memory_space<vmem_shared>>
      tpu.enqueue_dma source(%arg5 : memref<632x128xf32, #tpu.memory_space<hbm>>) target(%dma_start3A_33 : memref<632x128xf32, #tpu.memory_space<vmem_shared>>) target_semaphore(%run_scoped3A : memref<!tpu.dma_semaphore, #tpu.memory_space<semaphore_mem>>)
      %dma_wait3A = arith.constant 0 : i32
      %dma_wait3A_34 = tpu.memref_slice %arg11[%mul3A_2, %dma_wait3A] : memref<10112x128xf32, #tpu.memory_space<vmem_shared>> -> memref<632x128xf32, #tpu.memory_space<vmem_shared>>
      tpu.wait_dma2 semaphore(%run_scoped3A : memref<!tpu.dma_semaphore, #tpu.memory_space<semaphore_mem>>) src(%arg5 : memref<632x128xf32, #tpu.memory_space<hbm>>) dst(%dma_wait3A_34 : memref<632x128xf32, #tpu.memory_space<vmem_shared>>)
      tpu.yield
    }) : () -> ()
    %barrier3A = arith.constant 0 : index
    tpu.barrier barrier_id(%barrier3A)
    "tpu.region"() ({
      %run_scoped3A = tpu.sem_alloc : memref<!tpu.dma_semaphore, #tpu.memory_space<semaphore_mem>>
      %dma_start3A_32 = arith.constant 0 : i32
      %dma_start3A_33 = arith.constant 0 : i32
      %dma_start3A_34 = tpu.memref_slice %arg3[%add3A, %dma_start3A_32, %dma_start3A_33] : memref<32x80x128xi32, #tpu.memory_space<hbm>> -> memref<1x40x128xi32, #tpu.memory_space<hbm>>
      %dma_start3A_35 = tpu.memref_squeeze %dma_start3A_34 : memref<1x40x128xi32, #tpu.memory_space<hbm>> -> memref<40x128xi32, #tpu.memory_space<hbm>>
      %dma_start3A_36 = arith.constant 0 : i32
      %dma_start3A_37 = arith.constant 0 : i32
      %dma_start3A_38 = tpu.memref_slice %arg3[%add3A, %dma_start3A_36, %dma_start3A_37] : memref<32x80x128xi32, #tpu.memory_space<hbm>> -> memref<1x40x128xi32, #tpu.memory_space<hbm>>
      %dma_start3A_39 = tpu.memref_squeeze %dma_start3A_38 : memref<1x40x128xi32, #tpu.memory_space<hbm>> -> memref<40x128xi32, #tpu.memory_space<hbm>>
      tpu.enqueue_dma source(%dma_start3A_39 : memref<40x128xi32, #tpu.memory_space<hbm>>) target(%arg7 : memref<40x128xi32, #tpu.memory_space<vmem>>) target_semaphore(%run_scoped3A : memref<!tpu.dma_semaphore, #tpu.memory_space<semaphore_mem>>)
      %dma_wait3A = arith.constant 0 : i32
      %dma_wait3A_40 = arith.constant 0 : i32
      %dma_wait3A_41 = tpu.memref_slice %arg3[%add3A, %dma_wait3A, %dma_wait3A_40] : memref<32x80x128xi32, #tpu.memory_space<hbm>> -> memref<1x40x128xi32, #tpu.memory_space<hbm>>
      %dma_wait3A_42 = tpu.memref_squeeze %dma_wait3A_41 : memref<1x40x128xi32, #tpu.memory_space<hbm>> -> memref<40x128xi32, #tpu.memory_space<hbm>>
      %dma_wait3A_43 = arith.constant 0 : i32
      %dma_wait3A_44 = arith.constant 0 : i32
      %dma_wait3A_45 = tpu.memref_slice %arg3[%add3A, %dma_wait3A_43, %dma_wait3A_44] : memref<32x80x128xi32, #tpu.memory_space<hbm>> -> memref<1x40x128xi32, #tpu.memory_space<hbm>>
      %dma_wait3A_46 = tpu.memref_squeeze %dma_wait3A_45 : memref<1x40x128xi32, #tpu.memory_space<hbm>> -> memref<40x128xi32, #tpu.memory_space<hbm>>
      tpu.wait_dma2 semaphore(%run_scoped3A : memref<!tpu.dma_semaphore, #tpu.memory_space<semaphore_mem>>) src(%dma_wait3A_46 : memref<40x128xi32, #tpu.memory_space<hbm>>) dst(%arg7 : memref<40x128xi32, #tpu.memory_space<vmem>>)
      tpu.yield
    }) : () -> ()
    "tpu.region"() ({
      %run_scoped3A = tpu.sem_alloc : memref<!tpu.dma_semaphore, #tpu.memory_space<semaphore_mem>>
      %dma_start3A_32 = arith.constant 0 : i32
      %dma_start3A_33 = arith.constant 0 : i32
      %dma_start3A_34 = tpu.memref_slice %arg4[%add3A, %dma_start3A_32, %dma_start3A_33] : memref<32x80x128xi32, #tpu.memory_space<hbm>> -> memref<1x40x128xi32, #tpu.memory_space<hbm>>
      %dma_start3A_35 = tpu.memref_squeeze %dma_start3A_34 : memref<1x40x128xi32, #tpu.memory_space<hbm>> -> memref<40x128xi32, #tpu.memory_space<hbm>>
      %dma_start3A_36 = arith.constant 0 : i32
      %dma_start3A_37 = arith.constant 0 : i32
      %dma_start3A_38 = tpu.memref_slice %arg4[%add3A, %dma_start3A_36, %dma_start3A_37] : memref<32x80x128xi32, #tpu.memory_space<hbm>> -> memref<1x40x128xi32, #tpu.memory_space<hbm>>
      %dma_start3A_39 = tpu.memref_squeeze %dma_start3A_38 : memref<1x40x128xi32, #tpu.memory_space<hbm>> -> memref<40x128xi32, #tpu.memory_space<hbm>>
      tpu.enqueue_dma source(%dma_start3A_39 : memref<40x128xi32, #tpu.memory_space<hbm>>) target(%arg8 : memref<40x128xi32, #tpu.memory_space<vmem>>) target_semaphore(%run_scoped3A : memref<!tpu.dma_semaphore, #tpu.memory_space<semaphore_mem>>)
      %dma_wait3A = arith.constant 0 : i32
      %dma_wait3A_40 = arith.constant 0 : i32
      %dma_wait3A_41 = tpu.memref_slice %arg4[%add3A, %dma_wait3A, %dma_wait3A_40] : memref<32x80x128xi32, #tpu.memory_space<hbm>> -> memref<1x40x128xi32, #tpu.memory_space<hbm>>
      %dma_wait3A_42 = tpu.memref_squeeze %dma_wait3A_41 : memref<1x40x128xi32, #tpu.memory_space<hbm>> -> memref<40x128xi32, #tpu.memory_space<hbm>>
      %dma_wait3A_43 = arith.constant 0 : i32
      %dma_wait3A_44 = arith.constant 0 : i32
      %dma_wait3A_45 = tpu.memref_slice %arg4[%add3A, %dma_wait3A_43, %dma_wait3A_44] : memref<32x80x128xi32, #tpu.memory_space<hbm>> -> memref<1x40x128xi32, #tpu.memory_space<hbm>>
      %dma_wait3A_46 = tpu.memref_squeeze %dma_wait3A_45 : memref<1x40x128xi32, #tpu.memory_space<hbm>> -> memref<40x128xi32, #tpu.memory_space<hbm>>
      tpu.wait_dma2 semaphore(%run_scoped3A : memref<!tpu.dma_semaphore, #tpu.memory_space<semaphore_mem>>) src(%dma_wait3A_46 : memref<40x128xi32, #tpu.memory_space<hbm>>) dst(%arg8 : memref<40x128xi32, #tpu.memory_space<vmem>>)
      tpu.yield
    }) : () -> ()
    %dma_start3A = arith.constant 0 : i32
    %dma_start3A_3 = arith.constant 0 : i32
    %dma_start3A_4 = tpu.memref_slice %arg7[%dma_start3A, %dma_start3A_3] : memref<40x128xi32, #tpu.memory_space<vmem>> -> memref<1x128xi32, #tpu.memory_space<vmem>>
    %dma_start3A_5 = tpu.memref_squeeze %dma_start3A_4 : memref<1x128xi32, #tpu.memory_space<vmem>> -> memref<128xi32, #tpu.memory_space<vmem>>
    %dma_start3A_6 = arith.constant 0 : i32
    %dma_start3A_7 = arith.constant 0 : i32
    %dma_start3A_8 = tpu.memref_slice %arg2[%dma_start3A_6, %dma_start3A_7] : memref<10000x128xf32, #tpu.memory_space<hbm>> -> memref<10000x128xf32, #tpu.memory_space<hbm>>
    tpu.enqueue_indirect_dma source(%dma_start3A_8 : memref<10000x128xf32, #tpu.memory_space<hbm>>) target(%arg9 : memref<128x128xf32, #tpu.memory_space<vmem>>) offsets(%dma_start3A_5 : memref<128xi32, #tpu.memory_space<vmem>>) semaphore(%arg12 : memref<!tpu.dma_semaphore, #tpu.memory_space<semaphore_mem>>)
    %scan3A = arith.constant 0 : i32
    %scan3A_9 = arith.constant 0 : i32
    %scan3A_10 = arith.constant 20 : i32
    %scan3A_11 = arith.addi %scan3A_9, %scan3A_10 : i32
    %scan3A_12 = arith.constant 1 : i32
    scf.for %scan3A_32 = %scan3A_9 to %scan3A_11 step %scan3A_12  : i32 {
      %mul3A_33 = arith.constant 2 : i32
      %mul3A_34 = arith.muli %scan3A_32, %mul3A_33 : i32
      %add3A_35 = arith.constant 1 : i32
      %add3A_36 = arith.addi %mul3A_34, %add3A_35 : i32
      %dma_start3A_37 = arith.constant 0 : i32
      %dma_start3A_38 = tpu.memref_slice %arg7[%add3A_36, %dma_start3A_37] : memref<40x128xi32, #tpu.memory_space<vmem>> -> memref<1x128xi32, #tpu.memory_space<vmem>>
      %dma_start3A_39 = tpu.memref_squeeze %dma_start3A_38 : memref<1x128xi32, #tpu.memory_space<vmem>> -> memref<128xi32, #tpu.memory_space<vmem>>
      %dma_start3A_40 = arith.constant 0 : i32
      %dma_start3A_41 = arith.constant 0 : i32
      %dma_start3A_42 = tpu.memref_slice %arg2[%dma_start3A_40, %dma_start3A_41] : memref<10000x128xf32, #tpu.memory_space<hbm>> -> memref<10000x128xf32, #tpu.memory_space<hbm>>
      tpu.enqueue_indirect_dma source(%dma_start3A_42 : memref<10000x128xf32, #tpu.memory_space<hbm>>) target(%arg10 : memref<128x128xf32, #tpu.memory_space<vmem>>) offsets(%dma_start3A_39 : memref<128xi32, #tpu.memory_space<vmem>>) semaphore(%arg13 : memref<!tpu.dma_semaphore, #tpu.memory_space<semaphore_mem>>)
      %dma_wait3A = arith.constant 0 : i32
      %dma_wait3A_43 = tpu.memref_slice %arg7[%mul3A_34, %dma_wait3A] : memref<40x128xi32, #tpu.memory_space<vmem>> -> memref<1x128xi32, #tpu.memory_space<vmem>>
      %dma_wait3A_44 = tpu.memref_squeeze %dma_wait3A_43 : memref<1x128xi32, #tpu.memory_space<vmem>> -> memref<128xi32, #tpu.memory_space<vmem>>
      %dma_wait3A_45 = arith.constant 0 : i32
      %dma_wait3A_46 = arith.constant 0 : i32
      %dma_wait3A_47 = tpu.memref_slice %arg2[%dma_wait3A_45, %dma_wait3A_46] : memref<10000x128xf32, #tpu.memory_space<hbm>> -> memref<10000x128xf32, #tpu.memory_space<hbm>>
      tpu.wait_indirect_dma semaphore(%arg12 : memref<!tpu.dma_semaphore, #tpu.memory_space<semaphore_mem>>) src(%dma_wait3A_47 : memref<10000x128xf32, #tpu.memory_space<hbm>>) dst(%arg9 : memref<128x128xf32, #tpu.memory_space<vmem>>)
      "tpu.region"() ({
        %run_scoped3A = tpu.sem_alloc : memref<!tpu.dma_semaphore, #tpu.memory_space<semaphore_mem>>
        %dma_start3A_58 = arith.constant 0 : i32
        %dma_start3A_59 = tpu.memref_slice %arg8[%mul3A_34, %dma_start3A_58] : memref<40x128xi32, #tpu.memory_space<vmem>> -> memref<1x128xi32, #tpu.memory_space<vmem>>
        %dma_start3A_60 = tpu.memref_squeeze %dma_start3A_59 : memref<1x128xi32, #tpu.memory_space<vmem>> -> memref<128xi32, #tpu.memory_space<vmem>>
        %dma_start3A_61 = arith.constant 0 : i32
        %dma_start3A_62 = arith.constant 0 : i32
        %dma_start3A_63 = tpu.memref_slice %arg11[%dma_start3A_61, %dma_start3A_62] : memref<10112x128xf32, #tpu.memory_space<vmem_shared>> -> memref<10112x128xf32, #tpu.memory_space<vmem_shared>>
        tpu.enqueue_indirect_dma source(%arg9 : memref<128x128xf32, #tpu.memory_space<vmem>>) target(%dma_start3A_63 : memref<10112x128xf32, #tpu.memory_space<vmem_shared>>) offsets(%dma_start3A_60 : memref<128xi32, #tpu.memory_space<vmem>>) semaphore(%run_scoped3A : memref<!tpu.dma_semaphore, #tpu.memory_space<semaphore_mem>>) {add = true}
        %dma_wait3A_64 = arith.constant 0 : i32
        %dma_wait3A_65 = tpu.memref_slice %arg8[%mul3A_34, %dma_wait3A_64] : memref<40x128xi32, #tpu.memory_space<vmem>> -> memref<1x128xi32, #tpu.memory_space<vmem>>
        %dma_wait3A_66 = tpu.memref_squeeze %dma_wait3A_65 : memref<1x128xi32, #tpu.memory_space<vmem>> -> memref<128xi32, #tpu.memory_space<vmem>>
        %dma_wait3A_67 = arith.constant 0 : i32
        %dma_wait3A_68 = arith.constant 0 : i32
        %dma_wait3A_69 = tpu.memref_slice %arg11[%dma_wait3A_67, %dma_wait3A_68] : memref<10112x128xf32, #tpu.memory_space<vmem_shared>> -> memref<10112x128xf32, #tpu.memory_space<vmem_shared>>
        tpu.wait_indirect_dma semaphore(%run_scoped3A : memref<!tpu.dma_semaphore, #tpu.memory_space<semaphore_mem>>) src(%arg9 : memref<128x128xf32, #tpu.memory_space<vmem>>) dst(%dma_wait3A_69 : memref<10112x128xf32, #tpu.memory_space<vmem_shared>>)
        tpu.yield
      }) : () -> ()
      %add3A_48 = arith.constant 1 : i32
      %add3A_49 = arith.addi %scan3A_32, %add3A_48 : i32
      %lt3A = arith.constant 20 : i32
      %lt3A_50 = arith.cmpi slt, %add3A_49, %lt3A : i32
      %convert_element_type3A = arith.extui %lt3A_50 : i1 to i32
      %cond3A = arith.constant 0 : i32
      %cond3A_51 = arith.cmpi ne, %convert_element_type3A, %cond3A : i32
      scf.if %cond3A_51 {
        %add3A_58 = arith.constant 2 : i32
        %add3A_59 = arith.addi %mul3A_34, %add3A_58 : i32
        %dma_start3A_60 = arith.constant 0 : i32
        %dma_start3A_61 = tpu.memref_slice %arg7[%add3A_59, %dma_start3A_60] : memref<40x128xi32, #tpu.memory_space<vmem>> -> memref<1x128xi32, #tpu.memory_space<vmem>>
        %dma_start3A_62 = tpu.memref_squeeze %dma_start3A_61 : memref<1x128xi32, #tpu.memory_space<vmem>> -> memref<128xi32, #tpu.memory_space<vmem>>
        %dma_start3A_63 = arith.constant 0 : i32
        %dma_start3A_64 = arith.constant 0 : i32
        %dma_start3A_65 = tpu.memref_slice %arg2[%dma_start3A_63, %dma_start3A_64] : memref<10000x128xf32, #tpu.memory_space<hbm>> -> memref<10000x128xf32, #tpu.memory_space<hbm>>
        tpu.enqueue_indirect_dma source(%dma_start3A_65 : memref<10000x128xf32, #tpu.memory_space<hbm>>) target(%arg9 : memref<128x128xf32, #tpu.memory_space<vmem>>) offsets(%dma_start3A_62 : memref<128xi32, #tpu.memory_space<vmem>>) semaphore(%arg12 : memref<!tpu.dma_semaphore, #tpu.memory_space<semaphore_mem>>)
      } else {
      }
      %dma_wait3A_52 = arith.constant 0 : i32
      %dma_wait3A_53 = tpu.memref_slice %arg7[%add3A_36, %dma_wait3A_52] : memref<40x128xi32, #tpu.memory_space<vmem>> -> memref<1x128xi32, #tpu.memory_space<vmem>>
      %dma_wait3A_54 = tpu.memref_squeeze %dma_wait3A_53 : memref<1x128xi32, #tpu.memory_space<vmem>> -> memref<128xi32, #tpu.memory_space<vmem>>
      %dma_wait3A_55 = arith.constant 0 : i32
      %dma_wait3A_56 = arith.constant 0 : i32
      %dma_wait3A_57 = tpu.memref_slice %arg2[%dma_wait3A_55, %dma_wait3A_56] : memref<10000x128xf32, #tpu.memory_space<hbm>> -> memref<10000x128xf32, #tpu.memory_space<hbm>>
      tpu.wait_indirect_dma semaphore(%arg13 : memref<!tpu.dma_semaphore, #tpu.memory_space<semaphore_mem>>) src(%dma_wait3A_57 : memref<10000x128xf32, #tpu.memory_space<hbm>>) dst(%arg10 : memref<128x128xf32, #tpu.memory_space<vmem>>)
      "tpu.region"() ({
        %run_scoped3A = tpu.sem_alloc : memref<!tpu.dma_semaphore, #tpu.memory_space<semaphore_mem>>
        %dma_start3A_58 = arith.constant 0 : i32
        %dma_start3A_59 = tpu.memref_slice %arg8[%add3A_36, %dma_start3A_58] : memref<40x128xi32, #tpu.memory_space<vmem>> -> memref<1x128xi32, #tpu.memory_space<vmem>>
        %dma_start3A_60 = tpu.memref_squeeze %dma_start3A_59 : memref<1x128xi32, #tpu.memory_space<vmem>> -> memref<128xi32, #tpu.memory_space<vmem>>
        %dma_start3A_61 = arith.constant 0 : i32
        %dma_start3A_62 = arith.constant 0 : i32
        %dma_start3A_63 = tpu.memref_slice %arg11[%dma_start3A_61, %dma_start3A_62] : memref<10112x128xf32, #tpu.memory_space<vmem_shared>> -> memref<10112x128xf32, #tpu.memory_space<vmem_shared>>
        tpu.enqueue_indirect_dma source(%arg10 : memref<128x128xf32, #tpu.memory_space<vmem>>) target(%dma_start3A_63 : memref<10112x128xf32, #tpu.memory_space<vmem_shared>>) offsets(%dma_start3A_60 : memref<128xi32, #tpu.memory_space<vmem>>) semaphore(%run_scoped3A : memref<!tpu.dma_semaphore, #tpu.memory_space<semaphore_mem>>) {add = true}
        %dma_wait3A_64 = arith.constant 0 : i32
        %dma_wait3A_65 = tpu.memref_slice %arg8[%add3A_36, %dma_wait3A_64] : memref<40x128xi32, #tpu.memory_space<vmem>> -> memref<1x128xi32, #tpu.memory_space<vmem>>
        %dma_wait3A_66 = tpu.memref_squeeze %dma_wait3A_65 : memref<1x128xi32, #tpu.memory_space<vmem>> -> memref<128xi32, #tpu.memory_space<vmem>>
        %dma_wait3A_67 = arith.constant 0 : i32
        %dma_wait3A_68 = arith.constant 0 : i32
        %dma_wait3A_69 = tpu.memref_slice %arg11[%dma_wait3A_67, %dma_wait3A_68] : memref<10112x128xf32, #tpu.memory_space<vmem_shared>> -> memref<10112x128xf32, #tpu.memory_space<vmem_shared>>
        tpu.wait_indirect_dma semaphore(%run_scoped3A : memref<!tpu.dma_semaphore, #tpu.memory_space<semaphore_mem>>) src(%arg10 : memref<128x128xf32, #tpu.memory_space<vmem>>) dst(%dma_wait3A_69 : memref<10112x128xf32, #tpu.memory_space<vmem_shared>>)
        tpu.yield
      }) : () -> ()
    }
    %scan3A_13 = arith.constant 20 : i32
    "tpu.region"() ({
      %run_scoped3A = tpu.sem_alloc : memref<!tpu.dma_semaphore, #tpu.memory_space<semaphore_mem>>
      %dma_start3A_32 = arith.constant 40 : i32
      %dma_start3A_33 = arith.constant 0 : i32
      %dma_start3A_34 = tpu.memref_slice %arg3[%add3A, %dma_start3A_32, %dma_start3A_33] : memref<32x80x128xi32, #tpu.memory_space<hbm>> -> memref<1x40x128xi32, #tpu.memory_space<hbm>>
      %dma_start3A_35 = tpu.memref_squeeze %dma_start3A_34 : memref<1x40x128xi32, #tpu.memory_space<hbm>> -> memref<40x128xi32, #tpu.memory_space<hbm>>
      %dma_start3A_36 = arith.constant 40 : i32
      %dma_start3A_37 = arith.constant 0 : i32
      %dma_start3A_38 = tpu.memref_slice %arg3[%add3A, %dma_start3A_36, %dma_start3A_37] : memref<32x80x128xi32, #tpu.memory_space<hbm>> -> memref<1x40x128xi32, #tpu.memory_space<hbm>>
      %dma_start3A_39 = tpu.memref_squeeze %dma_start3A_38 : memref<1x40x128xi32, #tpu.memory_space<hbm>> -> memref<40x128xi32, #tpu.memory_space<hbm>>
      tpu.enqueue_dma source(%dma_start3A_39 : memref<40x128xi32, #tpu.memory_space<hbm>>) target(%arg7 : memref<40x128xi32, #tpu.memory_space<vmem>>) target_semaphore(%run_scoped3A : memref<!tpu.dma_semaphore, #tpu.memory_space<semaphore_mem>>)
      %dma_wait3A = arith.constant 40 : i32
      %dma_wait3A_40 = arith.constant 0 : i32
      %dma_wait3A_41 = tpu.memref_slice %arg3[%add3A, %dma_wait3A, %dma_wait3A_40] : memref<32x80x128xi32, #tpu.memory_space<hbm>> -> memref<1x40x128xi32, #tpu.memory_space<hbm>>
      %dma_wait3A_42 = tpu.memref_squeeze %dma_wait3A_41 : memref<1x40x128xi32, #tpu.memory_space<hbm>> -> memref<40x128xi32, #tpu.memory_space<hbm>>
      %dma_wait3A_43 = arith.constant 40 : i32
      %dma_wait3A_44 = arith.constant 0 : i32
      %dma_wait3A_45 = tpu.memref_slice %arg3[%add3A, %dma_wait3A_43, %dma_wait3A_44] : memref<32x80x128xi32, #tpu.memory_space<hbm>> -> memref<1x40x128xi32, #tpu.memory_space<hbm>>
      %dma_wait3A_46 = tpu.memref_squeeze %dma_wait3A_45 : memref<1x40x128xi32, #tpu.memory_space<hbm>> -> memref<40x128xi32, #tpu.memory_space<hbm>>
      tpu.wait_dma2 semaphore(%run_scoped3A : memref<!tpu.dma_semaphore, #tpu.memory_space<semaphore_mem>>) src(%dma_wait3A_46 : memref<40x128xi32, #tpu.memory_space<hbm>>) dst(%arg7 : memref<40x128xi32, #tpu.memory_space<vmem>>)
      tpu.yield
    }) : () -> ()
    "tpu.region"() ({
      %run_scoped3A = tpu.sem_alloc : memref<!tpu.dma_semaphore, #tpu.memory_space<semaphore_mem>>
      %dma_start3A_32 = arith.constant 40 : i32
      %dma_start3A_33 = arith.constant 0 : i32
      %dma_start3A_34 = tpu.memref_slice %arg4[%add3A, %dma_start3A_32, %dma_start3A_33] : memref<32x80x128xi32, #tpu.memory_space<hbm>> -> memref<1x40x128xi32, #tpu.memory_space<hbm>>
      %dma_start3A_35 = tpu.memref_squeeze %dma_start3A_34 : memref<1x40x128xi32, #tpu.memory_space<hbm>> -> memref<40x128xi32, #tpu.memory_space<hbm>>
      %dma_start3A_36 = arith.constant 40 : i32
      %dma_start3A_37 = arith.constant 0 : i32
      %dma_start3A_38 = tpu.memref_slice %arg4[%add3A, %dma_start3A_36, %dma_start3A_37] : memref<32x80x128xi32, #tpu.memory_space<hbm>> -> memref<1x40x128xi32, #tpu.memory_space<hbm>>
      %dma_start3A_39 = tpu.memref_squeeze %dma_start3A_38 : memref<1x40x128xi32, #tpu.memory_space<hbm>> -> memref<40x128xi32, #tpu.memory_space<hbm>>
      tpu.enqueue_dma source(%dma_start3A_39 : memref<40x128xi32, #tpu.memory_space<hbm>>) target(%arg8 : memref<40x128xi32, #tpu.memory_space<vmem>>) target_semaphore(%run_scoped3A : memref<!tpu.dma_semaphore, #tpu.memory_space<semaphore_mem>>)
      %dma_wait3A = arith.constant 40 : i32
      %dma_wait3A_40 = arith.constant 0 : i32
      %dma_wait3A_41 = tpu.memref_slice %arg4[%add3A, %dma_wait3A, %dma_wait3A_40] : memref<32x80x128xi32, #tpu.memory_space<hbm>> -> memref<1x40x128xi32, #tpu.memory_space<hbm>>
      %dma_wait3A_42 = tpu.memref_squeeze %dma_wait3A_41 : memref<1x40x128xi32, #tpu.memory_space<hbm>> -> memref<40x128xi32, #tpu.memory_space<hbm>>
      %dma_wait3A_43 = arith.constant 40 : i32
      %dma_wait3A_44 = arith.constant 0 : i32
      %dma_wait3A_45 = tpu.memref_slice %arg4[%add3A, %dma_wait3A_43, %dma_wait3A_44] : memref<32x80x128xi32, #tpu.memory_space<hbm>> -> memref<1x40x128xi32, #tpu.memory_space<hbm>>
      %dma_wait3A_46 = tpu.memref_squeeze %dma_wait3A_45 : memref<1x40x128xi32, #tpu.memory_space<hbm>> -> memref<40x128xi32, #tpu.memory_space<hbm>>
      tpu.wait_dma2 semaphore(%run_scoped3A : memref<!tpu.dma_semaphore, #tpu.memory_space<semaphore_mem>>) src(%dma_wait3A_46 : memref<40x128xi32, #tpu.memory_space<hbm>>) dst(%arg8 : memref<40x128xi32, #tpu.memory_space<vmem>>)
      tpu.yield
    }) : () -> ()
    %dma_start3A_14 = arith.constant 0 : i32
    %dma_start3A_15 = arith.constant 0 : i32
    %dma_start3A_16 = tpu.memref_slice %arg7[%dma_start3A_14, %dma_start3A_15] : memref<40x128xi32, #tpu.memory_space<vmem>> -> memref<1x128xi32, #tpu.memory_space<vmem>>
    %dma_start3A_17 = tpu.memref_squeeze %dma_start3A_16 : memref<1x128xi32, #tpu.memory_space<vmem>> -> memref<128xi32, #tpu.memory_space<vmem>>
    %dma_start3A_18 = arith.constant 0 : i32
    %dma_start3A_19 = arith.constant 0 : i32
    %dma_start3A_20 = tpu.memref_slice %arg2[%dma_start3A_18, %dma_start3A_19] : memref<10000x128xf32, #tpu.memory_space<hbm>> -> memref<10000x128xf32, #tpu.memory_space<hbm>>
    tpu.enqueue_indirect_dma source(%dma_start3A_20 : memref<10000x128xf32, #tpu.memory_space<hbm>>) target(%arg9 : memref<128x128xf32, #tpu.memory_space<vmem>>) offsets(%dma_start3A_17 : memref<128xi32, #tpu.memory_space<vmem>>) semaphore(%arg12 : memref<!tpu.dma_semaphore, #tpu.memory_space<semaphore_mem>>)
    %scan3A_21 = arith.constant 0 : i32
    %scan3A_22 = arith.constant 0 : i32
    %scan3A_23 = arith.constant 20 : i32
    %scan3A_24 = arith.addi %scan3A_22, %scan3A_23 : i32
    %scan3A_25 = arith.constant 1 : i32
    scf.for %scan3A_32 = %scan3A_22 to %scan3A_24 step %scan3A_25  : i32 {
      %mul3A_33 = arith.constant 2 : i32
      %mul3A_34 = arith.muli %scan3A_32, %mul3A_33 : i32
      %add3A_35 = arith.constant 1 : i32
      %add3A_36 = arith.addi %mul3A_34, %add3A_35 : i32
      %dma_start3A_37 = arith.constant 0 : i32
      %dma_start3A_38 = tpu.memref_slice %arg7[%add3A_36, %dma_start3A_37] : memref<40x128xi32, #tpu.memory_space<vmem>> -> memref<1x128xi32, #tpu.memory_space<vmem>>
      %dma_start3A_39 = tpu.memref_squeeze %dma_start3A_38 : memref<1x128xi32, #tpu.memory_space<vmem>> -> memref<128xi32, #tpu.memory_space<vmem>>
      %dma_start3A_40 = arith.constant 0 : i32
      %dma_start3A_41 = arith.constant 0 : i32
      %dma_start3A_42 = tpu.memref_slice %arg2[%dma_start3A_40, %dma_start3A_41] : memref<10000x128xf32, #tpu.memory_space<hbm>> -> memref<10000x128xf32, #tpu.memory_space<hbm>>
      tpu.enqueue_indirect_dma source(%dma_start3A_42 : memref<10000x128xf32, #tpu.memory_space<hbm>>) target(%arg10 : memref<128x128xf32, #tpu.memory_space<vmem>>) offsets(%dma_start3A_39 : memref<128xi32, #tpu.memory_space<vmem>>) semaphore(%arg13 : memref<!tpu.dma_semaphore, #tpu.memory_space<semaphore_mem>>)
      %dma_wait3A = arith.constant 0 : i32
      %dma_wait3A_43 = tpu.memref_slice %arg7[%mul3A_34, %dma_wait3A] : memref<40x128xi32, #tpu.memory_space<vmem>> -> memref<1x128xi32, #tpu.memory_space<vmem>>
      %dma_wait3A_44 = tpu.memref_squeeze %dma_wait3A_43 : memref<1x128xi32, #tpu.memory_space<vmem>> -> memref<128xi32, #tpu.memory_space<vmem>>
      %dma_wait3A_45 = arith.constant 0 : i32
      %dma_wait3A_46 = arith.constant 0 : i32
      %dma_wait3A_47 = tpu.memref_slice %arg2[%dma_wait3A_45, %dma_wait3A_46] : memref<10000x128xf32, #tpu.memory_space<hbm>> -> memref<10000x128xf32, #tpu.memory_space<hbm>>
      tpu.wait_indirect_dma semaphore(%arg12 : memref<!tpu.dma_semaphore, #tpu.memory_space<semaphore_mem>>) src(%dma_wait3A_47 : memref<10000x128xf32, #tpu.memory_space<hbm>>) dst(%arg9 : memref<128x128xf32, #tpu.memory_space<vmem>>)
      "tpu.region"() ({
        %run_scoped3A = tpu.sem_alloc : memref<!tpu.dma_semaphore, #tpu.memory_space<semaphore_mem>>
        %dma_start3A_58 = arith.constant 0 : i32
        %dma_start3A_59 = tpu.memref_slice %arg8[%mul3A_34, %dma_start3A_58] : memref<40x128xi32, #tpu.memory_space<vmem>> -> memref<1x128xi32, #tpu.memory_space<vmem>>
        %dma_start3A_60 = tpu.memref_squeeze %dma_start3A_59 : memref<1x128xi32, #tpu.memory_space<vmem>> -> memref<128xi32, #tpu.memory_space<vmem>>
        %dma_start3A_61 = arith.constant 0 : i32
        %dma_start3A_62 = arith.constant 0 : i32
        %dma_start3A_63 = tpu.memref_slice %arg11[%dma_start3A_61, %dma_start3A_62] : memref<10112x128xf32, #tpu.memory_space<vmem_shared>> -> memref<10112x128xf32, #tpu.memory_space<vmem_shared>>
        tpu.enqueue_indirect_dma source(%arg9 : memref<128x128xf32, #tpu.memory_space<vmem>>) target(%dma_start3A_63 : memref<10112x128xf32, #tpu.memory_space<vmem_shared>>) offsets(%dma_start3A_60 : memref<128xi32, #tpu.memory_space<vmem>>) semaphore(%run_scoped3A : memref<!tpu.dma_semaphore, #tpu.memory_space<semaphore_mem>>) {add = true}
        %dma_wait3A_64 = arith.constant 0 : i32
        %dma_wait3A_65 = tpu.memref_slice %arg8[%mul3A_34, %dma_wait3A_64] : memref<40x128xi32, #tpu.memory_space<vmem>> -> memref<1x128xi32, #tpu.memory_space<vmem>>
        %dma_wait3A_66 = tpu.memref_squeeze %dma_wait3A_65 : memref<1x128xi32, #tpu.memory_space<vmem>> -> memref<128xi32, #tpu.memory_space<vmem>>
        %dma_wait3A_67 = arith.constant 0 : i32
        %dma_wait3A_68 = arith.constant 0 : i32
        %dma_wait3A_69 = tpu.memref_slice %arg11[%dma_wait3A_67, %dma_wait3A_68] : memref<10112x128xf32, #tpu.memory_space<vmem_shared>> -> memref<10112x128xf32, #tpu.memory_space<vmem_shared>>
        tpu.wait_indirect_dma semaphore(%run_scoped3A : memref<!tpu.dma_semaphore, #tpu.memory_space<semaphore_mem>>) src(%arg9 : memref<128x128xf32, #tpu.memory_space<vmem>>) dst(%dma_wait3A_69 : memref<10112x128xf32, #tpu.memory_space<vmem_shared>>)
        tpu.yield
      }) : () -> ()
      %add3A_48 = arith.constant 1 : i32
      %add3A_49 = arith.addi %scan3A_32, %add3A_48 : i32
      %lt3A = arith.constant 20 : i32
      %lt3A_50 = arith.cmpi slt, %add3A_49, %lt3A : i32
      %convert_element_type3A = arith.extui %lt3A_50 : i1 to i32
      %cond3A = arith.constant 0 : i32
      %cond3A_51 = arith.cmpi ne, %convert_element_type3A, %cond3A : i32
      scf.if %cond3A_51 {
        %add3A_58 = arith.constant 2 : i32
        %add3A_59 = arith.addi %mul3A_34, %add3A_58 : i32
        %dma_start3A_60 = arith.constant 0 : i32
        %dma_start3A_61 = tpu.memref_slice %arg7[%add3A_59, %dma_start3A_60] : memref<40x128xi32, #tpu.memory_space<vmem>> -> memref<1x128xi32, #tpu.memory_space<vmem>>
        %dma_start3A_62 = tpu.memref_squeeze %dma_start3A_61 : memref<1x128xi32, #tpu.memory_space<vmem>> -> memref<128xi32, #tpu.memory_space<vmem>>
        %dma_start3A_63 = arith.constant 0 : i32
        %dma_start3A_64 = arith.constant 0 : i32
        %dma_start3A_65 = tpu.memref_slice %arg2[%dma_start3A_63, %dma_start3A_64] : memref<10000x128xf32, #tpu.memory_space<hbm>> -> memref<10000x128xf32, #tpu.memory_space<hbm>>
        tpu.enqueue_indirect_dma source(%dma_start3A_65 : memref<10000x128xf32, #tpu.memory_space<hbm>>) target(%arg9 : memref<128x128xf32, #tpu.memory_space<vmem>>) offsets(%dma_start3A_62 : memref<128xi32, #tpu.memory_space<vmem>>) semaphore(%arg12 : memref<!tpu.dma_semaphore, #tpu.memory_space<semaphore_mem>>)
      } else {
      }
      %dma_wait3A_52 = arith.constant 0 : i32
      %dma_wait3A_53 = tpu.memref_slice %arg7[%add3A_36, %dma_wait3A_52] : memref<40x128xi32, #tpu.memory_space<vmem>> -> memref<1x128xi32, #tpu.memory_space<vmem>>
      %dma_wait3A_54 = tpu.memref_squeeze %dma_wait3A_53 : memref<1x128xi32, #tpu.memory_space<vmem>> -> memref<128xi32, #tpu.memory_space<vmem>>
      %dma_wait3A_55 = arith.constant 0 : i32
      %dma_wait3A_56 = arith.constant 0 : i32
      %dma_wait3A_57 = tpu.memref_slice %arg2[%dma_wait3A_55, %dma_wait3A_56] : memref<10000x128xf32, #tpu.memory_space<hbm>> -> memref<10000x128xf32, #tpu.memory_space<hbm>>
      tpu.wait_indirect_dma semaphore(%arg13 : memref<!tpu.dma_semaphore, #tpu.memory_space<semaphore_mem>>) src(%dma_wait3A_57 : memref<10000x128xf32, #tpu.memory_space<hbm>>) dst(%arg10 : memref<128x128xf32, #tpu.memory_space<vmem>>)
      "tpu.region"() ({
        %run_scoped3A = tpu.sem_alloc : memref<!tpu.dma_semaphore, #tpu.memory_space<semaphore_mem>>
        %dma_start3A_58 = arith.constant 0 : i32
        %dma_start3A_59 = tpu.memref_slice %arg8[%add3A_36, %dma_start3A_58] : memref<40x128xi32, #tpu.memory_space<vmem>> -> memref<1x128xi32, #tpu.memory_space<vmem>>
        %dma_start3A_60 = tpu.memref_squeeze %dma_start3A_59 : memref<1x128xi32, #tpu.memory_space<vmem>> -> memref<128xi32, #tpu.memory_space<vmem>>
        %dma_start3A_61 = arith.constant 0 : i32
        %dma_start3A_62 = arith.constant 0 : i32
        %dma_start3A_63 = tpu.memref_slice %arg11[%dma_start3A_61, %dma_start3A_62] : memref<10112x128xf32, #tpu.memory_space<vmem_shared>> -> memref<10112x128xf32, #tpu.memory_space<vmem_shared>>
        tpu.enqueue_indirect_dma source(%arg10 : memref<128x128xf32, #tpu.memory_space<vmem>>) target(%dma_start3A_63 : memref<10112x128xf32, #tpu.memory_space<vmem_shared>>) offsets(%dma_start3A_60 : memref<128xi32, #tpu.memory_space<vmem>>) semaphore(%run_scoped3A : memref<!tpu.dma_semaphore, #tpu.memory_space<semaphore_mem>>) {add = true}
        %dma_wait3A_64 = arith.constant 0 : i32
        %dma_wait3A_65 = tpu.memref_slice %arg8[%add3A_36, %dma_wait3A_64] : memref<40x128xi32, #tpu.memory_space<vmem>> -> memref<1x128xi32, #tpu.memory_space<vmem>>
        %dma_wait3A_66 = tpu.memref_squeeze %dma_wait3A_65 : memref<1x128xi32, #tpu.memory_space<vmem>> -> memref<128xi32, #tpu.memory_space<vmem>>
        %dma_wait3A_67 = arith.constant 0 : i32
        %dma_wait3A_68 = arith.constant 0 : i32
        %dma_wait3A_69 = tpu.memref_slice %arg11[%dma_wait3A_67, %dma_wait3A_68] : memref<10112x128xf32, #tpu.memory_space<vmem_shared>> -> memref<10112x128xf32, #tpu.memory_space<vmem_shared>>
        tpu.wait_indirect_dma semaphore(%run_scoped3A : memref<!tpu.dma_semaphore, #tpu.memory_space<semaphore_mem>>) src(%arg10 : memref<128x128xf32, #tpu.memory_space<vmem>>) dst(%dma_wait3A_69 : memref<10112x128xf32, #tpu.memory_space<vmem_shared>>)
        tpu.yield
      }) : () -> ()
    }
    %scan3A_26 = arith.constant 20 : i32
    %barrier3A_27 = arith.constant 0 : index
    tpu.barrier barrier_id(%barrier3A_27)
    %mul3A_28 = arith.constant 632 : i32
    %mul3A_29 = arith.muli %arg1, %mul3A_28 : i32
    %mul3A_30 = arith.constant 632 : i32
    %mul3A_31 = arith.muli %arg1, %mul3A_30 : i32
    "tpu.region"() ({
      %run_scoped3A = tpu.sem_alloc : memref<!tpu.dma_semaphore, #tpu.memory_space<semaphore_mem>>
      %dma_start3A_32 = arith.constant 0 : i32
      %dma_start3A_33 = tpu.memref_slice %arg6[%arg0, %mul3A_31, %dma_start3A_32] : memref<2x10112x128xf32, #tpu.memory_space<hbm>> -> memref<1x632x128xf32, #tpu.memory_space<hbm>>
      %dma_start3A_34 = tpu.memref_squeeze %dma_start3A_33 : memref<1x632x128xf32, #tpu.memory_space<hbm>> -> memref<632x128xf32, #tpu.memory_space<hbm>>
      %dma_start3A_35 = arith.constant 0 : i32
      %dma_start3A_36 = tpu.memref_slice %arg11[%mul3A_29, %dma_start3A_35] : memref<10112x128xf32, #tpu.memory_space<vmem_shared>> -> memref<632x128xf32, #tpu.memory_space<vmem_shared>>
      tpu.enqueue_dma source(%dma_start3A_36 : memref<632x128xf32, #tpu.memory_space<vmem_shared>>) target(%dma_start3A_34 : memref<632x128xf32, #tpu.memory_space<hbm>>) target_semaphore(%run_scoped3A : memref<!tpu.dma_semaphore, #tpu.memory_space<semaphore_mem>>)
      %dma_wait3A = arith.constant 0 : i32
      %dma_wait3A_37 = tpu.memref_slice %arg6[%arg0, %mul3A_31, %dma_wait3A] : memref<2x10112x128xf32, #tpu.memory_space<hbm>> -> memref<1x632x128xf32, #tpu.memory_space<hbm>>
      %dma_wait3A_38 = tpu.memref_squeeze %dma_wait3A_37 : memref<1x632x128xf32, #tpu.memory_space<hbm>> -> memref<632x128xf32, #tpu.memory_space<hbm>>
      %dma_wait3A_39 = arith.constant 0 : i32
      %dma_wait3A_40 = tpu.memref_slice %arg11[%mul3A_29, %dma_wait3A_39] : memref<10112x128xf32, #tpu.memory_space<vmem_shared>> -> memref<632x128xf32, #tpu.memory_space<vmem_shared>>
      tpu.wait_dma2 semaphore(%run_scoped3A : memref<!tpu.dma_semaphore, #tpu.memory_space<semaphore_mem>>) src(%dma_wait3A_40 : memref<632x128xf32, #tpu.memory_space<vmem_shared>>) dst(%dma_wait3A_38 : memref<632x128xf32, #tpu.memory_space<hbm>>)
      tpu.yield
    }) : () -> ()
    return
  }
}

module attributes {stable_mosaic.version = 14 : i64} {
  func.func @_pre_body(%arg0: memref<10000x128xf32, #tpu.memory_space<vmem>>, %arg1: memref<128x128xf32, #tpu.memory_space<vmem>>, %arg2: memref<1x128xf32, #tpu.memory_space<vmem>>, %arg3: memref<1x128xf32, #tpu.memory_space<vmem>>, %arg4: memref<128x128xf32, #tpu.memory_space<vmem>>, %arg5: memref<1x128xf32, #tpu.memory_space<vmem>>, %arg6: memref<1x128xf32, #tpu.memory_space<vmem>>, %arg7: memref<1x128xf32, #tpu.memory_space<vmem>>, %arg8: memref<1x128xf32, #tpu.memory_space<vmem>>, %arg9: memref<128x128xf32, #tpu.memory_space<vmem>>, %arg10: memref<1x128xf32, #tpu.memory_space<vmem>>, %arg11: memref<10000x128xf32, #tpu.memory_space<vmem>>, %arg12: memref<10000x128xf32, #tpu.memory_space<vmem>>) attributes {dimension_semantics = [], scalar_prefetch = 0 : i64, scratch_operands = 0 : i64, tpu.core_type = #tpu.core_type<tc>} {
    %get3A = arith.constant 0 : index
    %get3A_0 = arith.constant 0 : index
    %get3A_1 = vector.load %arg0[%get3A, %get3A_0] : memref<10000x128xf32, #tpu.memory_space<vmem>>, vector<10000x128xf32>
    %get3A_2 = arith.constant 0 : index
    %get3A_3 = arith.constant 0 : index
    %get3A_4 = vector.load %arg1[%get3A_2, %get3A_3] : memref<128x128xf32, #tpu.memory_space<vmem>>, vector<128x128xf32>
    %dot_general3A = arith.constant dense<0.000000e+00> : vector<10000x128xf32>
    %dot_general3A_5 = tpu.matmul %get3A_1, %get3A_4, %dot_general3A {dimension_numbers = #tpu.dot_dimension_numbers<[1], [0], [0], [1], [0, 0, 1, 1], [], []>, transpose_lhs_hint = false} : vector<10000x128xf32>, vector<128x128xf32>, vector<10000x128xf32> -> vector<10000x128xf32>
    %get3A_6 = arith.constant 0 : index
    %get3A_7 = arith.constant 0 : index
    %get3A_8 = vector.load %arg2[%get3A_6, %get3A_7] : memref<1x128xf32, #tpu.memory_space<vmem>>, vector<1x128xf32>
    %add3A = vector.broadcast %get3A_8 : vector<1x128xf32> to vector<10000x128xf32>
    %add3A_9 = arith.addf %dot_general3A_5, %add3A : vector<10000x128xf32>
    %get3A_10 = arith.constant 0 : index
    %get3A_11 = arith.constant 0 : index
    %get3A_12 = vector.load %arg3[%get3A_10, %get3A_11] : memref<1x128xf32, #tpu.memory_space<vmem>>, vector<1x128xf32>
    %gt3A = arith.constant 0.000000e+00 : f32
    %gt3A_13 = vector.broadcast %gt3A : f32 to vector<10000x128xf32>
    %gt3A_14 = arith.cmpf ogt, %add3A_9, %gt3A_13 : vector<10000x128xf32>
    %mul3A = vector.broadcast %get3A_12 : vector<1x128xf32> to vector<10000x128xf32>
    %mul3A_15 = arith.mulf %mul3A, %add3A_9 : vector<10000x128xf32>
    %select_n3A = arith.select %gt3A_14, %add3A_9, %mul3A_15 : vector<10000x128xi1>, vector<10000x128xf32>
    %get3A_16 = arith.constant 0 : index
    %get3A_17 = arith.constant 0 : index
    %get3A_18 = vector.load %arg4[%get3A_16, %get3A_17] : memref<128x128xf32, #tpu.memory_space<vmem>>, vector<128x128xf32>
    %dot_general3A_19 = arith.constant dense<0.000000e+00> : vector<10000x128xf32>
    %dot_general3A_20 = tpu.matmul %select_n3A, %get3A_18, %dot_general3A_19 {dimension_numbers = #tpu.dot_dimension_numbers<[1], [0], [0], [1], [0, 0, 1, 1], [], []>, transpose_lhs_hint = false} : vector<10000x128xf32>, vector<128x128xf32>, vector<10000x128xf32> -> vector<10000x128xf32>
    %get3A_21 = arith.constant 0 : index
    %get3A_22 = arith.constant 0 : index
    %get3A_23 = vector.load %arg5[%get3A_21, %get3A_22] : memref<1x128xf32, #tpu.memory_space<vmem>>, vector<1x128xf32>
    %add3A_24 = vector.broadcast %get3A_23 : vector<1x128xf32> to vector<10000x128xf32>
    %add3A_25 = arith.addf %dot_general3A_20, %add3A_24 : vector<10000x128xf32>
    %get3A_26 = arith.constant 0 : index
    %get3A_27 = arith.constant 0 : index
    %get3A_28 = vector.load %arg6[%get3A_26, %get3A_27] : memref<1x128xf32, #tpu.memory_space<vmem>>, vector<1x128xf32>
    %gt3A_29 = arith.constant 0.000000e+00 : f32
    %gt3A_30 = vector.broadcast %gt3A_29 : f32 to vector<10000x128xf32>
    %gt3A_31 = arith.cmpf ogt, %add3A_25, %gt3A_30 : vector<10000x128xf32>
    %mul3A_32 = vector.broadcast %get3A_28 : vector<1x128xf32> to vector<10000x128xf32>
    %mul3A_33 = arith.mulf %mul3A_32, %add3A_25 : vector<10000x128xf32>
    %select_n3A_34 = arith.select %gt3A_31, %add3A_25, %mul3A_33 : vector<10000x128xi1>, vector<10000x128xf32>
    %reduce_sum3A = arith.constant dense<0.000000e+00> : vector<128xf32>
    %reduce_sum3A_35 = vector.multi_reduction <add>, %select_n3A_34, %reduce_sum3A [0] : vector<10000x128xf32> to vector<128xf32>
    %broadcast_in_dim3A = vector.shape_cast %reduce_sum3A_35 : vector<128xf32> to vector<1x128xf32>
    %div3A = arith.constant 1.000000e+04 : f32
    %div3A_36 = vector.broadcast %div3A : f32 to vector<1x128xf32>
    %div3A_37 = arith.divf %broadcast_in_dim3A, %div3A_36 : vector<1x128xf32>
    %sub3A = vector.broadcast %div3A_37 : vector<1x128xf32> to vector<10000x128xf32>
    %sub3A_38 = arith.subf %select_n3A_34, %sub3A : vector<10000x128xf32>
    %integer_pow3A = arith.mulf %sub3A_38, %sub3A_38 : vector<10000x128xf32>
    %reduce_sum3A_39 = arith.constant dense<0.000000e+00> : vector<128xf32>
    %reduce_sum3A_40 = vector.multi_reduction <add>, %integer_pow3A, %reduce_sum3A_39 [0] : vector<10000x128xf32> to vector<128xf32>
    %broadcast_in_dim3A_41 = vector.shape_cast %reduce_sum3A_40 : vector<128xf32> to vector<1x128xf32>
    %div3A_42 = arith.constant 1.000000e+04 : f32
    %div3A_43 = vector.broadcast %div3A_42 : f32 to vector<1x128xf32>
    %div3A_44 = arith.divf %broadcast_in_dim3A_41, %div3A_43 : vector<1x128xf32>
    %sub3A_45 = vector.broadcast %div3A_37 : vector<1x128xf32> to vector<10000x128xf32>
    %sub3A_46 = arith.subf %select_n3A_34, %sub3A_45 : vector<10000x128xf32>
    %add3A_47 = arith.constant 9.99999974E-6 : f32
    %add3A_48 = vector.broadcast %add3A_47 : f32 to vector<1x128xf32>
    %add3A_49 = arith.addf %div3A_44, %add3A_48 : vector<1x128xf32>
    %sqrt3A = math.sqrt %add3A_49 : vector<1x128xf32>
    %div3A_50 = vector.broadcast %sqrt3A : vector<1x128xf32> to vector<10000x128xf32>
    %div3A_51 = arith.divf %sub3A_46, %div3A_50 : vector<10000x128xf32>
    %get3A_52 = arith.constant 0 : index
    %get3A_53 = arith.constant 0 : index
    %get3A_54 = vector.load %arg7[%get3A_52, %get3A_53] : memref<1x128xf32, #tpu.memory_space<vmem>>, vector<1x128xf32>
    %mul3A_55 = vector.broadcast %get3A_54 : vector<1x128xf32> to vector<10000x128xf32>
    %mul3A_56 = arith.mulf %div3A_51, %mul3A_55 : vector<10000x128xf32>
    %get3A_57 = arith.constant 0 : index
    %get3A_58 = arith.constant 0 : index
    %get3A_59 = vector.load %arg8[%get3A_57, %get3A_58] : memref<1x128xf32, #tpu.memory_space<vmem>>, vector<1x128xf32>
    %add3A_60 = vector.broadcast %get3A_59 : vector<1x128xf32> to vector<10000x128xf32>
    %add3A_61 = arith.addf %mul3A_56, %add3A_60 : vector<10000x128xf32>
    %swap3A = arith.constant 0 : index
    %swap3A_62 = arith.constant 0 : index
    %swap3A_63 = vector.load %arg11[%swap3A, %swap3A_62] : memref<10000x128xf32, #tpu.memory_space<vmem>>, vector<10000x128xf32>
    tpu.vector_store %arg11[%swap3A, %swap3A_62], %add3A_61 {strides = array<i32>} : memref<10000x128xf32, #tpu.memory_space<vmem>>, vector<10000x128xf32>,
    %get3A_64 = arith.constant 0 : index
    %get3A_65 = arith.constant 0 : index
    %get3A_66 = vector.load %arg9[%get3A_64, %get3A_65] : memref<128x128xf32, #tpu.memory_space<vmem>>, vector<128x128xf32>
    %dot_general3A_67 = arith.constant dense<0.000000e+00> : vector<10000x128xf32>
    %dot_general3A_68 = tpu.matmul %add3A_61, %get3A_66, %dot_general3A_67 {dimension_numbers = #tpu.dot_dimension_numbers<[1], [0], [0], [1], [0, 0, 1, 1], [], []>, transpose_lhs_hint = false} : vector<10000x128xf32>, vector<128x128xf32>, vector<10000x128xf32> -> vector<10000x128xf32>
    %get3A_69 = arith.constant 0 : index
    %get3A_70 = arith.constant 0 : index
    %get3A_71 = vector.load %arg10[%get3A_69, %get3A_70] : memref<1x128xf32, #tpu.memory_space<vmem>>, vector<1x128xf32>
    %add3A_72 = vector.broadcast %get3A_71 : vector<1x128xf32> to vector<10000x128xf32>
    %add3A_73 = arith.addf %dot_general3A_68, %add3A_72 : vector<10000x128xf32>
    %swap3A_74 = arith.constant 0 : index
    %swap3A_75 = arith.constant 0 : index
    %swap3A_76 = vector.load %arg12[%swap3A_74, %swap3A_75] : memref<10000x128xf32, #tpu.memory_space<vmem>>, vector<10000x128xf32>
    tpu.vector_store %arg12[%swap3A_74, %swap3A_75], %add3A_73 {strides = array<i32>} : memref<10000x128xf32, #tpu.memory_space<vmem>>, vector<10000x128xf32>,
    return
  }
}

module attributes {stable_mosaic.version = 14 : i64} {
  func.func @_layer_body(%arg0: memref<2x10112x128xf32, #tpu.memory_space<vmem>>, %arg1: memref<10000x128xf32, #tpu.memory_space<vmem>>, %arg2: memref<1x128xf32, #tpu.memory_space<vmem>>, %arg3: memref<128x128xf32, #tpu.memory_space<vmem>>, %arg4: memref<1x128xf32, #tpu.memory_space<vmem>>, %arg5: memref<10000x128xf32, #tpu.memory_space<vmem>>, %arg6: memref<10000x128xf32, #tpu.memory_space<vmem>>) attributes {dimension_semantics = [], scalar_prefetch = 0 : i64, scratch_operands = 0 : i64, tpu.core_type = #tpu.core_type<tc>} {
    %get3A = arith.constant 0 : index
    %get3A_0 = arith.constant 0 : index
    %get3A_1 = arith.constant 0 : index
    %get3A_2 = vector.load %arg0[%get3A, %get3A_0, %get3A_1] : memref<2x10112x128xf32, #tpu.memory_space<vmem>>, vector<1x10000x128xf32>
    %get3A_3 = vector.shape_cast %get3A_2 : vector<1x10000x128xf32> to vector<10000x128xf32>
    %get3A_4 = arith.constant 1 : index
    %get3A_5 = arith.constant 0 : index
    %get3A_6 = arith.constant 0 : index
    %get3A_7 = vector.load %arg0[%get3A_4, %get3A_5, %get3A_6] : memref<2x10112x128xf32, #tpu.memory_space<vmem>>, vector<1x10000x128xf32>
    %get3A_8 = vector.shape_cast %get3A_7 : vector<1x10000x128xf32> to vector<10000x128xf32>
    %add3A = arith.addf %get3A_3, %get3A_8 : vector<10000x128xf32>
    %get3A_9 = arith.constant 0 : index
    %get3A_10 = arith.constant 0 : index
    %get3A_11 = vector.load %arg1[%get3A_9, %get3A_10] : memref<10000x128xf32, #tpu.memory_space<vmem>>, vector<10000x128xf32>
    %add3A_12 = arith.addf %add3A, %get3A_11 : vector<10000x128xf32>
    %get3A_13 = arith.constant 0 : index
    %get3A_14 = arith.constant 0 : index
    %get3A_15 = vector.load %arg2[%get3A_13, %get3A_14] : memref<1x128xf32, #tpu.memory_space<vmem>>, vector<1x128xf32>
    %gt3A = arith.constant 0.000000e+00 : f32
    %gt3A_16 = vector.broadcast %gt3A : f32 to vector<10000x128xf32>
    %gt3A_17 = arith.cmpf ogt, %add3A_12, %gt3A_16 : vector<10000x128xf32>
    %mul3A = vector.broadcast %get3A_15 : vector<1x128xf32> to vector<10000x128xf32>
    %mul3A_18 = arith.mulf %mul3A, %add3A_12 : vector<10000x128xf32>
    %select_n3A = arith.select %gt3A_17, %add3A_12, %mul3A_18 : vector<10000x128xi1>, vector<10000x128xf32>
    %swap3A = arith.constant 0 : index
    %swap3A_19 = arith.constant 0 : index
    %swap3A_20 = vector.load %arg5[%swap3A, %swap3A_19] : memref<10000x128xf32, #tpu.memory_space<vmem>>, vector<10000x128xf32>
    tpu.vector_store %arg5[%swap3A, %swap3A_19], %select_n3A {strides = array<i32>} : memref<10000x128xf32, #tpu.memory_space<vmem>>, vector<10000x128xf32>,
    %get3A_21 = arith.constant 0 : index
    %get3A_22 = arith.constant 0 : index
    %get3A_23 = vector.load %arg3[%get3A_21, %get3A_22] : memref<128x128xf32, #tpu.memory_space<vmem>>, vector<128x128xf32>
    %dot_general3A = arith.constant dense<0.000000e+00> : vector<10000x128xf32>
    %dot_general3A_24 = tpu.matmul %select_n3A, %get3A_23, %dot_general3A {dimension_numbers = #tpu.dot_dimension_numbers<[1], [0], [0], [1], [0, 0, 1, 1], [], []>, transpose_lhs_hint = false} : vector<10000x128xf32>, vector<128x128xf32>, vector<10000x128xf32> -> vector<10000x128xf32>
    %get3A_25 = arith.constant 0 : index
    %get3A_26 = arith.constant 0 : index
    %get3A_27 = vector.load %arg4[%get3A_25, %get3A_26] : memref<1x128xf32, #tpu.memory_space<vmem>>, vector<1x128xf32>
    %add3A_28 = vector.broadcast %get3A_27 : vector<1x128xf32> to vector<10000x128xf32>
    %add3A_29 = arith.addf %dot_general3A_24, %add3A_28 : vector<10000x128xf32>
    %swap3A_30 = arith.constant 0 : index
    %swap3A_31 = arith.constant 0 : index
    %swap3A_32 = vector.load %arg6[%swap3A_30, %swap3A_31] : memref<10000x128xf32, #tpu.memory_space<vmem>>, vector<10000x128xf32>
    tpu.vector_store %arg6[%swap3A_30, %swap3A_31], %add3A_29 {strides = array<i32>} : memref<10000x128xf32, #tpu.memory_space<vmem>>, vector<10000x128xf32>,
    return
  }
}

module attributes {stable_mosaic.version = 14 : i64} {
  func.func @_last_body(%arg0: memref<2x10112x128xf32, #tpu.memory_space<vmem>>, %arg1: memref<10000x128xf32, #tpu.memory_space<vmem>>, %arg2: memref<1x128xf32, #tpu.memory_space<vmem>>, %arg3: memref<10000x128xf32, #tpu.memory_space<vmem>>) attributes {dimension_semantics = [], scalar_prefetch = 0 : i64, scratch_operands = 0 : i64, tpu.core_type = #tpu.core_type<tc>} {
    %get3A = arith.constant 0 : index
    %get3A_0 = arith.constant 0 : index
    %get3A_1 = arith.constant 0 : index
    %get3A_2 = vector.load %arg0[%get3A, %get3A_0, %get3A_1] : memref<2x10112x128xf32, #tpu.memory_space<vmem>>, vector<1x10000x128xf32>
    %get3A_3 = vector.shape_cast %get3A_2 : vector<1x10000x128xf32> to vector<10000x128xf32>
    %get3A_4 = arith.constant 1 : index
    %get3A_5 = arith.constant 0 : index
    %get3A_6 = arith.constant 0 : index
    %get3A_7 = vector.load %arg0[%get3A_4, %get3A_5, %get3A_6] : memref<2x10112x128xf32, #tpu.memory_space<vmem>>, vector<1x10000x128xf32>
    %get3A_8 = vector.shape_cast %get3A_7 : vector<1x10000x128xf32> to vector<10000x128xf32>
    %add3A = arith.addf %get3A_3, %get3A_8 : vector<10000x128xf32>
    %get3A_9 = arith.constant 0 : index
    %get3A_10 = arith.constant 0 : index
    %get3A_11 = vector.load %arg1[%get3A_9, %get3A_10] : memref<10000x128xf32, #tpu.memory_space<vmem>>, vector<10000x128xf32>
    %add3A_12 = arith.addf %add3A, %get3A_11 : vector<10000x128xf32>
    %get3A_13 = arith.constant 0 : index
    %get3A_14 = arith.constant 0 : index
    %get3A_15 = vector.load %arg2[%get3A_13, %get3A_14] : memref<1x128xf32, #tpu.memory_space<vmem>>, vector<1x128xf32>
    %gt3A = arith.constant 0.000000e+00 : f32
    %gt3A_16 = vector.broadcast %gt3A : f32 to vector<10000x128xf32>
    %gt3A_17 = arith.cmpf ogt, %add3A_12, %gt3A_16 : vector<10000x128xf32>
    %mul3A = vector.broadcast %get3A_15 : vector<1x128xf32> to vector<10000x128xf32>
    %mul3A_18 = arith.mulf %mul3A, %add3A_12 : vector<10000x128xf32>
    %select_n3A = arith.select %gt3A_17, %add3A_12, %mul3A_18 : vector<10000x128xi1>, vector<10000x128xf32>
    %swap3A = arith.constant 0 : index
    %swap3A_19 = arith.constant 0 : index
    %swap3A_20 = vector.load %arg3[%swap3A, %swap3A_19] : memref<10000x128xf32, #tpu.memory_space<vmem>>, vector<10000x128xf32>
    tpu.vector_store %arg3[%swap3A, %swap3A_19], %select_n3A {strides = array<i32>} : memref<10000x128xf32, #tpu.memory_space<vmem>>, vector<10000x128xf32>,
    return
  }
}

module attributes {stable_mosaic.version = 14 : i64} {
  func.func @_pool_body(%arg0: memref<10000x128xf32, #tpu.memory_space<vmem>>, %arg1: memref<10000x128xf32, #tpu.memory_space<vmem>>, %arg2: memref<10000x128xf32, #tpu.memory_space<vmem>>, %arg3: memref<10000x128xf32, #tpu.memory_space<vmem>>, %arg4: memref<10000x128xf32, #tpu.memory_space<vmem>>, %arg5: memref<1x10000xi32, #tpu.memory_space<vmem>>, %arg6: memref<640x640xf32, #tpu.memory_space<vmem>>, %arg7: memref<1x640xf32, #tpu.memory_space<vmem>>, %arg8: memref<640x1xf32, #tpu.memory_space<vmem>>, %arg9: memref<1x1xf32, #tpu.memory_space<vmem>>, %arg10: memref<64x1xf32, #tpu.memory_space<vmem>>) attributes {dimension_semantics = [], scalar_prefetch = 0 : i64, scratch_operands = 0 : i64, tpu.core_type = #tpu.core_type<tc>} {
    %iota3A = tpu.iota {dimensions = array<i32: 0>} : vector<64x10000xi32>
    %get3A = arith.constant 0 : index
    %get3A_0 = arith.constant 0 : index
    %get3A_1 = vector.load %arg5[%get3A, %get3A_0] : memref<1x10000xi32, #tpu.memory_space<vmem>>, vector<1x10000xi32>
    %eq3A = vector.broadcast %get3A_1 : vector<1x10000xi32> to vector<64x10000xi32>
    %eq3A_2 = arith.cmpi eq, %iota3A, %eq3A : vector<64x10000xi32>
    %jit3A = arith.constant 1.000000e+00 : f32
    %jit3A_3 = arith.constant 0.000000e+00 : f32
    %broadcast_in_dim3A = vector.broadcast %jit3A : f32 to vector<64x10000xf32>
    %broadcast_in_dim3A_4 = vector.broadcast %jit3A_3 : f32 to vector<64x10000xf32>
    %select_n3A = arith.select %eq3A_2, %broadcast_in_dim3A, %broadcast_in_dim3A_4 : vector<64x10000xi1>, vector<64x10000xf32>
    %get3A_5 = arith.constant 0 : index
    %get3A_6 = arith.constant 0 : index
    %get3A_7 = vector.load %arg0[%get3A_5, %get3A_6] : memref<10000x128xf32, #tpu.memory_space<vmem>>, vector<10000x128xf32>
    %dot_general3A = arith.constant dense<0.000000e+00> : vector<64x128xf32>
    %dot_general3A_8 = tpu.matmul %select_n3A, %get3A_7, %dot_general3A {dimension_numbers = #tpu.dot_dimension_numbers<[1], [0], [0], [1], [0, 0, 1, 1], [], []>, precision = #tpu.contract_precision<fp32>, transpose_lhs_hint = false} : vector<64x10000xf32>, vector<10000x128xf32>, vector<64x128xf32> -> vector<64x128xf32>
    %get3A_9 = arith.constant 0 : index
    %get3A_10 = arith.constant 0 : index
    %get3A_11 = vector.load %arg1[%get3A_9, %get3A_10] : memref<10000x128xf32, #tpu.memory_space<vmem>>, vector<10000x128xf32>
    %dot_general3A_12 = arith.constant dense<0.000000e+00> : vector<64x128xf32>
    %dot_general3A_13 = tpu.matmul %select_n3A, %get3A_11, %dot_general3A_12 {dimension_numbers = #tpu.dot_dimension_numbers<[1], [0], [0], [1], [0, 0, 1, 1], [], []>, precision = #tpu.contract_precision<fp32>, transpose_lhs_hint = false} : vector<64x10000xf32>, vector<10000x128xf32>, vector<64x128xf32> -> vector<64x128xf32>
    %get3A_14 = arith.constant 0 : index
    %get3A_15 = arith.constant 0 : index
    %get3A_16 = vector.load %arg2[%get3A_14, %get3A_15] : memref<10000x128xf32, #tpu.memory_space<vmem>>, vector<10000x128xf32>
    %dot_general3A_17 = arith.constant dense<0.000000e+00> : vector<64x128xf32>
    %dot_general3A_18 = tpu.matmul %select_n3A, %get3A_16, %dot_general3A_17 {dimension_numbers = #tpu.dot_dimension_numbers<[1], [0], [0], [1], [0, 0, 1, 1], [], []>, precision = #tpu.contract_precision<fp32>, transpose_lhs_hint = false} : vector<64x10000xf32>, vector<10000x128xf32>, vector<64x128xf32> -> vector<64x128xf32>
    %get3A_19 = arith.constant 0 : index
    %get3A_20 = arith.constant 0 : index
    %get3A_21 = vector.load %arg3[%get3A_19, %get3A_20] : memref<10000x128xf32, #tpu.memory_space<vmem>>, vector<10000x128xf32>
    %dot_general3A_22 = arith.constant dense<0.000000e+00> : vector<64x128xf32>
    %dot_general3A_23 = tpu.matmul %select_n3A, %get3A_21, %dot_general3A_22 {dimension_numbers = #tpu.dot_dimension_numbers<[1], [0], [0], [1], [0, 0, 1, 1], [], []>, precision = #tpu.contract_precision<fp32>, transpose_lhs_hint = false} : vector<64x10000xf32>, vector<10000x128xf32>, vector<64x128xf32> -> vector<64x128xf32>
    %get3A_24 = arith.constant 0 : index
    %get3A_25 = arith.constant 0 : index
    %get3A_26 = vector.load %arg4[%get3A_24, %get3A_25] : memref<10000x128xf32, #tpu.memory_space<vmem>>, vector<10000x128xf32>
    %dot_general3A_27 = arith.constant dense<0.000000e+00> : vector<64x128xf32>
    %dot_general3A_28 = tpu.matmul %select_n3A, %get3A_26, %dot_general3A_27 {dimension_numbers = #tpu.dot_dimension_numbers<[1], [0], [0], [1], [0, 0, 1, 1], [], []>, precision = #tpu.contract_precision<fp32>, transpose_lhs_hint = false} : vector<64x10000xf32>, vector<10000x128xf32>, vector<64x128xf32> -> vector<64x128xf32>
    %concatenate3A = tpu.concatenate %dot_general3A_8, %dot_general3A_13, %dot_general3A_18, %dot_general3A_23, %dot_general3A_28 in 1 : vector<64x128xf32>, vector<64x128xf32>, vector<64x128xf32>, vector<64x128xf32>, vector<64x128xf32> -> vector<64x640xf32>
    %get3A_29 = arith.constant 0 : index
    %get3A_30 = arith.constant 0 : index
    %get3A_31 = vector.load %arg6[%get3A_29, %get3A_30] : memref<640x640xf32, #tpu.memory_space<vmem>>, vector<640x640xf32>
    %dot_general3A_32 = arith.constant dense<0.000000e+00> : vector<64x640xf32>
    %dot_general3A_33 = tpu.matmul %concatenate3A, %get3A_31, %dot_general3A_32 {dimension_numbers = #tpu.dot_dimension_numbers<[1], [0], [0], [1], [0, 0, 1, 1], [], []>, transpose_lhs_hint = false} : vector<64x640xf32>, vector<640x640xf32>, vector<64x640xf32> -> vector<64x640xf32>
    %get3A_34 = arith.constant 0 : index
    %get3A_35 = arith.constant 0 : index
    %get3A_36 = vector.load %arg7[%get3A_34, %get3A_35] : memref<1x640xf32, #tpu.memory_space<vmem>>, vector<1x640xf32>
    %add3A = vector.broadcast %get3A_36 : vector<1x640xf32> to vector<64x640xf32>
    %add3A_37 = arith.addf %dot_general3A_33, %add3A : vector<64x640xf32>
    %max3A = arith.constant 0.000000e+00 : f32
    %max3A_38 = vector.broadcast %max3A : f32 to vector<64x640xf32>
    %max3A_39 = arith.maximumf %add3A_37, %max3A_38 : vector<64x640xf32>
    %get3A_40 = arith.constant 0 : index
    %get3A_41 = arith.constant 0 : index
    %get3A_42 = vector.load %arg8[%get3A_40, %get3A_41] : memref<640x1xf32, #tpu.memory_space<vmem>>, vector<640x1xf32>
    %dot_general3A_43 = arith.constant dense<0.000000e+00> : vector<64x1xf32>
    %dot_general3A_44 = tpu.matmul %max3A_39, %get3A_42, %dot_general3A_43 {dimension_numbers = #tpu.dot_dimension_numbers<[1], [0], [0], [1], [0, 0, 1, 1], [], []>, transpose_lhs_hint = false} : vector<64x640xf32>, vector<640x1xf32>, vector<64x1xf32> -> vector<64x1xf32>
    %get3A_45 = arith.constant 0 : index
    %get3A_46 = arith.constant 0 : index
    %get3A_47 = vector.load %arg9[%get3A_45, %get3A_46] : memref<1x1xf32, #tpu.memory_space<vmem>>, vector<1x1xf32>
    %add3A_48 = vector.broadcast %get3A_47 : vector<1x1xf32> to vector<64x1xf32>
    %add3A_49 = arith.addf %dot_general3A_44, %add3A_48 : vector<64x1xf32>
    %swap3A = arith.constant 0 : index
    %swap3A_50 = arith.constant 0 : index
    %swap3A_51 = vector.load %arg10[%swap3A, %swap3A_50] : memref<64x1xf32, #tpu.memory_space<vmem>>, vector<64x1xf32>
    tpu.vector_store %arg10[%swap3A, %swap3A_50], %add3A_49 {strides = array<i32>} : memref<64x1xf32, #tpu.memory_space<vmem>>, vector<64x1xf32>,
    return
  }
}

</mosaic_0001>

<sc_bundles>
// kernel: kernel.12.cloned.1.call-start
scs
__scs_entry_jumppad:
0x0: {  	(pc) =	sbr.rel $0x88, $3  }
0x1: {  	(tag) =	ssettag $0x0;
	lr =	simm.s32 $0x1  }
0x2: {  	[smem:$0x3F89] =	sst lr;
	_ =	strace $0xD0000000  }
0x3: {  	_ = 	snop  }
0x4: {  	_ = 	snop  }
0x5: {  	_ = 	snop  }
0x6: {  	_ = 	snop  }
0x7: {  	_ = 	snop  }
__scs_overlays_trampoline_lowered:
0x8: {  	[smem:$0x3F98] =	sst s0  }
0x9: {  	[smem:$0x3F99] =	sst s1  }
0xa: {  	[smem:$0x3F9A] =	sst s2  }
0xb: {  	[smem:$0x3F9B] =	sst s3  }
0xc: {  	[smem:$0x3F9C] =	sst s4  }
0xd: {  	[smem:$0x3F9D] =	sst s5  }
0xe: {  	[smem:$0x3F9E] =	sst s6  }
0xf: {  	[smem:$0x3F9F] =	sst s7  }
0x10: {  	[smem:$0x3FA0] =	sst s8  }
0x11: {  	[smem:$0x3FA1] =	sst s9;
	s0 =	simm.s32 @!p0 $0x0  }
0x12: {  	s1 =	sld [smem:$0x3F87];
	s0 =	simm.s32 @p0 $0x1  }
0x13: {  	[smem:$0x3FA2] =	sst s0;
	s0 =	simm.s32 @!p1 $0x0  }
0x14: {  	s2 =	sld [smem:$0x3F86];
	s0 =	simm.s32 @p1 $0x1  }
0x15: {  	[smem:$0x3FA3] =	sst s0;
	s0 =	simm.s32 @!p2 $0x0  }
0x16: {  	s3 =	sld [smem:$0x3FDB];
	s0 =	simm.s32 @p2 $0x1  }
0x17: {  	s4 =	simm.s32 $0x1BF5;
	[smem:$0x3FA5] =	sst s0  }
0x18: {  	s0 =	sld [smem:$0x3F88];
	_ =	swait.ge [sflag:s4], $0x0  }
0x19: {  	s7 =	sld [smem:$0x3F89]  }
0x1a: {  	s8 =	sadd.s32 $0xFFFFE003, lr  }
0x1b: {  	s9 =	sadd.s32 $0xFFFFFEF7, lr;
	s5 =	simm.s32 $0xFFFFFFFF;
	p2 =	slt.u32 s8, $0xFFFFF086  }
0x1c: {  	p1 =	slt.u32 s9, $0xF7A;
	s5 =	simm.s32 @!p2 $0x0  }
0x1d: {  	s5 =	simm.s32 @p1 $0x1;
	p0 =	seq.s32 s7, s2  }
0x1e: {  	s7 =	smul.u32 @!p0 $0xF7A, s2;
	p2 =	seq.s32 @!p0 s5, $0x0  }
0x1f: {  	s9 =	smul.u32 $0xF7A, s1;
	s8 =	simm.s32 @!p0 $0x1BF5;
	p2 =	por !p2, p0  }
0x20: {  	[sflag:s8] =	ssyncset.s32 @!p0 $0xFFFFF086;
	s6 =	sadd.s32 @!p0 s3, s7;
	s7 =	simm.s32 @!p0 $0x108  }
0x21: {  	s3 =	sadd.s32 s3, s9;
	s6 =	sadd.s32 @!p0 $0x88, s6;
	s7 =	simm.s32 @p2 $0x1082  }
0x22: {  	[simem:s7], [sflag:s8] =	dma.local @!p0 [hbm:s6], $0xF7A  }
0x23: {  	s9 =	sor.u32 $0xD0000000, s2;
	s6 =	simm.s32 $0x108;
	_ =	swait.ge @!p0 [sflag:s8], $0x0  }
0x24: {  	s3 =	sadd.s32 $0x88, s3;
	s6 =	simm.s32 @!p1 $0x1082;
	[sflag:s4] =	ssyncset.s32 $0xFFFFF086  }
0x25: {  	[simem:s6], [sflag:s4] =	dma.local [hbm:s3], $0xF7A  }
0x26: {  	[smem:$0x3F89] =	sst s1;
	(tag) =	ssettag s2;
	_ =	strace s9  }
0x27: {  	s1 =	sld [smem:$0x3F99]  }
0x28: {  	s2 =	sld [smem:$0x3F9A]  }
0x29: {  	s4 =	sld [smem:$0x3F9C]  }
0x2a: {  	p0 =	seq.s32 s5, $0x0;
	s5 =	sld [smem:$0x3F9D]  }
0x2b: {  	s6 =	sld [smem:$0x3F9E]  }
0x2c: {  	s7 =	sld [smem:$0x3F9F]  }
0x2d: {  	s3 =	simm.s32 $0x108;
	s8 =	sld [smem:$0x3FA0]  }
0x2e: {  	s3 =	simm.s32 @!p0 $0x1082;
	s9 =	sld [smem:$0x3FA1]  }
0x2f: {  	lr =	sadd.s32 s0, s3;
	s0 =	sld [smem:$0x3F98]  }
0x30: {  	s3 =	sld [smem:$0x3F9B]  }
0x31: {  	[smem:$0x3FA4] =	sst s10  }
0x32: {  	s10 =	sld [smem:$0x3FA2];
	_ =	sdelay $0x3  }
0x33: {  	p0 =	seq.s32 s10, $0x1;
	s10 =	sld [smem:$0x3FA4];
	_ =	sdelay $0x3  }
0x34: {  	[smem:$0x3FA4] =	sst s10  }
0x35: {  	s10 =	sld [smem:$0x3FA3];
	_ =	sdelay $0x3  }
0x36: {  	p1 =	seq.s32 s10, $0x1;
	s10 =	sld [smem:$0x3FA4];
	_ =	sdelay $0x3  }
0x37: {  	[smem:$0x3FA4] =	sst s10  }
0x38: {  	s10 =	sld [smem:$0x3FA5]  }
0x39: {  	_ = 	snop;
	(pc) =	sbr.ind lr, $3  }
0x3a: {  	_ = 	snop  }
0x3b: {  	_ = 	snop  }
0x3c: {  	p2 =	seq.s32 s10, $0x1;
	s10 =	sld [smem:$0x3FA4]  }
0x3d: {  	_ =	shalt  }
0x3e: {  	_ =	shalt  }
0x3f: {  	_ =	shalt  }
0x40: {  	_ =	shalt  }
0x41: {  	_ =	shalt  }
0x42: {  	_ =	shalt  }
0x43: {  	_ =	shalt  }
0x44: {  	_ =	shalt  }
0x45: {  	_ =	shalt  }
0x46: {  	_ =	shalt  }
0x47: {  	_ =	shalt  }
0x48: {  	_ =	shalt  }
0x49: {  	_ =	shalt  }
0x4a: {  	_ =	shalt  }
0x4b: {  	_ =	shalt  }
0x4c: {  	_ =	shalt  }
0x4d: {  	_ =	shalt  }
0x4e: {  	_ =	shalt  }
0x4f: {  	_ =	shalt  }
0x50: {  	_ =	shalt  }
0x51: {  	_ =	shalt  }
0x52: {  	_ =	shalt  }
0x53: {  	_ =	shalt  }
0x54: {  	_ =	shalt  }
0x55: {  	_ =	shalt  }
0x56: {  	_ =	shalt  }
0x57: {  	_ =	shalt  }
0x58: {  	_ =	shalt  }
0x59: {  	_ =	shalt  }
0x5a: {  	_ =	shalt  }
0x5b: {  	_ =	shalt  }
0x5c: {  	_ =	shalt  }
0x5d: {  	_ =	shalt  }
0x5e: {  	_ =	shalt  }
0x5f: {  	_ =	shalt  }
0x60: {  	_ =	shalt  }
0x61: {  	_ =	shalt  }
0x62: {  	_ =	shalt  }
0x63: {  	_ =	shalt  }
0x64: {  	_ =	shalt  }
0x65: {  	_ =	shalt  }
0x66: {  	_ =	shalt  }
0x67: {  	_ =	shalt  }
0x68: {  	_ =	shalt  }
0x69: {  	_ =	shalt  }
0x6a: {  	_ =	shalt  }
0x6b: {  	_ =	shalt  }
0x6c: {  	_ =	shalt  }
0x6d: {  	_ =	shalt  }
0x6e: {  	_ =	shalt  }
0x6f: {  	_ =	shalt  }
0x70: {  	_ =	shalt  }
0x71: {  	_ =	shalt  }
0x72: {  	_ =	shalt  }
0x73: {  	_ =	shalt  }
0x74: {  	_ =	shalt  }
0x75: {  	_ =	shalt  }
0x76: {  	_ =	shalt  }
0x77: {  	_ =	shalt  }
0x78: {  	_ =	shalt  }
0x79: {  	_ =	shalt  }
0x7a: {  	_ =	shalt  }
0x7b: {  	_ =	shalt  }
0x7c: {  	_ =	shalt  }
0x7d: {  	_ =	shalt  }
0x7e: {  	_ =	shalt  }
0x7f: {  	_ =	shalt  }
0x80: {  	_ =	shalt  }
0x81: {  	_ =	shalt  }
0x82: {  	_ =	shalt  }
0x83: {  	_ =	shalt  }
0x84: {  	_ =	shalt  }
0x85: {  	_ =	shalt  }
0x86: {  	_ =	shalt  }
0x87: {  	_ =	shalt  }
.Lfunc_end0:
.L_simem_size_0:
called_computation_lowered:
.L_overlay_start_0:
0x88: {  	s2 =	sld [smem:$0x3FD9]  }
0x89: {  	s3 =	sld [smem:$0x3FFE];
	_ =	sdelay $0x1  }
0x8a: {  	s1 =	srdreg.scid  }
0x8b: {  	s0 =	sand.u32 $0x1, s1  }
0x8c: {  	s16 =	sshll.u32 s0, $0xA;
	s2 =	sadd.s32 s3, s2  }
0x8d: {  	s2 =	sadd.s32 s2, s16  }
0x8e: {  	[smem:$0x3FB0] =	sst s2  }
0x8f: {  	_ = 	snop  }
0x90: {  	(tm) =	ssettm $0x1  }
0x91: {  	s17 =	sld [smem:$0x3FFB];
	_ =	sdelay $0x3  }
0x92: {  	_ =	strace s17  }
0x93: {  	s2 =	sld [smem:$0x3FFC];
	_ =	sdelay $0x3  }
0x94: {  	_ =	strace s2  }
0x95: {  	s2 =	sld [smem:$0x3FFD];
	_ =	sdelay $0x3  }
0x96: {  	_ =	strace s2  }
0x97: {  	_ =	strace $0x8FFFFFFF  }
0x98: {  	s18 =	sld [smem:$0x3FDB];
	_ =	sdelay $0x1  }
0x99: {  	s19 =	simm.s32 $_scs_section_size  }
0x9a: {  	s4 =	simm.s32 $_size__tile_overlayer_lowered;
	s5 =	simm.s32 $_tile_overlayer_lowered  }
0x9b: {  	s22 =	simm.s32 $0x1BFF;
	s21 =	sshll.u32 s5, $0x1;
	s2 =	sadd.s32 s19, s18  }
0x9c: {  	s6 =	simm.s32 $0x0;
	s20 =	sshll.u32 s4, $0x1;
	s4 =	sadd.s32 s21, s2  }
0x9d: {  	[timem:s6], [sflag:s22] =	dma.local [hbm:s4], s20  }
0x9e: {  	_ =	swait.ge [sflag:s22], s20  }
0x9f: {  	s3 =	ssub.s32 $0x0, s20;
	[sflag:s22] =	ssyncset.done $0x0  }
0xa0: {  	[sflag:s22] =	ssyncadd.s32 s3;
	_ =	sdelay $0x1  }
0xa1: {  	s23 =	simm.s32 $0x1B8B  }
0xa2: {  	_ =	swait.ge [sflag:s23], $0x1  }
0xa3: {  	[sflag:s23] =	ssyncset.done $0x0  }
0xa4: {  	s25 =	simm.s32 $0x1B8E;
	s24 =	sld [smem:$0x3FFE];
	[sflag:s23] =	ssyncadd.s32 $0xFFFFFFFF  }
0xa5: {  	s26 =	simm.s32 $execute0_lowered;
	[smem:$0x3FD2] =	sst s25  }
0xa6: {  	s4 =	sshll.u32 s26, $0x1;
	_ =	strace $0x80000046;
	[dreg:$0x1] =	wrdreg $0xFFFFFFFF  }
0xa7: {  	s28 =	simm.s32 $_size_execute0_lowered;
	s2 =	sadd.s32 s2, s4;
	[dreg:$0x0] =	wrdreg $0x0  }
0xa8: {  	s4 =	sshll.u32 s28, $0x1;
	[dreg:$0x2] =	wrdreg s2  }
0xa9: {  	[dreg:$0x3] =	wrdreg s4  }
0xaa: {  	[dreg:$0x4] =	wrdreg $0xC0  }
0xab: {  	_ =	task [dreg:s6], $0x5FFFF  }
0xac: {  	[dreg:$0x1] =	wrdreg $0xFFFFFFFF  }
0xad: {  	[dreg:$0x0] =	wrdreg $0x60  }
0xae: {  	[dreg:$0x2] =	wrdreg s24  }
0xaf: {  	[dreg:$0x3] =	wrdreg $0xA8000  }
0xb0: {  	[dreg:$0x4] =	wrdreg $0x9  }
0xb1: {  	_ =	task.clear_ibuf [dreg:s6], $0x5FFFF;
	_ =	strace $0x90000046  }
0xb2: {  	s29 =	simm.s32 $0x9;
	_ =	strace $0x80000048  }
0xb3: {  	_ =	swait.ge [sflag:s29], $0x1  }
0xb4: {  	[sflag:s29] =	ssyncadd.s32 $0xFFFFFFFF  }
0xb5: {  	_ =	strace $0x90000048  }
0xb6: {  	_ =	sfence  }
0xb7: {  	s30 =	sld [smem:$0x0];
	_ =	sdelay $0x2  }
0xb8: {  	s31 =	sshll.u32 s1, $0xD;
	s1 =	sshrl.u32 s1, $0x2  }
0xb9: {  	s3 =	sand.u32 $0x4000, s31;
	s1 =	sadd.s32 s1, s30  }
0xba: {  	s0 =	sor.u32 s3, s0;
	s1 =	sshll.u32 s1, $0x11  }
0xbb: {  	s0 =	sor.u32 s1, s0  }
0xbc: {  	s0 =	sadd.s32 $0x8F2B, s0  }
0xbd: {  	[sflag:s0] =	ssyncadd.remote.s32 $0x1  }
0xbe: {  	_ =	sfence.sel $0xFFFF  }
0xbf: {  	[dreg:$0x0] =	wrdreg $0xFFFFFFFF;
	(pc) =	sbr.abs _section_cstart, $3  }
0xc0: {  	[dreg:$0x1] =	wrdreg $0xFFFFFFFF  }
0xc1: {  	_ =	task.clear_ibuf [dreg:s6], $0x2FFFF;
	_ =	strace $0x9FFFFFFF  }
0xc2: {  	(tm) =	ssettm $0x7FFFFFFF  }
0xc3: {  	_ =	shalt  }
tec
execute0_lowered:
.L_overlay_start_1:
0x0: {  	(tag) =	ssettag $0x1  }
0x1: {  	s6 =	rddreg [dreg:$0x0]  }
0x2: {  	s1 =	rddreg [dreg:$0x1]  }
0x3: {  	s2 =	srdreg.scid;
	s0 =	rddreg [dreg:$0x2]  }
0x4: {  	s3 =	simm.s32 $0x0;
	s15 =	simm.s32 $0x1400;
	s16 =	simm.s32 $0x80  }
0x5: {  	s17 =	simm.s32 $0x2800;
	s18 =	simm.s32 $0x6800;
	s19 =	simm.s32 $0x1  }
0x6: {  	s20 =	simm.s32 $0x2;
	s21 =	simm.s32 $0x1380;
	s22 =	simm.s32 $0x2700  }
0x7: {  	s23 =	simm.s32 $0x2780;
	s5 =	sand.u32 $0x1, s2;
	s2 =	stileid.u32  }
0x8: {  	[smem:$0x7FF] =	sst s3;
	s4 =	sadd.s32 $0x18E00, s6;
	s7 =	smul.u32 $0x13C000, s5  }
0x9: {  	s9 =	sadd.s32 $0x4E00, s6;
	s10 =	sadd.s32 $0xEE00, s6;
	s8 =	smul.u32 $0x13C00, s2  }
0xa: {  	_ =	strace $0x80000047;
	s24 =	sshll.u32 s2, $0x1;
	s11 =	ssub.s32 $0x2, s5  }
0xb: {  	s25 =	smul.u32 $0x4F000, s2;
	s28 =	sshll.u32 s2, $0x6;
	s5 =	sor.u32 s5, s24  }
0xc: {  	s12 =	sshrl.u32 s11, $0x1;
	s24 =	simm.s32 $0x0;
	s7 =	sadd.s32 s8, s7  }
0xd: {  	s13 =	smul.u32 $0x2800, s5;
	s5 =	sadd.s32 $0x40000, s6;
	s26 =	sshrl.u32 s25, $0x2  }
0xe: {  	s12 =	ssub.s32 s11, s12;
	s7 =	sshrl.u32 s7, $0x3;
	s30 =	sadd.s32 s26, s1  }
0xf: {  	s12 =	smax.u32 s12, $0x1;
	s14 =	sadd.s32 s7, s6;
	s29 =	sshrl.u32 s13, $0x3  }
0x10: {  	s6 =	sor.u32 $0x1C03, s28;
	s13 =	sshrl.u32 s30, $0x3;
	s31 =	sadd.s32 $0x280, s29  }
0x11: {  	s7 =	sadd.s32 s9, s29;
	s8 =	sadd.s32 s10, s29;
	s11 =	sadd.s32 $0x42800, s14  }
0x12: {  	s14 =	simm.s32 $0x3;
	s9 =	sadd.s32 s9, s31;
	s10 =	sadd.s32 s10, s31  }
.LBB2_1:
0x13: {  	[spmem:s13], [sflag:s6] =	dma.local [hbm:s5], $0x2780  }
0x14: {  	_ =	swait.ge [sflag:s14], $0x2780  }
0x15: {  	[sflag:s14] =	ssyncset.done $0x0  }
0x16: {  	[sflag:s14] =	ssyncadd.s32 $0xFFFFD880  }
0x17: {  	[bflag:$0x0] =	sbarrier.arrive $0xFFFF  }
0x18: {  	[tilespmem:s3], [sflag:$0x3] =	stream.linear.gather [hbm4b:s7+s3], $0x1400, $0x38;
	[tilespmem:$0x1E400] =	vst v63  }
0x19: {  	_ =	swait.ge [sflag:s14], $0x1400  }
0x1a: {  	[sflag:s14] =	ssyncset.done $0x0  }
0x1b: {  	[sflag:s14] =	ssyncadd.s32 $0xFFFFEC00  }
0x1c: {  	[tilespmem:s15], [sflag:$0x3] =	stream.linear.gather [hbm4b:s8+s3], $0x1400, $0x38;
	[tilespmem:$0x1E400] =	vst v63  }
0x1d: {  	_ =	swait.ge [sflag:s14], $0x1400  }
0x1e: {  	[sflag:s14] =	ssyncset.done $0x0  }
0x1f: {  	[sflag:s14] =	ssyncadd.s32 $0xFFFFEC00  }
0x20: {  	[tilespmem:s17], [sflag:$0x1] =	stream.indirect.gather [hbm4b:s4+s16], $0x80, s3, s16, $0xb8;
	[tilespmem:$0x1E400] =	vst v63  }
0x21: {  	s25 =	simm.s32 $0x80  }
0x22: {  	[tilespmem:s18], [sflag:$0x2] =	stream.indirect.gather [hbm4b:s4+s16], $0x80, s25, s16, $0xb8;
	[tilespmem:$0x1E400] =	vst v63  }
0x23: {  	_ =	swait.ge [sflag:s19], $0x4000  }
0x24: {  	[sflag:s19] =	ssyncset.done $0x0  }
0x25: {  	s29 =	simm.s32 $0x1400;
	[sflag:s19] =	ssyncadd.s32 $0xFFFFC000  }
0x26: {  	[spmem:s1] =	stream.indirect.scatter.add.f32 [tilespmem:s17], [sflag:$0x3], $0x80, s29, s16, $0xb8;
	[tilespmem:$0x1E400] =	vst v63  }
0x27: {  	_ =	swait.ge [sflag:s14], $0x4000  }
0x28: {  	[sflag:s14] =	ssyncset.done $0x0  }
0x29: {  	s30 =	simm.s32 $0x100;
	[sflag:s14] =	ssyncadd.s32 $0xFFFFC000  }
0x2a: {  	[tilespmem:s17], [sflag:$0x1] =	stream.indirect.gather [hbm4b:s4+s16], $0x80, s30, s16, $0xb8;
	[tilespmem:$0x1E400] =	vst v63  }
0x2b: {  	_ =	swait.ge [sflag:s20], $0x4000  }
0x2c: {  	[sflag:s20] =	ssyncset.done $0x0  }
0x2d: {  	s31 =	simm.s32 $0x1480;
	[sflag:s20] =	ssyncadd.s32 $0xFFFFC000  }
0x2e: {  	[spmem:s1] =	stream.indirect.scatter.add.f32 [tilespmem:s18], [sflag:$0x3], $0x80, s31, s16, $0xb8;
	[tilespmem:$0x1E400] =	vst v63  }
0x2f: {  	_ =	swait.ge [sflag:s14], $0x4000  }
0x30: {  	s26 =	simm.s32 $0x800;
	s25 =	simm.s32 $0x100;
	[sflag:s14] =	ssyncset.done $0x0  }
.LBB2_2:
0x31: {  	s28 =	sadd.s32 $0x80, s25  }
0x32: {  	[sflag:s14] =	ssyncadd.s32 $0xFFFFC000;
	s29 =	smov.u32 s26;
	s30 =	sadd.s32 $0x400, s26  }
0x33: {  	[tilespmem:s18], [sflag:$0x2] =	stream.indirect.gather [hbm4b:s4+s16], $0x80, s28, s16, $0xb8;
	[tilespmem:$0x1E400] =	vst v63  }
0x34: {  	p0 =	sne.s32 s26, $0x4800;
	_ =	swait.ge [sflag:s19], $0x4000  }
0x35: {  	[sflag:s19] =	ssyncset.done $0x0  }
0x36: {  	s26 =	sadd.s32 $0x1400, s25;
	[sflag:s19] =	ssyncadd.s32 $0xFFFFC000  }
0x37: {  	[spmem:s1] =	stream.indirect.scatter.add.f32 [tilespmem:s17], [sflag:$0x3], $0x80, s26, s16, $0xb8;
	[tilespmem:$0x1E400] =	vst v63  }
0x38: {  	_ =	swait.ge [sflag:s14], $0x4000  }
0x39: {  	[sflag:s14] =	ssyncset.done $0x0  }
0x3a: {  	s26 =	sadd.s32 $0x100, s25;
	[sflag:s14] =	ssyncadd.s32 $0xFFFFC000  }
0x3b: {  	[tilespmem:s17], [sflag:$0x1] =	stream.indirect.gather [hbm4b:s4+s16], $0x80, s26, s16, $0xb8;
	[tilespmem:$0x1E400] =	vst v63  }
0x3c: {  	_ =	swait.ge [sflag:s20], $0x4000  }
.Ltmp0:
0x3d: {  	[sflag:s20] =	ssyncset.done $0x0;
	(pc) =	sbr.rel @p0 .LBB2_2-.Ltmp0, $4  }
0x3e: {  	s25 =	sadd.s32 $0x1480, s25;
	[sflag:s20] =	ssyncadd.s32 $0xFFFFC000  }
0x3f: {  	[spmem:s1] =	stream.indirect.scatter.add.f32 [tilespmem:s18], [sflag:$0x3], $0x80, s25, s16, $0xb8;
	[tilespmem:$0x1E400] =	vst v63  }
0x40: {  	_ =	swait.ge [sflag:s14], $0x4000  }
0x41: {  	s26 =	smov.u32 s30;
	s25 =	sshra.s32 s29, $0x2;
	[sflag:s14] =	ssyncset.done $0x0  }
0x42: {  	s26 =	sadd.s32 $0x80, s25;
	[sflag:s14] =	ssyncadd.s32 $0xFFFFC000  }
0x43: {  	[tilespmem:s18], [sflag:$0x2] =	stream.indirect.gather [hbm4b:s4+s16], $0x80, s26, s16, $0xb8;
	[tilespmem:$0x1E400] =	vst v63  }
0x44: {  	_ =	swait.ge [sflag:s19], $0x4000  }
0x45: {  	[sflag:s19] =	ssyncset.done $0x0  }
0x46: {  	s29 =	sadd.s32 $0x1400, s25;
	[sflag:s19] =	ssyncadd.s32 $0xFFFFC000  }
0x47: {  	[spmem:s1] =	stream.indirect.scatter.add.f32 [tilespmem:s17], [sflag:$0x3], $0x80, s29, s16, $0xb8;
	[tilespmem:$0x1E400] =	vst v63  }
0x48: {  	_ =	swait.ge [sflag:s14], $0x4000  }
0x49: {  	[sflag:s14] =	ssyncset.done $0x0  }
0x4a: {  	s30 =	sadd.s32 $0x100, s25;
	[sflag:s14] =	ssyncadd.s32 $0xFFFFC000  }
0x4b: {  	[tilespmem:s17], [sflag:$0x1] =	stream.indirect.gather [hbm4b:s4+s16], $0x80, s30, s16, $0xb8;
	[tilespmem:$0x1E400] =	vst v63  }
0x4c: {  	_ =	swait.ge [sflag:s20], $0x4000  }
0x4d: {  	[sflag:s20] =	ssyncset.done $0x0  }
0x4e: {  	s31 =	sadd.s32 $0x1480, s25;
	[sflag:s20] =	ssyncadd.s32 $0xFFFFC000  }
0x4f: {  	[spmem:s1] =	stream.indirect.scatter.add.f32 [tilespmem:s18], [sflag:$0x3], $0x80, s31, s16, $0xb8;
	[tilespmem:$0x1E400] =	vst v63  }
0x50: {  	_ =	swait.ge [sflag:s14], $0x4000  }
0x51: {  	[sflag:s14] =	ssyncset.done $0x0  }
0x52: {  	[sflag:s14] =	ssyncadd.s32 $0xFFFFC000  }
0x53: {  	[tilespmem:s18], [sflag:$0x2] =	stream.indirect.gather [hbm4b:s4+s16], $0x80, s21, s16, $0xb8;
	[tilespmem:$0x1E400] =	vst v63  }
0x54: {  	_ =	swait.ge [sflag:s19], $0x4000  }
0x55: {  	[sflag:s19] =	ssyncset.done $0x0  }
0x56: {  	[sflag:s19] =	ssyncadd.s32 $0xFFFFC000  }
0x57: {  	[spmem:s1] =	stream.indirect.scatter.add.f32 [tilespmem:s17], [sflag:$0x3], $0x80, s22, s16, $0xb8;
	[tilespmem:$0x1E400] =	vst v63  }
0x58: {  	_ =	swait.ge [sflag:s14], $0x4000  }
0x59: {  	[sflag:s14] =	ssyncset.done $0x0  }
0x5a: {  	[sflag:s14] =	ssyncadd.s32 $0xFFFFC000  }
0x5b: {  	_ =	swait.ge [sflag:s20], $0x4000  }
0x5c: {  	[sflag:s20] =	ssyncset.done $0x0  }
0x5d: {  	[sflag:s20] =	ssyncadd.s32 $0xFFFFC000  }
0x5e: {  	[spmem:s1] =	stream.indirect.scatter.add.f32 [tilespmem:s18], [sflag:$0x3], $0x80, s23, s16, $0xb8;
	[tilespmem:$0x1E400] =	vst v63  }
0x5f: {  	_ =	swait.ge [sflag:s14], $0x4000  }
0x60: {  	[sflag:s14] =	ssyncset.done $0x0  }
0x61: {  	s26 =	simm.s32 $0x0;
	[sflag:s14] =	ssyncadd.s32 $0xFFFFC000  }
0x62: {  	[tilespmem:s26], [sflag:$0x3] =	stream.linear.gather [hbm4b:s9+s26], $0x1400, $0x38;
	[tilespmem:$0x1E400] =	vst v63  }
0x63: {  	_ =	swait.ge [sflag:s14], $0x1400  }
0x64: {  	[sflag:s14] =	ssyncset.done $0x0  }
0x65: {  	[sflag:s14] =	ssyncadd.s32 $0xFFFFEC00  }
0x66: {  	[tilespmem:s15], [sflag:$0x3] =	stream.linear.gather [hbm4b:s10+s26], $0x1400, $0x38;
	[tilespmem:$0x1E400] =	vst v63  }
0x67: {  	_ =	swait.ge [sflag:s14], $0x1400  }
0x68: {  	[sflag:s14] =	ssyncset.done $0x0  }
0x69: {  	[sflag:s14] =	ssyncadd.s32 $0xFFFFEC00  }
0x6a: {  	[tilespmem:s17], [sflag:$0x1] =	stream.indirect.gather [hbm4b:s4+s16], $0x80, s26, s16, $0xb8;
	[tilespmem:$0x1E400] =	vst v63  }
0x6b: {  	s28 =	simm.s32 $0x80  }
0x6c: {  	[tilespmem:s18], [sflag:$0x2] =	stream.indirect.gather [hbm4b:s4+s16], $0x80, s28, s16, $0xb8;
	[tilespmem:$0x1E400] =	vst v63  }
0x6d: {  	_ =	swait.ge [sflag:s19], $0x4000  }
0x6e: {  	[sflag:s19] =	ssyncset.done $0x0  }
0x6f: {  	s29 =	simm.s32 $0x1400;
	[sflag:s19] =	ssyncadd.s32 $0xFFFFC000  }
0x70: {  	[spmem:s1] =	stream.indirect.scatter.add.f32 [tilespmem:s17], [sflag:$0x3], $0x80, s29, s16, $0xb8;
	[tilespmem:$0x1E400] =	vst v63  }
0x71: {  	_ =	swait.ge [sflag:s14], $0x4000  }
0x72: {  	[sflag:s14] =	ssyncset.done $0x0  }
0x73: {  	s30 =	simm.s32 $0x100;
	[sflag:s14] =	ssyncadd.s32 $0xFFFFC000  }
0x74: {  	[tilespmem:s17], [sflag:$0x1] =	stream.indirect.gather [hbm4b:s4+s16], $0x80, s30, s16, $0xb8;
	[tilespmem:$0x1E400] =	vst v63  }
0x75: {  	_ =	swait.ge [sflag:s20], $0x4000  }
0x76: {  	[sflag:s20] =	ssyncset.done $0x0  }
0x77: {  	s31 =	simm.s32 $0x1480;
	[sflag:s20] =	ssyncadd.s32 $0xFFFFC000  }
0x78: {  	[spmem:s1] =	stream.indirect.scatter.add.f32 [tilespmem:s18], [sflag:$0x3], $0x80, s31, s16, $0xb8;
	[tilespmem:$0x1E400] =	vst v63  }
0x79: {  	_ =	swait.ge [sflag:s14], $0x4000  }
0x7a: {  	s25 =	simm.s32 $0x100;
	s26 =	simm.s32 $0x800;
	[sflag:s14] =	ssyncset.done $0x0  }
.LBB2_4:
0x7b: {  	s28 =	sadd.s32 $0x80, s25  }
0x7c: {  	[sflag:s14] =	ssyncadd.s32 $0xFFFFC000;
	s29 =	smov.u32 s26;
	s30 =	sadd.s32 $0x400, s26  }
0x7d: {  	[tilespmem:s18], [sflag:$0x2] =	stream.indirect.gather [hbm4b:s4+s16], $0x80, s28, s16, $0xb8;
	[tilespmem:$0x1E400] =	vst v63  }
0x7e: {  	p0 =	sne.s32 s26, $0x4800;
	_ =	swait.ge [sflag:s19], $0x4000  }
0x7f: {  	[sflag:s19] =	ssyncset.done $0x0  }
0x80: {  	s26 =	sadd.s32 $0x1400, s25;
	[sflag:s19] =	ssyncadd.s32 $0xFFFFC000  }
0x81: {  	[spmem:s1] =	stream.indirect.scatter.add.f32 [tilespmem:s17], [sflag:$0x3], $0x80, s26, s16, $0xb8;
	[tilespmem:$0x1E400] =	vst v63  }
0x82: {  	_ =	swait.ge [sflag:s14], $0x4000  }
0x83: {  	[sflag:s14] =	ssyncset.done $0x0  }
0x84: {  	s26 =	sadd.s32 $0x100, s25;
	[sflag:s14] =	ssyncadd.s32 $0xFFFFC000  }
0x85: {  	[tilespmem:s17], [sflag:$0x1] =	stream.indirect.gather [hbm4b:s4+s16], $0x80, s26, s16, $0xb8;
	[tilespmem:$0x1E400] =	vst v63  }
0x86: {  	_ =	swait.ge [sflag:s20], $0x4000  }
.Ltmp1:
0x87: {  	[sflag:s20] =	ssyncset.done $0x0;
	(pc) =	sbr.rel @p0 .LBB2_4-.Ltmp1, $4  }
0x88: {  	s25 =	sadd.s32 $0x1480, s25;
	[sflag:s20] =	ssyncadd.s32 $0xFFFFC000  }
0x89: {  	[spmem:s1] =	stream.indirect.scatter.add.f32 [tilespmem:s18], [sflag:$0x3], $0x80, s25, s16, $0xb8;
	[tilespmem:$0x1E400] =	vst v63  }
0x8a: {  	_ =	swait.ge [sflag:s14], $0x4000  }
0x8b: {  	s26 =	smov.u32 s30;
	s25 =	sshra.s32 s29, $0x2;
	[sflag:s14] =	ssyncset.done $0x0  }
0x8c: {  	s26 =	sadd.s32 $0x80, s25;
	[sflag:s14] =	ssyncadd.s32 $0xFFFFC000  }
0x8d: {  	[tilespmem:s18], [sflag:$0x2] =	stream.indirect.gather [hbm4b:s4+s16], $0x80, s26, s16, $0xb8;
	[tilespmem:$0x1E400] =	vst v63  }
0x8e: {  	_ =	swait.ge [sflag:s19], $0x4000  }
0x8f: {  	[sflag:s19] =	ssyncset.done $0x0  }
0x90: {  	s29 =	sadd.s32 $0x1400, s25;
	[sflag:s19] =	ssyncadd.s32 $0xFFFFC000  }
0x91: {  	[spmem:s1] =	stream.indirect.scatter.add.f32 [tilespmem:s17], [sflag:$0x3], $0x80, s29, s16, $0xb8;
	[tilespmem:$0x1E400] =	vst v63  }
0x92: {  	_ =	swait.ge [sflag:s14], $0x4000  }
0x93: {  	[sflag:s14] =	ssyncset.done $0x0  }
0x94: {  	s30 =	sadd.s32 $0x100, s25;
	[sflag:s14] =	ssyncadd.s32 $0xFFFFC000  }
0x95: {  	[tilespmem:s17], [sflag:$0x1] =	stream.indirect.gather [hbm4b:s4+s16], $0x80, s30, s16, $0xb8;
	[tilespmem:$0x1E400] =	vst v63  }
0x96: {  	_ =	swait.ge [sflag:s20], $0x4000  }
0x97: {  	[sflag:s20] =	ssyncset.done $0x0  }
0x98: {  	s31 =	sadd.s32 $0x1480, s25;
	[sflag:s20] =	ssyncadd.s32 $0xFFFFC000  }
0x99: {  	[spmem:s1] =	stream.indirect.scatter.add.f32 [tilespmem:s18], [sflag:$0x3], $0x80, s31, s16, $0xb8;
	[tilespmem:$0x1E400] =	vst v63  }
0x9a: {  	_ =	swait.ge [sflag:s14], $0x4000  }
0x9b: {  	[sflag:s14] =	ssyncset.done $0x0  }
0x9c: {  	[sflag:s14] =	ssyncadd.s32 $0xFFFFC000  }
0x9d: {  	[tilespmem:s18], [sflag:$0x2] =	stream.indirect.gather [hbm4b:s4+s16], $0x80, s21, s16, $0xb8;
	[tilespmem:$0x1E400] =	vst v63  }
0x9e: {  	_ =	swait.ge [sflag:s19], $0x4000  }
0x9f: {  	[sflag:s19] =	ssyncset.done $0x0  }
0xa0: {  	[sflag:s19] =	ssyncadd.s32 $0xFFFFC000  }
0xa1: {  	[spmem:s1] =	stream.indirect.scatter.add.f32 [tilespmem:s17], [sflag:$0x3], $0x80, s22, s16, $0xb8;
	[tilespmem:$0x1E400] =	vst v63  }
0xa2: {  	_ =	swait.ge [sflag:s14], $0x4000  }
0xa3: {  	[sflag:s14] =	ssyncset.done $0x0  }
0xa4: {  	[sflag:s14] =	ssyncadd.s32 $0xFFFFC000  }
0xa5: {  	_ =	swait.ge [sflag:s20], $0x4000  }
0xa6: {  	[sflag:s20] =	ssyncset.done $0x0  }
0xa7: {  	[sflag:s20] =	ssyncadd.s32 $0xFFFFC000  }
0xa8: {  	[spmem:s1] =	stream.indirect.scatter.add.f32 [tilespmem:s18], [sflag:$0x3], $0x80, s23, s16, $0xb8;
	[tilespmem:$0x1E400] =	vst v63  }
0xa9: {  	_ =	swait.ge [sflag:s14], $0x4000  }
0xaa: {  	s24 =	sadd.s32 $0x1, s24;
	[sflag:s14] =	ssyncset.done $0x0  }
0xab: {  	p0 =	sne.s32 s24, s12;
	[sflag:s14] =	ssyncadd.s32 $0xFFFFC000  }
.Ltmp2:
0xac: {  	[bflag:$0x0] =	sbarrier.arrive $0xFFFF;
	(pc) =	sbr.rel @p0 .LBB2_1-.Ltmp2, $4  }
0xad: {  	[hbm:s11], [sflag:s6] =	dma.local [spmem:s13], $0x2780  }
0xae: {  	_ =	swait.ge [sflag:s14], $0x2780  }
0xaf: {  	[sflag:s14] =	ssyncset.done $0x0  }
0xb0: {  	[sflag:s14] =	ssyncadd.s32 $0xFFFFD880  }
0xb1: {  	_ =	sfence.sel $0x180000  }
0xb2: {  	[bflag:$0x0] =	sbarrier.arrive $0xFFFF  }
0xb3: {  	p0 =	sne.s32 s2, $0x0;
	_ =	strace $0x90000047  }
0xb4: {  	s0 =	sadd.s32 @!p0 $0x100000, s0;
	[bflag:$0x2] =	sbarrier.arrive $0xFFFF  }
0xb5: {  	[sflag:s0] =	ssyncadd.tile.s32 @!p0 $0x1;
	_ =	shalt  }
.Lfunc_end2:
_tile_overlayer_lowered:
.L_overlay_start_2:
0xb6: {  	(tag) =	ssettag $0x2  }
0xb7: {  	s0 =	rddreg [dreg:$0x0];
	s2 =	stileid.u32  }
0xb8: {  	s1 =	rddreg [dreg:$0x1];
	p0 =	sne.s32 s2, $0x0  }
0xb9: {  	s3 =	rddreg [dreg:$0x2];
	[bflag:$0x3] =	sbarrier.arrive $0xFFFF;
	s2 =	simm.s32 @!p0 $0x1C03  }
0xba: {  	[timem:s3], [sflag:s2] =	dma.local @!p0 [hbm:s0], s1  }
0xbb: {  	s0 =	simm.s32 @!p0 $0x3  }
0xbc: {  	_ =	swait.ge @!p0 [sflag:s0], s1  }
0xbd: {  	s1 =	ssub.s32 @!p0 $0x0, s1;
	[sflag:s0] =	ssyncset.done @!p0 $0x0  }
0xbe: {  	[sflag:s0] =	ssyncadd.s32 @!p0 s1  }
0xbf: {  	[bflag:$0x3] =	sbarrier.arrive $0xFFFF  }
0xc0: {  	_ =	shalt  }

// kernel: kernel.15.cloned.1.call-start
scs
__scs_entry_jumppad:
0x0: {  	(pc) =	sbr.rel $0x88, $3  }
0x1: {  	(tag) =	ssettag $0x0;
	lr =	simm.s32 $0x1  }
0x2: {  	[smem:$0x3F89] =	sst lr;
	_ =	strace $0xD0000000  }
0x3: {  	_ = 	snop  }
0x4: {  	_ = 	snop  }
0x5: {  	_ = 	snop  }
0x6: {  	_ = 	snop  }
0x7: {  	_ = 	snop  }
__scs_overlays_trampoline_lowered:
0x8: {  	[smem:$0x3F98] =	sst s0  }
0x9: {  	[smem:$0x3F99] =	sst s1  }
0xa: {  	[smem:$0x3F9A] =	sst s2  }
0xb: {  	[smem:$0x3F9B] =	sst s3  }
0xc: {  	[smem:$0x3F9C] =	sst s4  }
0xd: {  	[smem:$0x3F9D] =	sst s5  }
0xe: {  	[smem:$0x3F9E] =	sst s6  }
0xf: {  	[smem:$0x3F9F] =	sst s7  }
0x10: {  	[smem:$0x3FA0] =	sst s8  }
0x11: {  	[smem:$0x3FA1] =	sst s9;
	s0 =	simm.s32 @!p0 $0x0  }
0x12: {  	s1 =	sld [smem:$0x3F87];
	s0 =	simm.s32 @p0 $0x1  }
0x13: {  	[smem:$0x3FA2] =	sst s0;
	s0 =	simm.s32 @!p1 $0x0  }
0x14: {  	s2 =	sld [smem:$0x3F86];
	s0 =	simm.s32 @p1 $0x1  }
0x15: {  	[smem:$0x3FA3] =	sst s0;
	s0 =	simm.s32 @!p2 $0x0  }
0x16: {  	s3 =	sld [smem:$0x3FDB];
	s0 =	simm.s32 @p2 $0x1  }
0x17: {  	s4 =	simm.s32 $0x1BF5;
	[smem:$0x3FA5] =	sst s0  }
0x18: {  	s0 =	sld [smem:$0x3F88];
	_ =	swait.ge [sflag:s4], $0x0  }
0x19: {  	s7 =	sld [smem:$0x3F89]  }
0x1a: {  	s8 =	sadd.s32 $0xFFFFE003, lr  }
0x1b: {  	s9 =	sadd.s32 $0xFFFFFEF7, lr;
	s5 =	simm.s32 $0xFFFFFFFF;
	p2 =	slt.u32 s8, $0xFFFFF086  }
0x1c: {  	p1 =	slt.u32 s9, $0xF7A;
	s5 =	simm.s32 @!p2 $0x0  }
0x1d: {  	s5 =	simm.s32 @p1 $0x1;
	p0 =	seq.s32 s7, s2  }
0x1e: {  	s7 =	smul.u32 @!p0 $0xF7A, s2;
	p2 =	seq.s32 @!p0 s5, $0x0  }
0x1f: {  	s9 =	smul.u32 $0xF7A, s1;
	s8 =	simm.s32 @!p0 $0x1BF5;
	p2 =	por !p2, p0  }
0x20: {  	[sflag:s8] =	ssyncset.s32 @!p0 $0xFFFFF086;
	s6 =	sadd.s32 @!p0 s3, s7;
	s7 =	simm.s32 @!p0 $0x108  }
0x21: {  	s3 =	sadd.s32 s3, s9;
	s6 =	sadd.s32 @!p0 $0x88, s6;
	s7 =	simm.s32 @p2 $0x1082  }
0x22: {  	[simem:s7], [sflag:s8] =	dma.local @!p0 [hbm:s6], $0xF7A  }
0x23: {  	s9 =	sor.u32 $0xD0000000, s2;
	s6 =	simm.s32 $0x108;
	_ =	swait.ge @!p0 [sflag:s8], $0x0  }
0x24: {  	s3 =	sadd.s32 $0x88, s3;
	s6 =	simm.s32 @!p1 $0x1082;
	[sflag:s4] =	ssyncset.s32 $0xFFFFF086  }
0x25: {  	[simem:s6], [sflag:s4] =	dma.local [hbm:s3], $0xF7A  }
0x26: {  	[smem:$0x3F89] =	sst s1;
	(tag) =	ssettag s2;
	_ =	strace s9  }
0x27: {  	s1 =	sld [smem:$0x3F99]  }
0x28: {  	s2 =	sld [smem:$0x3F9A]  }
0x29: {  	s4 =	sld [smem:$0x3F9C]  }
0x2a: {  	p0 =	seq.s32 s5, $0x0;
	s5 =	sld [smem:$0x3F9D]  }
0x2b: {  	s6 =	sld [smem:$0x3F9E]  }
0x2c: {  	s7 =	sld [smem:$0x3F9F]  }
0x2d: {  	s3 =	simm.s32 $0x108;
	s8 =	sld [smem:$0x3FA0]  }
0x2e: {  	s3 =	simm.s32 @!p0 $0x1082;
	s9 =	sld [smem:$0x3FA1]  }
0x2f: {  	lr =	sadd.s32 s0, s3;
	s0 =	sld [smem:$0x3F98]  }
0x30: {  	s3 =	sld [smem:$0x3F9B]  }
0x31: {  	[smem:$0x3FA4] =	sst s10  }
0x32: {  	s10 =	sld [smem:$0x3FA2];
	_ =	sdelay $0x3  }
0x33: {  	p0 =	seq.s32 s10, $0x1;
	s10 =	sld [smem:$0x3FA4];
	_ =	sdelay $0x3  }
0x34: {  	[smem:$0x3FA4] =	sst s10  }
0x35: {  	s10 =	sld [smem:$0x3FA3];
	_ =	sdelay $0x3  }
0x36: {  	p1 =	seq.s32 s10, $0x1;
	s10 =	sld [smem:$0x3FA4];
	_ =	sdelay $0x3  }
0x37: {  	[smem:$0x3FA4] =	sst s10  }
0x38: {  	s10 =	sld [smem:$0x3FA5]  }
0x39: {  	_ = 	snop;
	(pc) =	sbr.ind lr, $3  }
0x3a: {  	_ = 	snop  }
0x3b: {  	_ = 	snop  }
0x3c: {  	p2 =	seq.s32 s10, $0x1;
	s10 =	sld [smem:$0x3FA4]  }
0x3d: {  	_ =	shalt  }
0x3e: {  	_ =	shalt  }
0x3f: {  	_ =	shalt  }
0x40: {  	_ =	shalt  }
0x41: {  	_ =	shalt  }
0x42: {  	_ =	shalt  }
0x43: {  	_ =	shalt  }
0x44: {  	_ =	shalt  }
0x45: {  	_ =	shalt  }
0x46: {  	_ =	shalt  }
0x47: {  	_ =	shalt  }
0x48: {  	_ =	shalt  }
0x49: {  	_ =	shalt  }
0x4a: {  	_ =	shalt  }
0x4b: {  	_ =	shalt  }
0x4c: {  	_ =	shalt  }
0x4d: {  	_ =	shalt  }
0x4e: {  	_ =	shalt  }
0x4f: {  	_ =	shalt  }
0x50: {  	_ =	shalt  }
0x51: {  	_ =	shalt  }
0x52: {  	_ =	shalt  }
0x53: {  	_ =	shalt  }
0x54: {  	_ =	shalt  }
0x55: {  	_ =	shalt  }
0x56: {  	_ =	shalt  }
0x57: {  	_ =	shalt  }
0x58: {  	_ =	shalt  }
0x59: {  	_ =	shalt  }
0x5a: {  	_ =	shalt  }
0x5b: {  	_ =	shalt  }
0x5c: {  	_ =	shalt  }
0x5d: {  	_ =	shalt  }
0x5e: {  	_ =	shalt  }
0x5f: {  	_ =	shalt  }
0x60: {  	_ =	shalt  }
0x61: {  	_ =	shalt  }
0x62: {  	_ =	shalt  }
0x63: {  	_ =	shalt  }
0x64: {  	_ =	shalt  }
0x65: {  	_ =	shalt  }
0x66: {  	_ =	shalt  }
0x67: {  	_ =	shalt  }
0x68: {  	_ =	shalt  }
0x69: {  	_ =	shalt  }
0x6a: {  	_ =	shalt  }
0x6b: {  	_ =	shalt  }
0x6c: {  	_ =	shalt  }
0x6d: {  	_ =	shalt  }
0x6e: {  	_ =	shalt  }
0x6f: {  	_ =	shalt  }
0x70: {  	_ =	shalt  }
0x71: {  	_ =	shalt  }
0x72: {  	_ =	shalt  }
0x73: {  	_ =	shalt  }
0x74: {  	_ =	shalt  }
0x75: {  	_ =	shalt  }
0x76: {  	_ =	shalt  }
0x77: {  	_ =	shalt  }
0x78: {  	_ =	shalt  }
0x79: {  	_ =	shalt  }
0x7a: {  	_ =	shalt  }
0x7b: {  	_ =	shalt  }
0x7c: {  	_ =	shalt  }
0x7d: {  	_ =	shalt  }
0x7e: {  	_ =	shalt  }
0x7f: {  	_ =	shalt  }
0x80: {  	_ =	shalt  }
0x81: {  	_ =	shalt  }
0x82: {  	_ =	shalt  }
0x83: {  	_ =	shalt  }
0x84: {  	_ =	shalt  }
0x85: {  	_ =	shalt  }
0x86: {  	_ =	shalt  }
0x87: {  	_ =	shalt  }
.Lfunc_end0:
.L_simem_size_0:
called_computation.1_lowered:
.L_overlay_start_0:
0x88: {  	s2 =	sld [smem:$0x3FD9]  }
0x89: {  	s3 =	sld [smem:$0x3FFE];
	_ =	sdelay $0x1  }
0x8a: {  	s1 =	srdreg.scid  }
0x8b: {  	s0 =	sand.u32 $0x1, s1  }
0x8c: {  	s16 =	sshll.u32 s0, $0xA;
	s2 =	sadd.s32 s3, s2  }
0x8d: {  	s2 =	sadd.s32 s2, s16  }
0x8e: {  	[smem:$0x3FB0] =	sst s2  }
0x8f: {  	_ = 	snop  }
0x90: {  	(tm) =	ssettm $0x1  }
0x91: {  	s17 =	sld [smem:$0x3FFB];
	_ =	sdelay $0x3  }
0x92: {  	_ =	strace s17  }
0x93: {  	s2 =	sld [smem:$0x3FFC];
	_ =	sdelay $0x3  }
0x94: {  	_ =	strace s2  }
0x95: {  	s2 =	sld [smem:$0x3FFD];
	_ =	sdelay $0x3  }
0x96: {  	_ =	strace s2  }
0x97: {  	_ =	strace $0x8FFFFFFF  }
0x98: {  	s18 =	sld [smem:$0x3FDB];
	_ =	sdelay $0x1  }
0x99: {  	s19 =	simm.s32 $_scs_section_size  }
0x9a: {  	s4 =	simm.s32 $_size__tile_overlayer_lowered;
	s5 =	simm.s32 $_tile_overlayer_lowered  }
0x9b: {  	s22 =	simm.s32 $0x1BFF;
	s21 =	sshll.u32 s5, $0x1;
	s2 =	sadd.s32 s19, s18  }
0x9c: {  	s6 =	simm.s32 $0x0;
	s20 =	sshll.u32 s4, $0x1;
	s4 =	sadd.s32 s21, s2  }
0x9d: {  	[timem:s6], [sflag:s22] =	dma.local [hbm:s4], s20  }
0x9e: {  	_ =	swait.ge [sflag:s22], s20  }
0x9f: {  	s3 =	ssub.s32 $0x0, s20;
	[sflag:s22] =	ssyncset.done $0x0  }
0xa0: {  	[sflag:s22] =	ssyncadd.s32 s3;
	_ =	sdelay $0x1  }
0xa1: {  	s23 =	simm.s32 $0x1B8B  }
0xa2: {  	_ =	swait.ge [sflag:s23], $0x1  }
0xa3: {  	[sflag:s23] =	ssyncset.done $0x0  }
0xa4: {  	s25 =	simm.s32 $0x1B8E;
	s24 =	sld [smem:$0x3FFE];
	[sflag:s23] =	ssyncadd.s32 $0xFFFFFFFF  }
0xa5: {  	s26 =	simm.s32 $execute0_lowered;
	[smem:$0x3FD2] =	sst s25  }
0xa6: {  	s4 =	sshll.u32 s26, $0x1;
	_ =	strace $0x80000049;
	[dreg:$0x1] =	wrdreg $0xFFFFFFFF  }
0xa7: {  	s28 =	simm.s32 $_size_execute0_lowered;
	s2 =	sadd.s32 s2, s4;
	[dreg:$0x0] =	wrdreg $0x0  }
0xa8: {  	s4 =	sshll.u32 s28, $0x1;
	[dreg:$0x2] =	wrdreg s2  }
0xa9: {  	[dreg:$0x3] =	wrdreg s4  }
0xaa: {  	[dreg:$0x4] =	wrdreg $0xC0  }
0xab: {  	_ =	task [dreg:s6], $0x5FFFF  }
0xac: {  	[dreg:$0x1] =	wrdreg $0xFFFFFFFF  }
0xad: {  	[dreg:$0x0] =	wrdreg $0x60  }
0xae: {  	[dreg:$0x2] =	wrdreg s24  }
0xaf: {  	[dreg:$0x3] =	wrdreg $0xA8000  }
0xb0: {  	[dreg:$0x4] =	wrdreg $0x9  }
0xb1: {  	_ =	task.clear_ibuf [dreg:s6], $0x5FFFF;
	_ =	strace $0x90000049  }
0xb2: {  	s29 =	simm.s32 $0x9;
	_ =	strace $0x8000004B  }
0xb3: {  	_ =	swait.ge [sflag:s29], $0x1  }
0xb4: {  	[sflag:s29] =	ssyncadd.s32 $0xFFFFFFFF  }
0xb5: {  	_ =	strace $0x9000004B  }
0xb6: {  	_ =	sfence  }
0xb7: {  	s30 =	sld [smem:$0x0];
	_ =	sdelay $0x2  }
0xb8: {  	s31 =	sshll.u32 s1, $0xD;
	s1 =	sshrl.u32 s1, $0x2  }
0xb9: {  	s3 =	sand.u32 $0x4000, s31;
	s1 =	sadd.s32 s1, s30  }
0xba: {  	s0 =	sor.u32 s3, s0;
	s1 =	sshll.u32 s1, $0x11  }
0xbb: {  	s0 =	sor.u32 s1, s0  }
0xbc: {  	s0 =	sadd.s32 $0x8F2B, s0  }
0xbd: {  	[sflag:s0] =	ssyncadd.remote.s32 $0x1  }
0xbe: {  	_ =	sfence.sel $0xFFFF  }
0xbf: {  	[dreg:$0x0] =	wrdreg $0xFFFFFFFF;
	(pc) =	sbr.abs _section_cstart, $3  }
0xc0: {  	[dreg:$0x1] =	wrdreg $0xFFFFFFFF  }
0xc1: {  	_ =	task.clear_ibuf [dreg:s6], $0x2FFFF;
	_ =	strace $0x9FFFFFFF  }
0xc2: {  	(tm) =	ssettm $0x7FFFFFFF  }
0xc3: {  	_ =	shalt  }
tec
execute0_lowered:
.L_overlay_start_1:
0x0: {  	(tag) =	ssettag $0x1  }
0x1: {  	s6 =	rddreg [dreg:$0x0]  }
0x2: {  	s1 =	rddreg [dreg:$0x1]  }
0x3: {  	s2 =	srdreg.scid;
	s0 =	rddreg [dreg:$0x2]  }
0x4: {  	s3 =	simm.s32 $0x0;
	s15 =	simm.s32 $0x1400;
	s16 =	simm.s32 $0x80  }
0x5: {  	s17 =	simm.s32 $0x2800;
	s18 =	simm.s32 $0x6800;
	s19 =	simm.s32 $0x1  }
0x6: {  	s20 =	simm.s32 $0x2;
	s21 =	simm.s32 $0x1380;
	s22 =	simm.s32 $0x2700  }
0x7: {  	s23 =	simm.s32 $0x2780;
	s5 =	sand.u32 $0x1, s2;
	s2 =	stileid.u32  }
0x8: {  	[smem:$0x7FF] =	sst s3;
	s4 =	sadd.s32 $0x18E00, s6;
	s7 =	smul.u32 $0x13C000, s5  }
0x9: {  	s9 =	sadd.s32 $0x4E00, s6;
	s10 =	sadd.s32 $0xEE00, s6;
	s8 =	smul.u32 $0x13C00, s2  }
0xa: {  	_ =	strace $0x8000004A;
	s24 =	sshll.u32 s2, $0x1;
	s11 =	ssub.s32 $0x2, s5  }
0xb: {  	s25 =	smul.u32 $0x4F000, s2;
	s28 =	sshll.u32 s2, $0x6;
	s5 =	sor.u32 s5, s24  }
0xc: {  	s12 =	sshrl.u32 s11, $0x1;
	s24 =	simm.s32 $0x0;
	s7 =	sadd.s32 s8, s7  }
0xd: {  	s13 =	smul.u32 $0x2800, s5;
	s5 =	sadd.s32 $0x40000, s6;
	s26 =	sshrl.u32 s25, $0x2  }
0xe: {  	s12 =	ssub.s32 s11, s12;
	s7 =	sshrl.u32 s7, $0x3;
	s30 =	sadd.s32 s26, s1  }
0xf: {  	s12 =	smax.u32 s12, $0x1;
	s14 =	sadd.s32 s7, s6;
	s29 =	sshrl.u32 s13, $0x3  }
0x10: {  	s6 =	sor.u32 $0x1C03, s28;
	s13 =	sshrl.u32 s30, $0x3;
	s31 =	sadd.s32 $0x280, s29  }
0x11: {  	s7 =	sadd.s32 s9, s29;
	s8 =	sadd.s32 s10, s29;
	s11 =	sadd.s32 $0x42800, s14  }
0x12: {  	s14 =	simm.s32 $0x3;
	s9 =	sadd.s32 s9, s31;
	s10 =	sadd.s32 s10, s31  }
.LBB2_1:
0x13: {  	[spmem:s13], [sflag:s6] =	dma.local [hbm:s5], $0x2780  }
0x14: {  	_ =	swait.ge [sflag:s14], $0x2780  }
0x15: {  	[sflag:s14] =	ssyncset.done $0x0  }
0x16: {  	[sflag:s14] =	ssyncadd.s32 $0xFFFFD880  }
0x17: {  	[bflag:$0x0] =	sbarrier.arrive $0xFFFF  }
0x18: {  	[tilespmem:s3], [sflag:$0x3] =	stream.linear.gather [hbm4b:s7+s3], $0x1400, $0x38;
	[tilespmem:$0x1E400] =	vst v63  }
0x19: {  	_ =	swait.ge [sflag:s14], $0x1400  }
0x1a: {  	[sflag:s14] =	ssyncset.done $0x0  }
0x1b: {  	[sflag:s14] =	ssyncadd.s32 $0xFFFFEC00  }
0x1c: {  	[tilespmem:s15], [sflag:$0x3] =	stream.linear.gather [hbm4b:s8+s3], $0x1400, $0x38;
	[tilespmem:$0x1E400] =	vst v63  }
0x1d: {  	_ =	swait.ge [sflag:s14], $0x1400  }
0x1e: {  	[sflag:s14] =	ssyncset.done $0x0  }
0x1f: {  	[sflag:s14] =	ssyncadd.s32 $0xFFFFEC00  }
0x20: {  	[tilespmem:s17], [sflag:$0x1] =	stream.indirect.gather [hbm4b:s4+s16], $0x80, s3, s16, $0xb8;
	[tilespmem:$0x1E400] =	vst v63  }
0x21: {  	s25 =	simm.s32 $0x80  }
0x22: {  	[tilespmem:s18], [sflag:$0x2] =	stream.indirect.gather [hbm4b:s4+s16], $0x80, s25, s16, $0xb8;
	[tilespmem:$0x1E400] =	vst v63  }
0x23: {  	_ =	swait.ge [sflag:s19], $0x4000  }
0x24: {  	[sflag:s19] =	ssyncset.done $0x0  }
0x25: {  	s29 =	simm.s32 $0x1400;
	[sflag:s19] =	ssyncadd.s32 $0xFFFFC000  }
0x26: {  	[spmem:s1] =	stream.indirect.scatter.add.f32 [tilespmem:s17], [sflag:$0x3], $0x80, s29, s16, $0xb8;
	[tilespmem:$0x1E400] =	vst v63  }
0x27: {  	_ =	swait.ge [sflag:s14], $0x4000  }
0x28: {  	[sflag:s14] =	ssyncset.done $0x0  }
0x29: {  	s30 =	simm.s32 $0x100;
	[sflag:s14] =	ssyncadd.s32 $0xFFFFC000  }
0x2a: {  	[tilespmem:s17], [sflag:$0x1] =	stream.indirect.gather [hbm4b:s4+s16], $0x80, s30, s16, $0xb8;
	[tilespmem:$0x1E400] =	vst v63  }
0x2b: {  	_ =	swait.ge [sflag:s20], $0x4000  }
0x2c: {  	[sflag:s20] =	ssyncset.done $0x0  }
0x2d: {  	s31 =	simm.s32 $0x1480;
	[sflag:s20] =	ssyncadd.s32 $0xFFFFC000  }
0x2e: {  	[spmem:s1] =	stream.indirect.scatter.add.f32 [tilespmem:s18], [sflag:$0x3], $0x80, s31, s16, $0xb8;
	[tilespmem:$0x1E400] =	vst v63  }
0x2f: {  	_ =	swait.ge [sflag:s14], $0x4000  }
0x30: {  	s26 =	simm.s32 $0x800;
	s25 =	simm.s32 $0x100;
	[sflag:s14] =	ssyncset.done $0x0  }
.LBB2_2:
0x31: {  	s28 =	sadd.s32 $0x80, s25  }
0x32: {  	[sflag:s14] =	ssyncadd.s32 $0xFFFFC000;
	s29 =	smov.u32 s26;
	s30 =	sadd.s32 $0x400, s26  }
0x33: {  	[tilespmem:s18], [sflag:$0x2] =	stream.indirect.gather [hbm4b:s4+s16], $0x80, s28, s16, $0xb8;
	[tilespmem:$0x1E400] =	vst v63  }
0x34: {  	p0 =	sne.s32 s26, $0x4800;
	_ =	swait.ge [sflag:s19], $0x4000  }
0x35: {  	[sflag:s19] =	ssyncset.done $0x0  }
0x36: {  	s26 =	sadd.s32 $0x1400, s25;
	[sflag:s19] =	ssyncadd.s32 $0xFFFFC000  }
0x37: {  	[spmem:s1] =	stream.indirect.scatter.add.f32 [tilespmem:s17], [sflag:$0x3], $0x80, s26, s16, $0xb8;
	[tilespmem:$0x1E400] =	vst v63  }
0x38: {  	_ =	swait.ge [sflag:s14], $0x4000  }
0x39: {  	[sflag:s14] =	ssyncset.done $0x0  }
0x3a: {  	s26 =	sadd.s32 $0x100, s25;
	[sflag:s14] =	ssyncadd.s32 $0xFFFFC000  }
0x3b: {  	[tilespmem:s17], [sflag:$0x1] =	stream.indirect.gather [hbm4b:s4+s16], $0x80, s26, s16, $0xb8;
	[tilespmem:$0x1E400] =	vst v63  }
0x3c: {  	_ =	swait.ge [sflag:s20], $0x4000  }
.Ltmp0:
0x3d: {  	[sflag:s20] =	ssyncset.done $0x0;
	(pc) =	sbr.rel @p0 .LBB2_2-.Ltmp0, $4  }
0x3e: {  	s25 =	sadd.s32 $0x1480, s25;
	[sflag:s20] =	ssyncadd.s32 $0xFFFFC000  }
0x3f: {  	[spmem:s1] =	stream.indirect.scatter.add.f32 [tilespmem:s18], [sflag:$0x3], $0x80, s25, s16, $0xb8;
	[tilespmem:$0x1E400] =	vst v63  }
0x40: {  	_ =	swait.ge [sflag:s14], $0x4000  }
0x41: {  	s26 =	smov.u32 s30;
	s25 =	sshra.s32 s29, $0x2;
	[sflag:s14] =	ssyncset.done $0x0  }
0x42: {  	s26 =	sadd.s32 $0x80, s25;
	[sflag:s14] =	ssyncadd.s32 $0xFFFFC000  }
0x43: {  	[tilespmem:s18], [sflag:$0x2] =	stream.indirect.gather [hbm4b:s4+s16], $0x80, s26, s16, $0xb8;
	[tilespmem:$0x1E400] =	vst v63  }
0x44: {  	_ =	swait.ge [sflag:s19], $0x4000  }
0x45: {  	[sflag:s19] =	ssyncset.done $0x0  }
0x46: {  	s29 =	sadd.s32 $0x1400, s25;
	[sflag:s19] =	ssyncadd.s32 $0xFFFFC000  }
0x47: {  	[spmem:s1] =	stream.indirect.scatter.add.f32 [tilespmem:s17], [sflag:$0x3], $0x80, s29, s16, $0xb8;
	[tilespmem:$0x1E400] =	vst v63  }
0x48: {  	_ =	swait.ge [sflag:s14], $0x4000  }
0x49: {  	[sflag:s14] =	ssyncset.done $0x0  }
0x4a: {  	s30 =	sadd.s32 $0x100, s25;
	[sflag:s14] =	ssyncadd.s32 $0xFFFFC000  }
0x4b: {  	[tilespmem:s17], [sflag:$0x1] =	stream.indirect.gather [hbm4b:s4+s16], $0x80, s30, s16, $0xb8;
	[tilespmem:$0x1E400] =	vst v63  }
0x4c: {  	_ =	swait.ge [sflag:s20], $0x4000  }
0x4d: {  	[sflag:s20] =	ssyncset.done $0x0  }
0x4e: {  	s31 =	sadd.s32 $0x1480, s25;
	[sflag:s20] =	ssyncadd.s32 $0xFFFFC000  }
0x4f: {  	[spmem:s1] =	stream.indirect.scatter.add.f32 [tilespmem:s18], [sflag:$0x3], $0x80, s31, s16, $0xb8;
	[tilespmem:$0x1E400] =	vst v63  }
0x50: {  	_ =	swait.ge [sflag:s14], $0x4000  }
0x51: {  	[sflag:s14] =	ssyncset.done $0x0  }
0x52: {  	[sflag:s14] =	ssyncadd.s32 $0xFFFFC000  }
0x53: {  	[tilespmem:s18], [sflag:$0x2] =	stream.indirect.gather [hbm4b:s4+s16], $0x80, s21, s16, $0xb8;
	[tilespmem:$0x1E400] =	vst v63  }
0x54: {  	_ =	swait.ge [sflag:s19], $0x4000  }
0x55: {  	[sflag:s19] =	ssyncset.done $0x0  }
0x56: {  	[sflag:s19] =	ssyncadd.s32 $0xFFFFC000  }
0x57: {  	[spmem:s1] =	stream.indirect.scatter.add.f32 [tilespmem:s17], [sflag:$0x3], $0x80, s22, s16, $0xb8;
	[tilespmem:$0x1E400] =	vst v63  }
0x58: {  	_ =	swait.ge [sflag:s14], $0x4000  }
0x59: {  	[sflag:s14] =	ssyncset.done $0x0  }
0x5a: {  	[sflag:s14] =	ssyncadd.s32 $0xFFFFC000  }
0x5b: {  	_ =	swait.ge [sflag:s20], $0x4000  }
0x5c: {  	[sflag:s20] =	ssyncset.done $0x0  }
0x5d: {  	[sflag:s20] =	ssyncadd.s32 $0xFFFFC000  }
0x5e: {  	[spmem:s1] =	stream.indirect.scatter.add.f32 [tilespmem:s18], [sflag:$0x3], $0x80, s23, s16, $0xb8;
	[tilespmem:$0x1E400] =	vst v63  }
0x5f: {  	_ =	swait.ge [sflag:s14], $0x4000  }
0x60: {  	[sflag:s14] =	ssyncset.done $0x0  }
0x61: {  	s26 =	simm.s32 $0x0;
	[sflag:s14] =	ssyncadd.s32 $0xFFFFC000  }
0x62: {  	[tilespmem:s26], [sflag:$0x3] =	stream.linear.gather [hbm4b:s9+s26], $0x1400, $0x38;
	[tilespmem:$0x1E400] =	vst v63  }
0x63: {  	_ =	swait.ge [sflag:s14], $0x1400  }
0x64: {  	[sflag:s14] =	ssyncset.done $0x0  }
0x65: {  	[sflag:s14] =	ssyncadd.s32 $0xFFFFEC00  }
0x66: {  	[tilespmem:s15], [sflag:$0x3] =	stream.linear.gather [hbm4b:s10+s26], $0x1400, $0x38;
	[tilespmem:$0x1E400] =	vst v63  }
0x67: {  	_ =	swait.ge [sflag:s14], $0x1400  }
0x68: {  	[sflag:s14] =	ssyncset.done $0x0  }
0x69: {  	[sflag:s14] =	ssyncadd.s32 $0xFFFFEC00  }
0x6a: {  	[tilespmem:s17], [sflag:$0x1] =	stream.indirect.gather [hbm4b:s4+s16], $0x80, s26, s16, $0xb8;
	[tilespmem:$0x1E400] =	vst v63  }
0x6b: {  	s28 =	simm.s32 $0x80  }
0x6c: {  	[tilespmem:s18], [sflag:$0x2] =	stream.indirect.gather [hbm4b:s4+s16], $0x80, s28, s16, $0xb8;
	[tilespmem:$0x1E400] =	vst v63  }
0x6d: {  	_ =	swait.ge [sflag:s19], $0x4000  }
0x6e: {  	[sflag:s19] =	ssyncset.done $0x0  }
0x6f: {  	s29 =	simm.s32 $0x1400;
	[sflag:s19] =	ssyncadd.s32 $0xFFFFC000  }
0x70: {  	[spmem:s1] =	stream.indirect.scatter.add.f32 [tilespmem:s17], [sflag:$0x3], $0x80, s29, s16, $0xb8;
	[tilespmem:$0x1E400] =	vst v63  }
0x71: {  	_ =	swait.ge [sflag:s14], $0x4000  }
0x72: {  	[sflag:s14] =	ssyncset.done $0x0  }
0x73: {  	s30 =	simm.s32 $0x100;
	[sflag:s14] =	ssyncadd.s32 $0xFFFFC000  }
0x74: {  	[tilespmem:s17], [sflag:$0x1] =	stream.indirect.gather [hbm4b:s4+s16], $0x80, s30, s16, $0xb8;
	[tilespmem:$0x1E400] =	vst v63  }
0x75: {  	_ =	swait.ge [sflag:s20], $0x4000  }
0x76: {  	[sflag:s20] =	ssyncset.done $0x0  }
0x77: {  	s31 =	simm.s32 $0x1480;
	[sflag:s20] =	ssyncadd.s32 $0xFFFFC000  }
0x78: {  	[spmem:s1] =	stream.indirect.scatter.add.f32 [tilespmem:s18], [sflag:$0x3], $0x80, s31, s16, $0xb8;
	[tilespmem:$0x1E400] =	vst v63  }
0x79: {  	_ =	swait.ge [sflag:s14], $0x4000  }
0x7a: {  	s25 =	simm.s32 $0x100;
	s26 =	simm.s32 $0x800;
	[sflag:s14] =	ssyncset.done $0x0  }
.LBB2_4:
0x7b: {  	s28 =	sadd.s32 $0x80, s25  }
0x7c: {  	[sflag:s14] =	ssyncadd.s32 $0xFFFFC000;
	s29 =	smov.u32 s26;
	s30 =	sadd.s32 $0x400, s26  }
0x7d: {  	[tilespmem:s18], [sflag:$0x2] =	stream.indirect.gather [hbm4b:s4+s16], $0x80, s28, s16, $0xb8;
	[tilespmem:$0x1E400] =	vst v63  }
0x7e: {  	p0 =	sne.s32 s26, $0x4800;
	_ =	swait.ge [sflag:s19], $0x4000  }
0x7f: {  	[sflag:s19] =	ssyncset.done $0x0  }
0x80: {  	s26 =	sadd.s32 $0x1400, s25;
	[sflag:s19] =	ssyncadd.s32 $0xFFFFC000  }
0x81: {  	[spmem:s1] =	stream.indirect.scatter.add.f32 [tilespmem:s17], [sflag:$0x3], $0x80, s26, s16, $0xb8;
	[tilespmem:$0x1E400] =	vst v63  }
0x82: {  	_ =	swait.ge [sflag:s14], $0x4000  }
0x83: {  	[sflag:s14] =	ssyncset.done $0x0  }
0x84: {  	s26 =	sadd.s32 $0x100, s25;
	[sflag:s14] =	ssyncadd.s32 $0xFFFFC000  }
0x85: {  	[tilespmem:s17], [sflag:$0x1] =	stream.indirect.gather [hbm4b:s4+s16], $0x80, s26, s16, $0xb8;
	[tilespmem:$0x1E400] =	vst v63  }
0x86: {  	_ =	swait.ge [sflag:s20], $0x4000  }
.Ltmp1:
0x87: {  	[sflag:s20] =	ssyncset.done $0x0;
	(pc) =	sbr.rel @p0 .LBB2_4-.Ltmp1, $4  }
0x88: {  	s25 =	sadd.s32 $0x1480, s25;
	[sflag:s20] =	ssyncadd.s32 $0xFFFFC000  }
0x89: {  	[spmem:s1] =	stream.indirect.scatter.add.f32 [tilespmem:s18], [sflag:$0x3], $0x80, s25, s16, $0xb8;
	[tilespmem:$0x1E400] =	vst v63  }
0x8a: {  	_ =	swait.ge [sflag:s14], $0x4000  }
0x8b: {  	s26 =	smov.u32 s30;
	s25 =	sshra.s32 s29, $0x2;
	[sflag:s14] =	ssyncset.done $0x0  }
0x8c: {  	s26 =	sadd.s32 $0x80, s25;
	[sflag:s14] =	ssyncadd.s32 $0xFFFFC000  }
0x8d: {  	[tilespmem:s18], [sflag:$0x2] =	stream.indirect.gather [hbm4b:s4+s16], $0x80, s26, s16, $0xb8;
	[tilespmem:$0x1E400] =	vst v63  }
0x8e: {  	_ =	swait.ge [sflag:s19], $0x4000  }
0x8f: {  	[sflag:s19] =	ssyncset.done $0x0  }
0x90: {  	s29 =	sadd.s32 $0x1400, s25;
	[sflag:s19] =	ssyncadd.s32 $0xFFFFC000  }
0x91: {  	[spmem:s1] =	stream.indirect.scatter.add.f32 [tilespmem:s17], [sflag:$0x3], $0x80, s29, s16, $0xb8;
	[tilespmem:$0x1E400] =	vst v63  }
0x92: {  	_ =	swait.ge [sflag:s14], $0x4000  }
0x93: {  	[sflag:s14] =	ssyncset.done $0x0  }
0x94: {  	s30 =	sadd.s32 $0x100, s25;
	[sflag:s14] =	ssyncadd.s32 $0xFFFFC000  }
0x95: {  	[tilespmem:s17], [sflag:$0x1] =	stream.indirect.gather [hbm4b:s4+s16], $0x80, s30, s16, $0xb8;
	[tilespmem:$0x1E400] =	vst v63  }
0x96: {  	_ =	swait.ge [sflag:s20], $0x4000  }
0x97: {  	[sflag:s20] =	ssyncset.done $0x0  }
0x98: {  	s31 =	sadd.s32 $0x1480, s25;
	[sflag:s20] =	ssyncadd.s32 $0xFFFFC000  }
0x99: {  	[spmem:s1] =	stream.indirect.scatter.add.f32 [tilespmem:s18], [sflag:$0x3], $0x80, s31, s16, $0xb8;
	[tilespmem:$0x1E400] =	vst v63  }
0x9a: {  	_ =	swait.ge [sflag:s14], $0x4000  }
0x9b: {  	[sflag:s14] =	ssyncset.done $0x0  }
0x9c: {  	[sflag:s14] =	ssyncadd.s32 $0xFFFFC000  }
0x9d: {  	[tilespmem:s18], [sflag:$0x2] =	stream.indirect.gather [hbm4b:s4+s16], $0x80, s21, s16, $0xb8;
	[tilespmem:$0x1E400] =	vst v63  }
0x9e: {  	_ =	swait.ge [sflag:s19], $0x4000  }
0x9f: {  	[sflag:s19] =	ssyncset.done $0x0  }
0xa0: {  	[sflag:s19] =	ssyncadd.s32 $0xFFFFC000  }
0xa1: {  	[spmem:s1] =	stream.indirect.scatter.add.f32 [tilespmem:s17], [sflag:$0x3], $0x80, s22, s16, $0xb8;
	[tilespmem:$0x1E400] =	vst v63  }
0xa2: {  	_ =	swait.ge [sflag:s14], $0x4000  }
0xa3: {  	[sflag:s14] =	ssyncset.done $0x0  }
0xa4: {  	[sflag:s14] =	ssyncadd.s32 $0xFFFFC000  }
0xa5: {  	_ =	swait.ge [sflag:s20], $0x4000  }
0xa6: {  	[sflag:s20] =	ssyncset.done $0x0  }
0xa7: {  	[sflag:s20] =	ssyncadd.s32 $0xFFFFC000  }
0xa8: {  	[spmem:s1] =	stream.indirect.scatter.add.f32 [tilespmem:s18], [sflag:$0x3], $0x80, s23, s16, $0xb8;
	[tilespmem:$0x1E400] =	vst v63  }
0xa9: {  	_ =	swait.ge [sflag:s14], $0x4000  }
0xaa: {  	s24 =	sadd.s32 $0x1, s24;
	[sflag:s14] =	ssyncset.done $0x0  }
0xab: {  	p0 =	sne.s32 s24, s12;
	[sflag:s14] =	ssyncadd.s32 $0xFFFFC000  }
.Ltmp2:
0xac: {  	[bflag:$0x0] =	sbarrier.arrive $0xFFFF;
	(pc) =	sbr.rel @p0 .LBB2_1-.Ltmp2, $4  }
0xad: {  	[hbm:s11], [sflag:s6] =	dma.local [spmem:s13], $0x2780  }
0xae: {  	_ =	swait.ge [sflag:s14], $0x2780  }
0xaf: {  	[sflag:s14] =	ssyncset.done $0x0  }
0xb0: {  	[sflag:s14] =	ssyncadd.s32 $0xFFFFD880  }
0xb1: {  	_ =	sfence.sel $0x180000  }
0xb2: {  	[bflag:$0x0] =	sbarrier.arrive $0xFFFF  }
0xb3: {  	p0 =	sne.s32 s2, $0x0;
	_ =	strace $0x9000004A  }
0xb4: {  	s0 =	sadd.s32 @!p0 $0x100000, s0;
	[bflag:$0x2] =	sbarrier.arrive $0xFFFF  }
0xb5: {  	[sflag:s0] =	ssyncadd.tile.s32 @!p0 $0x1;
	_ =	shalt  }
.Lfunc_end2:
_tile_overlayer_lowered:
.L_overlay_start_2:
0xb6: {  	(tag) =	ssettag $0x2  }
0xb7: {  	s0 =	rddreg [dreg:$0x0];
	s2 =	stileid.u32  }
0xb8: {  	s1 =	rddreg [dreg:$0x1];
	p0 =	sne.s32 s2, $0x0  }
0xb9: {  	s3 =	rddreg [dreg:$0x2];
	[bflag:$0x3] =	sbarrier.arrive $0xFFFF;
	s2 =	simm.s32 @!p0 $0x1C03  }
0xba: {  	[timem:s3], [sflag:s2] =	dma.local @!p0 [hbm:s0], s1  }
0xbb: {  	s0 =	simm.s32 @!p0 $0x3  }
0xbc: {  	_ =	swait.ge @!p0 [sflag:s0], s1  }
0xbd: {  	s1 =	ssub.s32 @!p0 $0x0, s1;
	[sflag:s0] =	ssyncset.done @!p0 $0x0  }
0xbe: {  	[sflag:s0] =	ssyncadd.s32 @!p0 s1  }
0xbf: {  	[bflag:$0x3] =	sbarrier.arrive $0xFFFF  }
0xc0: {  	_ =	shalt  }

// kernel: kernel.18.cloned.1.call-start
scs
__scs_entry_jumppad:
0x0: {  	(pc) =	sbr.rel $0x88, $3  }
0x1: {  	(tag) =	ssettag $0x0;
	lr =	simm.s32 $0x1  }
0x2: {  	[smem:$0x3F89] =	sst lr;
	_ =	strace $0xD0000000  }
0x3: {  	_ = 	snop  }
0x4: {  	_ = 	snop  }
0x5: {  	_ = 	snop  }
0x6: {  	_ = 	snop  }
0x7: {  	_ = 	snop  }
__scs_overlays_trampoline_lowered:
0x8: {  	[smem:$0x3F98] =	sst s0  }
0x9: {  	[smem:$0x3F99] =	sst s1  }
0xa: {  	[smem:$0x3F9A] =	sst s2  }
0xb: {  	[smem:$0x3F9B] =	sst s3  }
0xc: {  	[smem:$0x3F9C] =	sst s4  }
0xd: {  	[smem:$0x3F9D] =	sst s5  }
0xe: {  	[smem:$0x3F9E] =	sst s6  }
0xf: {  	[smem:$0x3F9F] =	sst s7  }
0x10: {  	[smem:$0x3FA0] =	sst s8  }
0x11: {  	[smem:$0x3FA1] =	sst s9;
	s0 =	simm.s32 @!p0 $0x0  }
0x12: {  	s1 =	sld [smem:$0x3F87];
	s0 =	simm.s32 @p0 $0x1  }
0x13: {  	[smem:$0x3FA2] =	sst s0;
	s0 =	simm.s32 @!p1 $0x0  }
0x14: {  	s2 =	sld [smem:$0x3F86];
	s0 =	simm.s32 @p1 $0x1  }
0x15: {  	[smem:$0x3FA3] =	sst s0;
	s0 =	simm.s32 @!p2 $0x0  }
0x16: {  	s3 =	sld [smem:$0x3FDB];
	s0 =	simm.s32 @p2 $0x1  }
0x17: {  	s4 =	simm.s32 $0x1BF5;
	[smem:$0x3FA5] =	sst s0  }
0x18: {  	s0 =	sld [smem:$0x3F88];
	_ =	swait.ge [sflag:s4], $0x0  }
0x19: {  	s7 =	sld [smem:$0x3F89]  }
0x1a: {  	s8 =	sadd.s32 $0xFFFFE003, lr  }
0x1b: {  	s9 =	sadd.s32 $0xFFFFFEF7, lr;
	s5 =	simm.s32 $0xFFFFFFFF;
	p2 =	slt.u32 s8, $0xFFFFF086  }
0x1c: {  	p1 =	slt.u32 s9, $0xF7A;
	s5 =	simm.s32 @!p2 $0x0  }
0x1d: {  	s5 =	simm.s32 @p1 $0x1;
	p0 =	seq.s32 s7, s2  }
0x1e: {  	s7 =	smul.u32 @!p0 $0xF7A, s2;
	p2 =	seq.s32 @!p0 s5, $0x0  }
0x1f: {  	s9 =	smul.u32 $0xF7A, s1;
	s8 =	simm.s32 @!p0 $0x1BF5;
	p2 =	por !p2, p0  }
0x20: {  	[sflag:s8] =	ssyncset.s32 @!p0 $0xFFFFF086;
	s6 =	sadd.s32 @!p0 s3, s7;
	s7 =	simm.s32 @!p0 $0x108  }
0x21: {  	s3 =	sadd.s32 s3, s9;
	s6 =	sadd.s32 @!p0 $0x88, s6;
	s7 =	simm.s32 @p2 $0x1082  }
0x22: {  	[simem:s7], [sflag:s8] =	dma.local @!p0 [hbm:s6], $0xF7A  }
0x23: {  	s9 =	sor.u32 $0xD0000000, s2;
	s6 =	simm.s32 $0x108;
	_ =	swait.ge @!p0 [sflag:s8], $0x0  }
0x24: {  	s3 =	sadd.s32 $0x88, s3;
	s6 =	simm.s32 @!p1 $0x1082;
	[sflag:s4] =	ssyncset.s32 $0xFFFFF086  }
0x25: {  	[simem:s6], [sflag:s4] =	dma.local [hbm:s3], $0xF7A  }
0x26: {  	[smem:$0x3F89] =	sst s1;
	(tag) =	ssettag s2;
	_ =	strace s9  }
0x27: {  	s1 =	sld [smem:$0x3F99]  }
0x28: {  	s2 =	sld [smem:$0x3F9A]  }
0x29: {  	s4 =	sld [smem:$0x3F9C]  }
0x2a: {  	p0 =	seq.s32 s5, $0x0;
	s5 =	sld [smem:$0x3F9D]  }
0x2b: {  	s6 =	sld [smem:$0x3F9E]  }
0x2c: {  	s7 =	sld [smem:$0x3F9F]  }
0x2d: {  	s3 =	simm.s32 $0x108;
	s8 =	sld [smem:$0x3FA0]  }
0x2e: {  	s3 =	simm.s32 @!p0 $0x1082;
	s9 =	sld [smem:$0x3FA1]  }
0x2f: {  	lr =	sadd.s32 s0, s3;
	s0 =	sld [smem:$0x3F98]  }
0x30: {  	s3 =	sld [smem:$0x3F9B]  }
0x31: {  	[smem:$0x3FA4] =	sst s10  }
0x32: {  	s10 =	sld [smem:$0x3FA2];
	_ =	sdelay $0x3  }
0x33: {  	p0 =	seq.s32 s10, $0x1;
	s10 =	sld [smem:$0x3FA4];
	_ =	sdelay $0x3  }
0x34: {  	[smem:$0x3FA4] =	sst s10  }
0x35: {  	s10 =	sld [smem:$0x3FA3];
	_ =	sdelay $0x3  }
0x36: {  	p1 =	seq.s32 s10, $0x1;
	s10 =	sld [smem:$0x3FA4];
	_ =	sdelay $0x3  }
0x37: {  	[smem:$0x3FA4] =	sst s10  }
0x38: {  	s10 =	sld [smem:$0x3FA5]  }
0x39: {  	_ = 	snop;
	(pc) =	sbr.ind lr, $3  }
0x3a: {  	_ = 	snop  }
0x3b: {  	_ = 	snop  }
0x3c: {  	p2 =	seq.s32 s10, $0x1;
	s10 =	sld [smem:$0x3FA4]  }
0x3d: {  	_ =	shalt  }
0x3e: {  	_ =	shalt  }
0x3f: {  	_ =	shalt  }
0x40: {  	_ =	shalt  }
0x41: {  	_ =	shalt  }
0x42: {  	_ =	shalt  }
0x43: {  	_ =	shalt  }
0x44: {  	_ =	shalt  }
0x45: {  	_ =	shalt  }
0x46: {  	_ =	shalt  }
0x47: {  	_ =	shalt  }
0x48: {  	_ =	shalt  }
0x49: {  	_ =	shalt  }
0x4a: {  	_ =	shalt  }
0x4b: {  	_ =	shalt  }
0x4c: {  	_ =	shalt  }
0x4d: {  	_ =	shalt  }
0x4e: {  	_ =	shalt  }
0x4f: {  	_ =	shalt  }
0x50: {  	_ =	shalt  }
0x51: {  	_ =	shalt  }
0x52: {  	_ =	shalt  }
0x53: {  	_ =	shalt  }
0x54: {  	_ =	shalt  }
0x55: {  	_ =	shalt  }
0x56: {  	_ =	shalt  }
0x57: {  	_ =	shalt  }
0x58: {  	_ =	shalt  }
0x59: {  	_ =	shalt  }
0x5a: {  	_ =	shalt  }
0x5b: {  	_ =	shalt  }
0x5c: {  	_ =	shalt  }
0x5d: {  	_ =	shalt  }
0x5e: {  	_ =	shalt  }
0x5f: {  	_ =	shalt  }
0x60: {  	_ =	shalt  }
0x61: {  	_ =	shalt  }
0x62: {  	_ =	shalt  }
0x63: {  	_ =	shalt  }
0x64: {  	_ =	shalt  }
0x65: {  	_ =	shalt  }
0x66: {  	_ =	shalt  }
0x67: {  	_ =	shalt  }
0x68: {  	_ =	shalt  }
0x69: {  	_ =	shalt  }
0x6a: {  	_ =	shalt  }
0x6b: {  	_ =	shalt  }
0x6c: {  	_ =	shalt  }
0x6d: {  	_ =	shalt  }
0x6e: {  	_ =	shalt  }
0x6f: {  	_ =	shalt  }
0x70: {  	_ =	shalt  }
0x71: {  	_ =	shalt  }
0x72: {  	_ =	shalt  }
0x73: {  	_ =	shalt  }
0x74: {  	_ =	shalt  }
0x75: {  	_ =	shalt  }
0x76: {  	_ =	shalt  }
0x77: {  	_ =	shalt  }
0x78: {  	_ =	shalt  }
0x79: {  	_ =	shalt  }
0x7a: {  	_ =	shalt  }
0x7b: {  	_ =	shalt  }
0x7c: {  	_ =	shalt  }
0x7d: {  	_ =	shalt  }
0x7e: {  	_ =	shalt  }
0x7f: {  	_ =	shalt  }
0x80: {  	_ =	shalt  }
0x81: {  	_ =	shalt  }
0x82: {  	_ =	shalt  }
0x83: {  	_ =	shalt  }
0x84: {  	_ =	shalt  }
0x85: {  	_ =	shalt  }
0x86: {  	_ =	shalt  }
0x87: {  	_ =	shalt  }
.Lfunc_end0:
.L_simem_size_0:
called_computation.2_lowered:
.L_overlay_start_0:
0x88: {  	s2 =	sld [smem:$0x3FD9]  }
0x89: {  	s3 =	sld [smem:$0x3FFE];
	_ =	sdelay $0x1  }
0x8a: {  	s1 =	srdreg.scid  }
0x8b: {  	s0 =	sand.u32 $0x1, s1  }
0x8c: {  	s16 =	sshll.u32 s0, $0xA;
	s2 =	sadd.s32 s3, s2  }
0x8d: {  	s2 =	sadd.s32 s2, s16  }
0x8e: {  	[smem:$0x3FB0] =	sst s2  }
0x8f: {  	_ = 	snop  }
0x90: {  	(tm) =	ssettm $0x1  }
0x91: {  	s17 =	sld [smem:$0x3FFB];
	_ =	sdelay $0x3  }
0x92: {  	_ =	strace s17  }
0x93: {  	s2 =	sld [smem:$0x3FFC];
	_ =	sdelay $0x3  }
0x94: {  	_ =	strace s2  }
0x95: {  	s2 =	sld [smem:$0x3FFD];
	_ =	sdelay $0x3  }
0x96: {  	_ =	strace s2  }
0x97: {  	_ =	strace $0x8FFFFFFF  }
0x98: {  	s18 =	sld [smem:$0x3FDB];
	_ =	sdelay $0x1  }
0x99: {  	s19 =	simm.s32 $_scs_section_size  }
0x9a: {  	s4 =	simm.s32 $_size__tile_overlayer_lowered;
	s5 =	simm.s32 $_tile_overlayer_lowered  }
0x9b: {  	s22 =	simm.s32 $0x1BFF;
	s21 =	sshll.u32 s5, $0x1;
	s2 =	sadd.s32 s19, s18  }
0x9c: {  	s6 =	simm.s32 $0x0;
	s20 =	sshll.u32 s4, $0x1;
	s4 =	sadd.s32 s21, s2  }
0x9d: {  	[timem:s6], [sflag:s22] =	dma.local [hbm:s4], s20  }
0x9e: {  	_ =	swait.ge [sflag:s22], s20  }
0x9f: {  	s3 =	ssub.s32 $0x0, s20;
	[sflag:s22] =	ssyncset.done $0x0  }
0xa0: {  	[sflag:s22] =	ssyncadd.s32 s3;
	_ =	sdelay $0x1  }
0xa1: {  	s23 =	simm.s32 $0x1B8B  }
0xa2: {  	_ =	swait.ge [sflag:s23], $0x1  }
0xa3: {  	[sflag:s23] =	ssyncset.done $0x0  }
0xa4: {  	s25 =	simm.s32 $0x1B8E;
	s24 =	sld [smem:$0x3FFE];
	[sflag:s23] =	ssyncadd.s32 $0xFFFFFFFF  }
0xa5: {  	s26 =	simm.s32 $execute0_lowered;
	[smem:$0x3FD2] =	sst s25  }
0xa6: {  	s4 =	sshll.u32 s26, $0x1;
	_ =	strace $0x8000004C;
	[dreg:$0x1] =	wrdreg $0xFFFFFFFF  }
0xa7: {  	s28 =	simm.s32 $_size_execute0_lowered;
	s2 =	sadd.s32 s2, s4;
	[dreg:$0x0] =	wrdreg $0x0  }
0xa8: {  	s4 =	sshll.u32 s28, $0x1;
	[dreg:$0x2] =	wrdreg s2  }
0xa9: {  	[dreg:$0x3] =	wrdreg s4  }
0xaa: {  	[dreg:$0x4] =	wrdreg $0xC0  }
0xab: {  	_ =	task [dreg:s6], $0x5FFFF  }
0xac: {  	[dreg:$0x1] =	wrdreg $0xFFFFFFFF  }
0xad: {  	[dreg:$0x0] =	wrdreg $0x60  }
0xae: {  	[dreg:$0x2] =	wrdreg s24  }
0xaf: {  	[dreg:$0x3] =	wrdreg $0xA8000  }
0xb0: {  	[dreg:$0x4] =	wrdreg $0x9  }
0xb1: {  	_ =	task.clear_ibuf [dreg:s6], $0x5FFFF;
	_ =	strace $0x9000004C  }
0xb2: {  	s29 =	simm.s32 $0x9;
	_ =	strace $0x8000004E  }
0xb3: {  	_ =	swait.ge [sflag:s29], $0x1  }
0xb4: {  	[sflag:s29] =	ssyncadd.s32 $0xFFFFFFFF  }
0xb5: {  	_ =	strace $0x9000004E  }
0xb6: {  	_ =	sfence  }
0xb7: {  	s30 =	sld [smem:$0x0];
	_ =	sdelay $0x2  }
0xb8: {  	s31 =	sshll.u32 s1, $0xD;
	s1 =	sshrl.u32 s1, $0x2  }
0xb9: {  	s3 =	sand.u32 $0x4000, s31;
	s1 =	sadd.s32 s1, s30  }
0xba: {  	s0 =	sor.u32 s3, s0;
	s1 =	sshll.u32 s1, $0x11  }
0xbb: {  	s0 =	sor.u32 s1, s0  }
0xbc: {  	s0 =	sadd.s32 $0x8F2B, s0  }
0xbd: {  	[sflag:s0] =	ssyncadd.remote.s32 $0x1  }
0xbe: {  	_ =	sfence.sel $0xFFFF  }
0xbf: {  	[dreg:$0x0] =	wrdreg $0xFFFFFFFF;
	(pc) =	sbr.abs _section_cstart, $3  }
0xc0: {  	[dreg:$0x1] =	wrdreg $0xFFFFFFFF  }
0xc1: {  	_ =	task.clear_ibuf [dreg:s6], $0x2FFFF;
	_ =	strace $0x9FFFFFFF  }
0xc2: {  	(tm) =	ssettm $0x7FFFFFFF  }
0xc3: {  	_ =	shalt  }
tec
execute0_lowered:
.L_overlay_start_1:
0x0: {  	(tag) =	ssettag $0x1  }
0x1: {  	s6 =	rddreg [dreg:$0x0]  }
0x2: {  	s1 =	rddreg [dreg:$0x1]  }
0x3: {  	s2 =	srdreg.scid;
	s0 =	rddreg [dreg:$0x2]  }
0x4: {  	s3 =	simm.s32 $0x0;
	s15 =	simm.s32 $0x1400;
	s16 =	simm.s32 $0x80  }
0x5: {  	s17 =	simm.s32 $0x2800;
	s18 =	simm.s32 $0x6800;
	s19 =	simm.s32 $0x1  }
0x6: {  	s20 =	simm.s32 $0x2;
	s21 =	simm.s32 $0x1380;
	s22 =	simm.s32 $0x2700  }
0x7: {  	s23 =	simm.s32 $0x2780;
	s5 =	sand.u32 $0x1, s2;
	s2 =	stileid.u32  }
0x8: {  	[smem:$0x7FF] =	sst s3;
	s4 =	sadd.s32 $0x18E00, s6;
	s7 =	smul.u32 $0x13C000, s5  }
0x9: {  	s9 =	sadd.s32 $0x4E00, s6;
	s10 =	sadd.s32 $0xEE00, s6;
	s8 =	smul.u32 $0x13C00, s2  }
0xa: {  	_ =	strace $0x8000004D;
	s24 =	sshll.u32 s2, $0x1;
	s11 =	ssub.s32 $0x2, s5  }
0xb: {  	s25 =	smul.u32 $0x4F000, s2;
	s28 =	sshll.u32 s2, $0x6;
	s5 =	sor.u32 s5, s24  }
0xc: {  	s12 =	sshrl.u32 s11, $0x1;
	s24 =	simm.s32 $0x0;
	s7 =	sadd.s32 s8, s7  }
0xd: {  	s13 =	smul.u32 $0x2800, s5;
	s5 =	sadd.s32 $0x40000, s6;
	s26 =	sshrl.u32 s25, $0x2  }
0xe: {  	s12 =	ssub.s32 s11, s12;
	s7 =	sshrl.u32 s7, $0x3;
	s30 =	sadd.s32 s26, s1  }
0xf: {  	s12 =	smax.u32 s12, $0x1;
	s14 =	sadd.s32 s7, s6;
	s29 =	sshrl.u32 s13, $0x3  }
0x10: {  	s6 =	sor.u32 $0x1C03, s28;
	s13 =	sshrl.u32 s30, $0x3;
	s31 =	sadd.s32 $0x280, s29  }
0x11: {  	s7 =	sadd.s32 s9, s29;
	s8 =	sadd.s32 s10, s29;
	s11 =	sadd.s32 $0x69A00, s14  }
0x12: {  	s14 =	simm.s32 $0x3;
	s9 =	sadd.s32 s9, s31;
	s10 =	sadd.s32 s10, s31  }
.LBB2_1:
0x13: {  	[spmem:s13], [sflag:s6] =	dma.local [hbm:s5], $0x2780  }
0x14: {  	_ =	swait.ge [sflag:s14], $0x2780  }
0x15: {  	[sflag:s14] =	ssyncset.done $0x0  }
0x16: {  	[sflag:s14] =	ssyncadd.s32 $0xFFFFD880  }
0x17: {  	[bflag:$0x0] =	sbarrier.arrive $0xFFFF  }
0x18: {  	[tilespmem:s3], [sflag:$0x3] =	stream.linear.gather [hbm4b:s7+s3], $0x1400, $0x38;
	[tilespmem:$0x1E400] =	vst v63  }
0x19: {  	_ =	swait.ge [sflag:s14], $0x1400  }
0x1a: {  	[sflag:s14] =	ssyncset.done $0x0  }
0x1b: {  	[sflag:s14] =	ssyncadd.s32 $0xFFFFEC00  }
0x1c: {  	[tilespmem:s15], [sflag:$0x3] =	stream.linear.gather [hbm4b:s8+s3], $0x1400, $0x38;
	[tilespmem:$0x1E400] =	vst v63  }
0x1d: {  	_ =	swait.ge [sflag:s14], $0x1400  }
0x1e: {  	[sflag:s14] =	ssyncset.done $0x0  }
0x1f: {  	[sflag:s14] =	ssyncadd.s32 $0xFFFFEC00  }
0x20: {  	[tilespmem:s17], [sflag:$0x1] =	stream.indirect.gather [hbm4b:s4+s16], $0x80, s3, s16, $0xb8;
	[tilespmem:$0x1E400] =	vst v63  }
0x21: {  	s25 =	simm.s32 $0x80  }
0x22: {  	[tilespmem:s18], [sflag:$0x2] =	stream.indirect.gather [hbm4b:s4+s16], $0x80, s25, s16, $0xb8;
	[tilespmem:$0x1E400] =	vst v63  }
0x23: {  	_ =	swait.ge [sflag:s19], $0x4000  }
0x24: {  	[sflag:s19] =	ssyncset.done $0x0  }
0x25: {  	s29 =	simm.s32 $0x1400;
	[sflag:s19] =	ssyncadd.s32 $0xFFFFC000  }
0x26: {  	[spmem:s1] =	stream.indirect.scatter.add.f32 [tilespmem:s17], [sflag:$0x3], $0x80, s29, s16, $0xb8;
	[tilespmem:$0x1E400] =	vst v63  }
0x27: {  	_ =	swait.ge [sflag:s14], $0x4000  }
0x28: {  	[sflag:s14] =	ssyncset.done $0x0  }
0x29: {  	s30 =	simm.s32 $0x100;
	[sflag:s14] =	ssyncadd.s32 $0xFFFFC000  }
0x2a: {  	[tilespmem:s17], [sflag:$0x1] =	stream.indirect.gather [hbm4b:s4+s16], $0x80, s30, s16, $0xb8;
	[tilespmem:$0x1E400] =	vst v63  }
0x2b: {  	_ =	swait.ge [sflag:s20], $0x4000  }
0x2c: {  	[sflag:s20] =	ssyncset.done $0x0  }
0x2d: {  	s31 =	simm.s32 $0x1480;
	[sflag:s20] =	ssyncadd.s32 $0xFFFFC000  }
0x2e: {  	[spmem:s1] =	stream.indirect.scatter.add.f32 [tilespmem:s18], [sflag:$0x3], $0x80, s31, s16, $0xb8;
	[tilespmem:$0x1E400] =	vst v63  }
0x2f: {  	_ =	swait.ge [sflag:s14], $0x4000  }
0x30: {  	s26 =	simm.s32 $0x800;
	s25 =	simm.s32 $0x100;
	[sflag:s14] =	ssyncset.done $0x0  }
.LBB2_2:
0x31: {  	s28 =	sadd.s32 $0x80, s25  }
0x32: {  	[sflag:s14] =	ssyncadd.s32 $0xFFFFC000;
	s29 =	smov.u32 s26;
	s30 =	sadd.s32 $0x400, s26  }
0x33: {  	[tilespmem:s18], [sflag:$0x2] =	stream.indirect.gather [hbm4b:s4+s16], $0x80, s28, s16, $0xb8;
	[tilespmem:$0x1E400] =	vst v63  }
0x34: {  	p0 =	sne.s32 s26, $0x4800;
	_ =	swait.ge [sflag:s19], $0x4000  }
0x35: {  	[sflag:s19] =	ssyncset.done $0x0  }
0x36: {  	s26 =	sadd.s32 $0x1400, s25;
	[sflag:s19] =	ssyncadd.s32 $0xFFFFC000  }
0x37: {  	[spmem:s1] =	stream.indirect.scatter.add.f32 [tilespmem:s17], [sflag:$0x3], $0x80, s26, s16, $0xb8;
	[tilespmem:$0x1E400] =	vst v63  }
0x38: {  	_ =	swait.ge [sflag:s14], $0x4000  }
0x39: {  	[sflag:s14] =	ssyncset.done $0x0  }
0x3a: {  	s26 =	sadd.s32 $0x100, s25;
	[sflag:s14] =	ssyncadd.s32 $0xFFFFC000  }
0x3b: {  	[tilespmem:s17], [sflag:$0x1] =	stream.indirect.gather [hbm4b:s4+s16], $0x80, s26, s16, $0xb8;
	[tilespmem:$0x1E400] =	vst v63  }
0x3c: {  	_ =	swait.ge [sflag:s20], $0x4000  }
.Ltmp0:
0x3d: {  	[sflag:s20] =	ssyncset.done $0x0;
	(pc) =	sbr.rel @p0 .LBB2_2-.Ltmp0, $4  }
0x3e: {  	s25 =	sadd.s32 $0x1480, s25;
	[sflag:s20] =	ssyncadd.s32 $0xFFFFC000  }
0x3f: {  	[spmem:s1] =	stream.indirect.scatter.add.f32 [tilespmem:s18], [sflag:$0x3], $0x80, s25, s16, $0xb8;
	[tilespmem:$0x1E400] =	vst v63  }
0x40: {  	_ =	swait.ge [sflag:s14], $0x4000  }
0x41: {  	s26 =	smov.u32 s30;
	s25 =	sshra.s32 s29, $0x2;
	[sflag:s14] =	ssyncset.done $0x0  }
0x42: {  	s26 =	sadd.s32 $0x80, s25;
	[sflag:s14] =	ssyncadd.s32 $0xFFFFC000  }
0x43: {  	[tilespmem:s18], [sflag:$0x2] =	stream.indirect.gather [hbm4b:s4+s16], $0x80, s26, s16, $0xb8;
	[tilespmem:$0x1E400] =	vst v63  }
0x44: {  	_ =	swait.ge [sflag:s19], $0x4000  }
0x45: {  	[sflag:s19] =	ssyncset.done $0x0  }
0x46: {  	s29 =	sadd.s32 $0x1400, s25;
	[sflag:s19] =	ssyncadd.s32 $0xFFFFC000  }
0x47: {  	[spmem:s1] =	stream.indirect.scatter.add.f32 [tilespmem:s17], [sflag:$0x3], $0x80, s29, s16, $0xb8;
	[tilespmem:$0x1E400] =	vst v63  }
0x48: {  	_ =	swait.ge [sflag:s14], $0x4000  }
0x49: {  	[sflag:s14] =	ssyncset.done $0x0  }
0x4a: {  	s30 =	sadd.s32 $0x100, s25;
	[sflag:s14] =	ssyncadd.s32 $0xFFFFC000  }
0x4b: {  	[tilespmem:s17], [sflag:$0x1] =	stream.indirect.gather [hbm4b:s4+s16], $0x80, s30, s16, $0xb8;
	[tilespmem:$0x1E400] =	vst v63  }
0x4c: {  	_ =	swait.ge [sflag:s20], $0x4000  }
0x4d: {  	[sflag:s20] =	ssyncset.done $0x0  }
0x4e: {  	s31 =	sadd.s32 $0x1480, s25;
	[sflag:s20] =	ssyncadd.s32 $0xFFFFC000  }
0x4f: {  	[spmem:s1] =	stream.indirect.scatter.add.f32 [tilespmem:s18], [sflag:$0x3], $0x80, s31, s16, $0xb8;
	[tilespmem:$0x1E400] =	vst v63  }
0x50: {  	_ =	swait.ge [sflag:s14], $0x4000  }
0x51: {  	[sflag:s14] =	ssyncset.done $0x0  }
0x52: {  	[sflag:s14] =	ssyncadd.s32 $0xFFFFC000  }
0x53: {  	[tilespmem:s18], [sflag:$0x2] =	stream.indirect.gather [hbm4b:s4+s16], $0x80, s21, s16, $0xb8;
	[tilespmem:$0x1E400] =	vst v63  }
0x54: {  	_ =	swait.ge [sflag:s19], $0x4000  }
0x55: {  	[sflag:s19] =	ssyncset.done $0x0  }
0x56: {  	[sflag:s19] =	ssyncadd.s32 $0xFFFFC000  }
0x57: {  	[spmem:s1] =	stream.indirect.scatter.add.f32 [tilespmem:s17], [sflag:$0x3], $0x80, s22, s16, $0xb8;
	[tilespmem:$0x1E400] =	vst v63  }
0x58: {  	_ =	swait.ge [sflag:s14], $0x4000  }
0x59: {  	[sflag:s14] =	ssyncset.done $0x0  }
0x5a: {  	[sflag:s14] =	ssyncadd.s32 $0xFFFFC000  }
0x5b: {  	_ =	swait.ge [sflag:s20], $0x4000  }
0x5c: {  	[sflag:s20] =	ssyncset.done $0x0  }
0x5d: {  	[sflag:s20] =	ssyncadd.s32 $0xFFFFC000  }
0x5e: {  	[spmem:s1] =	stream.indirect.scatter.add.f32 [tilespmem:s18], [sflag:$0x3], $0x80, s23, s16, $0xb8;
	[tilespmem:$0x1E400] =	vst v63  }
0x5f: {  	_ =	swait.ge [sflag:s14], $0x4000  }
0x60: {  	[sflag:s14] =	ssyncset.done $0x0  }
0x61: {  	s26 =	simm.s32 $0x0;
	[sflag:s14] =	ssyncadd.s32 $0xFFFFC000  }
0x62: {  	[tilespmem:s26], [sflag:$0x3] =	stream.linear.gather [hbm4b:s9+s26], $0x1400, $0x38;
	[tilespmem:$0x1E400] =	vst v63  }
0x63: {  	_ =	swait.ge [sflag:s14], $0x1400  }
0x64: {  	[sflag:s14] =	ssyncset.done $0x0  }
0x65: {  	[sflag:s14] =	ssyncadd.s32 $0xFFFFEC00  }
0x66: {  	[tilespmem:s15], [sflag:$0x3] =	stream.linear.gather [hbm4b:s10+s26], $0x1400, $0x38;
	[tilespmem:$0x1E400] =	vst v63  }
0x67: {  	_ =	swait.ge [sflag:s14], $0x1400  }
0x68: {  	[sflag:s14] =	ssyncset.done $0x0  }
0x69: {  	[sflag:s14] =	ssyncadd.s32 $0xFFFFEC00  }
0x6a: {  	[tilespmem:s17], [sflag:$0x1] =	stream.indirect.gather [hbm4b:s4+s16], $0x80, s26, s16, $0xb8;
	[tilespmem:$0x1E400] =	vst v63  }
0x6b: {  	s28 =	simm.s32 $0x80  }
0x6c: {  	[tilespmem:s18], [sflag:$0x2] =	stream.indirect.gather [hbm4b:s4+s16], $0x80, s28, s16, $0xb8;
	[tilespmem:$0x1E400] =	vst v63  }
0x6d: {  	_ =	swait.ge [sflag:s19], $0x4000  }
0x6e: {  	[sflag:s19] =	ssyncset.done $0x0  }
0x6f: {  	s29 =	simm.s32 $0x1400;
	[sflag:s19] =	ssyncadd.s32 $0xFFFFC000  }
0x70: {  	[spmem:s1] =	stream.indirect.scatter.add.f32 [tilespmem:s17], [sflag:$0x3], $0x80, s29, s16, $0xb8;
	[tilespmem:$0x1E400] =	vst v63  }
0x71: {  	_ =	swait.ge [sflag:s14], $0x4000  }
0x72: {  	[sflag:s14] =	ssyncset.done $0x0  }
0x73: {  	s30 =	simm.s32 $0x100;
	[sflag:s14] =	ssyncadd.s32 $0xFFFFC000  }
0x74: {  	[tilespmem:s17], [sflag:$0x1] =	stream.indirect.gather [hbm4b:s4+s16], $0x80, s30, s16, $0xb8;
	[tilespmem:$0x1E400] =	vst v63  }
0x75: {  	_ =	swait.ge [sflag:s20], $0x4000  }
0x76: {  	[sflag:s20] =	ssyncset.done $0x0  }
0x77: {  	s31 =	simm.s32 $0x1480;
	[sflag:s20] =	ssyncadd.s32 $0xFFFFC000  }
0x78: {  	[spmem:s1] =	stream.indirect.scatter.add.f32 [tilespmem:s18], [sflag:$0x3], $0x80, s31, s16, $0xb8;
	[tilespmem:$0x1E400] =	vst v63  }
0x79: {  	_ =	swait.ge [sflag:s14], $0x4000  }
0x7a: {  	s25 =	simm.s32 $0x100;
	s26 =	simm.s32 $0x800;
	[sflag:s14] =	ssyncset.done $0x0  }
.LBB2_4:
0x7b: {  	s28 =	sadd.s32 $0x80, s25  }
0x7c: {  	[sflag:s14] =	ssyncadd.s32 $0xFFFFC000;
	s29 =	smov.u32 s26;
	s30 =	sadd.s32 $0x400, s26  }
0x7d: {  	[tilespmem:s18], [sflag:$0x2] =	stream.indirect.gather [hbm4b:s4+s16], $0x80, s28, s16, $0xb8;
	[tilespmem:$0x1E400] =	vst v63  }
0x7e: {  	p0 =	sne.s32 s26, $0x4800;
	_ =	swait.ge [sflag:s19], $0x4000  }
0x7f: {  	[sflag:s19] =	ssyncset.done $0x0  }
0x80: {  	s26 =	sadd.s32 $0x1400, s25;
	[sflag:s19] =	ssyncadd.s32 $0xFFFFC000  }
0x81: {  	[spmem:s1] =	stream.indirect.scatter.add.f32 [tilespmem:s17], [sflag:$0x3], $0x80, s26, s16, $0xb8;
	[tilespmem:$0x1E400] =	vst v63  }
0x82: {  	_ =	swait.ge [sflag:s14], $0x4000  }
0x83: {  	[sflag:s14] =	ssyncset.done $0x0  }
0x84: {  	s26 =	sadd.s32 $0x100, s25;
	[sflag:s14] =	ssyncadd.s32 $0xFFFFC000  }
0x85: {  	[tilespmem:s17], [sflag:$0x1] =	stream.indirect.gather [hbm4b:s4+s16], $0x80, s26, s16, $0xb8;
	[tilespmem:$0x1E400] =	vst v63  }
0x86: {  	_ =	swait.ge [sflag:s20], $0x4000  }
.Ltmp1:
0x87: {  	[sflag:s20] =	ssyncset.done $0x0;
	(pc) =	sbr.rel @p0 .LBB2_4-.Ltmp1, $4  }
0x88: {  	s25 =	sadd.s32 $0x1480, s25;
	[sflag:s20] =	ssyncadd.s32 $0xFFFFC000  }
0x89: {  	[spmem:s1] =	stream.indirect.scatter.add.f32 [tilespmem:s18], [sflag:$0x3], $0x80, s25, s16, $0xb8;
	[tilespmem:$0x1E400] =	vst v63  }
0x8a: {  	_ =	swait.ge [sflag:s14], $0x4000  }
0x8b: {  	s26 =	smov.u32 s30;
	s25 =	sshra.s32 s29, $0x2;
	[sflag:s14] =	ssyncset.done $0x0  }
0x8c: {  	s26 =	sadd.s32 $0x80, s25;
	[sflag:s14] =	ssyncadd.s32 $0xFFFFC000  }
0x8d: {  	[tilespmem:s18], [sflag:$0x2] =	stream.indirect.gather [hbm4b:s4+s16], $0x80, s26, s16, $0xb8;
	[tilespmem:$0x1E400] =	vst v63  }
0x8e: {  	_ =	swait.ge [sflag:s19], $0x4000  }
0x8f: {  	[sflag:s19] =	ssyncset.done $0x0  }
0x90: {  	s29 =	sadd.s32 $0x1400, s25;
	[sflag:s19] =	ssyncadd.s32 $0xFFFFC000  }
0x91: {  	[spmem:s1] =	stream.indirect.scatter.add.f32 [tilespmem:s17], [sflag:$0x3], $0x80, s29, s16, $0xb8;
	[tilespmem:$0x1E400] =	vst v63  }
0x92: {  	_ =	swait.ge [sflag:s14], $0x4000  }
0x93: {  	[sflag:s14] =	ssyncset.done $0x0  }
0x94: {  	s30 =	sadd.s32 $0x100, s25;
	[sflag:s14] =	ssyncadd.s32 $0xFFFFC000  }
0x95: {  	[tilespmem:s17], [sflag:$0x1] =	stream.indirect.gather [hbm4b:s4+s16], $0x80, s30, s16, $0xb8;
	[tilespmem:$0x1E400] =	vst v63  }
0x96: {  	_ =	swait.ge [sflag:s20], $0x4000  }
0x97: {  	[sflag:s20] =	ssyncset.done $0x0  }
0x98: {  	s31 =	sadd.s32 $0x1480, s25;
	[sflag:s20] =	ssyncadd.s32 $0xFFFFC000  }
0x99: {  	[spmem:s1] =	stream.indirect.scatter.add.f32 [tilespmem:s18], [sflag:$0x3], $0x80, s31, s16, $0xb8;
	[tilespmem:$0x1E400] =	vst v63  }
0x9a: {  	_ =	swait.ge [sflag:s14], $0x4000  }
0x9b: {  	[sflag:s14] =	ssyncset.done $0x0  }
0x9c: {  	[sflag:s14] =	ssyncadd.s32 $0xFFFFC000  }
0x9d: {  	[tilespmem:s18], [sflag:$0x2] =	stream.indirect.gather [hbm4b:s4+s16], $0x80, s21, s16, $0xb8;
	[tilespmem:$0x1E400] =	vst v63  }
0x9e: {  	_ =	swait.ge [sflag:s19], $0x4000  }
0x9f: {  	[sflag:s19] =	ssyncset.done $0x0  }
0xa0: {  	[sflag:s19] =	ssyncadd.s32 $0xFFFFC000  }
0xa1: {  	[spmem:s1] =	stream.indirect.scatter.add.f32 [tilespmem:s17], [sflag:$0x3], $0x80, s22, s16, $0xb8;
	[tilespmem:$0x1E400] =	vst v63  }
0xa2: {  	_ =	swait.ge [sflag:s14], $0x4000  }
0xa3: {  	[sflag:s14] =	ssyncset.done $0x0  }
0xa4: {  	[sflag:s14] =	ssyncadd.s32 $0xFFFFC000  }
0xa5: {  	_ =	swait.ge [sflag:s20], $0x4000  }
0xa6: {  	[sflag:s20] =	ssyncset.done $0x0  }
0xa7: {  	[sflag:s20] =	ssyncadd.s32 $0xFFFFC000  }
0xa8: {  	[spmem:s1] =	stream.indirect.scatter.add.f32 [tilespmem:s18], [sflag:$0x3], $0x80, s23, s16, $0xb8;
	[tilespmem:$0x1E400] =	vst v63  }
0xa9: {  	_ =	swait.ge [sflag:s14], $0x4000  }
0xaa: {  	s24 =	sadd.s32 $0x1, s24;
	[sflag:s14] =	ssyncset.done $0x0  }
0xab: {  	p0 =	sne.s32 s24, s12;
	[sflag:s14] =	ssyncadd.s32 $0xFFFFC000  }
.Ltmp2:
0xac: {  	[bflag:$0x0] =	sbarrier.arrive $0xFFFF;
	(pc) =	sbr.rel @p0 .LBB2_1-.Ltmp2, $4  }
0xad: {  	[hbm:s11], [sflag:s6] =	dma.local [spmem:s13], $0x2780  }
0xae: {  	_ =	swait.ge [sflag:s14], $0x2780  }
0xaf: {  	[sflag:s14] =	ssyncset.done $0x0  }
0xb0: {  	[sflag:s14] =	ssyncadd.s32 $0xFFFFD880  }
0xb1: {  	_ =	sfence.sel $0x180000  }
0xb2: {  	[bflag:$0x0] =	sbarrier.arrive $0xFFFF  }
0xb3: {  	p0 =	sne.s32 s2, $0x0;
	_ =	strace $0x9000004D  }
0xb4: {  	s0 =	sadd.s32 @!p0 $0x100000, s0;
	[bflag:$0x2] =	sbarrier.arrive $0xFFFF  }
0xb5: {  	[sflag:s0] =	ssyncadd.tile.s32 @!p0 $0x1;
	_ =	shalt  }
.Lfunc_end2:
_tile_overlayer_lowered:
.L_overlay_start_2:
0xb6: {  	(tag) =	ssettag $0x2  }
0xb7: {  	s0 =	rddreg [dreg:$0x0];
	s2 =	stileid.u32  }
0xb8: {  	s1 =	rddreg [dreg:$0x1];
	p0 =	sne.s32 s2, $0x0  }
0xb9: {  	s3 =	rddreg [dreg:$0x2];
	[bflag:$0x3] =	sbarrier.arrive $0xFFFF;
	s2 =	simm.s32 @!p0 $0x1C03  }
0xba: {  	[timem:s3], [sflag:s2] =	dma.local @!p0 [hbm:s0], s1  }
0xbb: {  	s0 =	simm.s32 @!p0 $0x3  }
0xbc: {  	_ =	swait.ge @!p0 [sflag:s0], s1  }
0xbd: {  	s1 =	ssub.s32 @!p0 $0x0, s1;
	[sflag:s0] =	ssyncset.done @!p0 $0x0  }
0xbe: {  	[sflag:s0] =	ssyncadd.s32 @!p0 s1  }
0xbf: {  	[bflag:$0x3] =	sbarrier.arrive $0xFFFF  }
0xc0: {  	_ =	shalt  }

// kernel: kernel.21.cloned.1.call-start
scs
__scs_entry_jumppad:
0x0: {  	(pc) =	sbr.rel $0x88, $3  }
0x1: {  	(tag) =	ssettag $0x0;
	lr =	simm.s32 $0x1  }
0x2: {  	[smem:$0x3F89] =	sst lr;
	_ =	strace $0xD0000000  }
0x3: {  	_ = 	snop  }
0x4: {  	_ = 	snop  }
0x5: {  	_ = 	snop  }
0x6: {  	_ = 	snop  }
0x7: {  	_ = 	snop  }
__scs_overlays_trampoline_lowered:
0x8: {  	[smem:$0x3F98] =	sst s0  }
0x9: {  	[smem:$0x3F99] =	sst s1  }
0xa: {  	[smem:$0x3F9A] =	sst s2  }
0xb: {  	[smem:$0x3F9B] =	sst s3  }
0xc: {  	[smem:$0x3F9C] =	sst s4  }
0xd: {  	[smem:$0x3F9D] =	sst s5  }
0xe: {  	[smem:$0x3F9E] =	sst s6  }
0xf: {  	[smem:$0x3F9F] =	sst s7  }
0x10: {  	[smem:$0x3FA0] =	sst s8  }
0x11: {  	[smem:$0x3FA1] =	sst s9;
	s0 =	simm.s32 @!p0 $0x0  }
0x12: {  	s1 =	sld [smem:$0x3F87];
	s0 =	simm.s32 @p0 $0x1  }
0x13: {  	[smem:$0x3FA2] =	sst s0;
	s0 =	simm.s32 @!p1 $0x0  }
0x14: {  	s2 =	sld [smem:$0x3F86];
	s0 =	simm.s32 @p1 $0x1  }
0x15: {  	[smem:$0x3FA3] =	sst s0;
	s0 =	simm.s32 @!p2 $0x0  }
0x16: {  	s3 =	sld [smem:$0x3FDB];
	s0 =	simm.s32 @p2 $0x1  }
0x17: {  	s4 =	simm.s32 $0x1BF5;
	[smem:$0x3FA5] =	sst s0  }
0x18: {  	s0 =	sld [smem:$0x3F88];
	_ =	swait.ge [sflag:s4], $0x0  }
0x19: {  	s7 =	sld [smem:$0x3F89]  }
0x1a: {  	s8 =	sadd.s32 $0xFFFFE003, lr  }
0x1b: {  	s9 =	sadd.s32 $0xFFFFFEF7, lr;
	s5 =	simm.s32 $0xFFFFFFFF;
	p2 =	slt.u32 s8, $0xFFFFF086  }
0x1c: {  	p1 =	slt.u32 s9, $0xF7A;
	s5 =	simm.s32 @!p2 $0x0  }
0x1d: {  	s5 =	simm.s32 @p1 $0x1;
	p0 =	seq.s32 s7, s2  }
0x1e: {  	s7 =	smul.u32 @!p0 $0xF7A, s2;
	p2 =	seq.s32 @!p0 s5, $0x0  }
0x1f: {  	s9 =	smul.u32 $0xF7A, s1;
	s8 =	simm.s32 @!p0 $0x1BF5;
	p2 =	por !p2, p0  }
0x20: {  	[sflag:s8] =	ssyncset.s32 @!p0 $0xFFFFF086;
	s6 =	sadd.s32 @!p0 s3, s7;
	s7 =	simm.s32 @!p0 $0x108  }
0x21: {  	s3 =	sadd.s32 s3, s9;
	s6 =	sadd.s32 @!p0 $0x88, s6;
	s7 =	simm.s32 @p2 $0x1082  }
0x22: {  	[simem:s7], [sflag:s8] =	dma.local @!p0 [hbm:s6], $0xF7A  }
0x23: {  	s9 =	sor.u32 $0xD0000000, s2;
	s6 =	simm.s32 $0x108;
	_ =	swait.ge @!p0 [sflag:s8], $0x0  }
0x24: {  	s3 =	sadd.s32 $0x88, s3;
	s6 =	simm.s32 @!p1 $0x1082;
	[sflag:s4] =	ssyncset.s32 $0xFFFFF086  }
0x25: {  	[simem:s6], [sflag:s4] =	dma.local [hbm:s3], $0xF7A  }
0x26: {  	[smem:$0x3F89] =	sst s1;
	(tag) =	ssettag s2;
	_ =	strace s9  }
0x27: {  	s1 =	sld [smem:$0x3F99]  }
0x28: {  	s2 =	sld [smem:$0x3F9A]  }
0x29: {  	s4 =	sld [smem:$0x3F9C]  }
0x2a: {  	p0 =	seq.s32 s5, $0x0;
	s5 =	sld [smem:$0x3F9D]  }
0x2b: {  	s6 =	sld [smem:$0x3F9E]  }
0x2c: {  	s7 =	sld [smem:$0x3F9F]  }
0x2d: {  	s3 =	simm.s32 $0x108;
	s8 =	sld [smem:$0x3FA0]  }
0x2e: {  	s3 =	simm.s32 @!p0 $0x1082;
	s9 =	sld [smem:$0x3FA1]  }
0x2f: {  	lr =	sadd.s32 s0, s3;
	s0 =	sld [smem:$0x3F98]  }
0x30: {  	s3 =	sld [smem:$0x3F9B]  }
0x31: {  	[smem:$0x3FA4] =	sst s10  }
0x32: {  	s10 =	sld [smem:$0x3FA2];
	_ =	sdelay $0x3  }
0x33: {  	p0 =	seq.s32 s10, $0x1;
	s10 =	sld [smem:$0x3FA4];
	_ =	sdelay $0x3  }
0x34: {  	[smem:$0x3FA4] =	sst s10  }
0x35: {  	s10 =	sld [smem:$0x3FA3];
	_ =	sdelay $0x3  }
0x36: {  	p1 =	seq.s32 s10, $0x1;
	s10 =	sld [smem:$0x3FA4];
	_ =	sdelay $0x3  }
0x37: {  	[smem:$0x3FA4] =	sst s10  }
0x38: {  	s10 =	sld [smem:$0x3FA5]  }
0x39: {  	_ = 	snop;
	(pc) =	sbr.ind lr, $3  }
0x3a: {  	_ = 	snop  }
0x3b: {  	_ = 	snop  }
0x3c: {  	p2 =	seq.s32 s10, $0x1;
	s10 =	sld [smem:$0x3FA4]  }
0x3d: {  	_ =	shalt  }
0x3e: {  	_ =	shalt  }
0x3f: {  	_ =	shalt  }
0x40: {  	_ =	shalt  }
0x41: {  	_ =	shalt  }
0x42: {  	_ =	shalt  }
0x43: {  	_ =	shalt  }
0x44: {  	_ =	shalt  }
0x45: {  	_ =	shalt  }
0x46: {  	_ =	shalt  }
0x47: {  	_ =	shalt  }
0x48: {  	_ =	shalt  }
0x49: {  	_ =	shalt  }
0x4a: {  	_ =	shalt  }
0x4b: {  	_ =	shalt  }
0x4c: {  	_ =	shalt  }
0x4d: {  	_ =	shalt  }
0x4e: {  	_ =	shalt  }
0x4f: {  	_ =	shalt  }
0x50: {  	_ =	shalt  }
0x51: {  	_ =	shalt  }
0x52: {  	_ =	shalt  }
0x53: {  	_ =	shalt  }
0x54: {  	_ =	shalt  }
0x55: {  	_ =	shalt  }
0x56: {  	_ =	shalt  }
0x57: {  	_ =	shalt  }
0x58: {  	_ =	shalt  }
0x59: {  	_ =	shalt  }
0x5a: {  	_ =	shalt  }
0x5b: {  	_ =	shalt  }
0x5c: {  	_ =	shalt  }
0x5d: {  	_ =	shalt  }
0x5e: {  	_ =	shalt  }
0x5f: {  	_ =	shalt  }
0x60: {  	_ =	shalt  }
0x61: {  	_ =	shalt  }
0x62: {  	_ =	shalt  }
0x63: {  	_ =	shalt  }
0x64: {  	_ =	shalt  }
0x65: {  	_ =	shalt  }
0x66: {  	_ =	shalt  }
0x67: {  	_ =	shalt  }
0x68: {  	_ =	shalt  }
0x69: {  	_ =	shalt  }
0x6a: {  	_ =	shalt  }
0x6b: {  	_ =	shalt  }
0x6c: {  	_ =	shalt  }
0x6d: {  	_ =	shalt  }
0x6e: {  	_ =	shalt  }
0x6f: {  	_ =	shalt  }
0x70: {  	_ =	shalt  }
0x71: {  	_ =	shalt  }
0x72: {  	_ =	shalt  }
0x73: {  	_ =	shalt  }
0x74: {  	_ =	shalt  }
0x75: {  	_ =	shalt  }
0x76: {  	_ =	shalt  }
0x77: {  	_ =	shalt  }
0x78: {  	_ =	shalt  }
0x79: {  	_ =	shalt  }
0x7a: {  	_ =	shalt  }
0x7b: {  	_ =	shalt  }
0x7c: {  	_ =	shalt  }
0x7d: {  	_ =	shalt  }
0x7e: {  	_ =	shalt  }
0x7f: {  	_ =	shalt  }
0x80: {  	_ =	shalt  }
0x81: {  	_ =	shalt  }
0x82: {  	_ =	shalt  }
0x83: {  	_ =	shalt  }
0x84: {  	_ =	shalt  }
0x85: {  	_ =	shalt  }
0x86: {  	_ =	shalt  }
0x87: {  	_ =	shalt  }
.Lfunc_end0:
.L_simem_size_0:
called_computation.3_lowered:
.L_overlay_start_0:
0x88: {  	s2 =	sld [smem:$0x3FD9]  }
0x89: {  	s3 =	sld [smem:$0x3FFE];
	_ =	sdelay $0x1  }
0x8a: {  	s1 =	srdreg.scid  }
0x8b: {  	s0 =	sand.u32 $0x1, s1  }
0x8c: {  	s16 =	sshll.u32 s0, $0xA;
	s2 =	sadd.s32 s3, s2  }
0x8d: {  	s2 =	sadd.s32 s2, s16  }
0x8e: {  	[smem:$0x3FB0] =	sst s2  }
0x8f: {  	_ = 	snop  }
0x90: {  	(tm) =	ssettm $0x1  }
0x91: {  	s17 =	sld [smem:$0x3FFB];
	_ =	sdelay $0x3  }
0x92: {  	_ =	strace s17  }
0x93: {  	s2 =	sld [smem:$0x3FFC];
	_ =	sdelay $0x3  }
0x94: {  	_ =	strace s2  }
0x95: {  	s2 =	sld [smem:$0x3FFD];
	_ =	sdelay $0x3  }
0x96: {  	_ =	strace s2  }
0x97: {  	_ =	strace $0x8FFFFFFF  }
0x98: {  	s18 =	sld [smem:$0x3FDB];
	_ =	sdelay $0x1  }
0x99: {  	s19 =	simm.s32 $_scs_section_size  }
0x9a: {  	s4 =	simm.s32 $_size__tile_overlayer_lowered;
	s5 =	simm.s32 $_tile_overlayer_lowered  }
0x9b: {  	s22 =	simm.s32 $0x1BFF;
	s21 =	sshll.u32 s5, $0x1;
	s2 =	sadd.s32 s19, s18  }
0x9c: {  	s6 =	simm.s32 $0x0;
	s20 =	sshll.u32 s4, $0x1;
	s4 =	sadd.s32 s21, s2  }
0x9d: {  	[timem:s6], [sflag:s22] =	dma.local [hbm:s4], s20  }
0x9e: {  	_ =	swait.ge [sflag:s22], s20  }
0x9f: {  	s3 =	ssub.s32 $0x0, s20;
	[sflag:s22] =	ssyncset.done $0x0  }
0xa0: {  	[sflag:s22] =	ssyncadd.s32 s3;
	_ =	sdelay $0x1  }
0xa1: {  	s23 =	simm.s32 $0x1B8B  }
0xa2: {  	_ =	swait.ge [sflag:s23], $0x1  }
0xa3: {  	[sflag:s23] =	ssyncset.done $0x0  }
0xa4: {  	s25 =	simm.s32 $0x1B8E;
	s24 =	sld [smem:$0x3FFE];
	[sflag:s23] =	ssyncadd.s32 $0xFFFFFFFF  }
0xa5: {  	s26 =	simm.s32 $execute0_lowered;
	[smem:$0x3FD2] =	sst s25  }
0xa6: {  	s4 =	sshll.u32 s26, $0x1;
	_ =	strace $0x8000004F;
	[dreg:$0x1] =	wrdreg $0xFFFFFFFF  }
0xa7: {  	s28 =	simm.s32 $_size_execute0_lowered;
	s2 =	sadd.s32 s2, s4;
	[dreg:$0x0] =	wrdreg $0x0  }
0xa8: {  	s4 =	sshll.u32 s28, $0x1;
	[dreg:$0x2] =	wrdreg s2  }
0xa9: {  	[dreg:$0x3] =	wrdreg s4  }
0xaa: {  	[dreg:$0x4] =	wrdreg $0xC0  }
0xab: {  	_ =	task [dreg:s6], $0x5FFFF  }
0xac: {  	[dreg:$0x1] =	wrdreg $0xFFFFFFFF  }
0xad: {  	[dreg:$0x0] =	wrdreg $0x60  }
0xae: {  	[dreg:$0x2] =	wrdreg s24  }
0xaf: {  	[dreg:$0x3] =	wrdreg $0xA8000  }
0xb0: {  	[dreg:$0x4] =	wrdreg $0x9  }
0xb1: {  	_ =	task.clear_ibuf [dreg:s6], $0x5FFFF;
	_ =	strace $0x9000004F  }
0xb2: {  	s29 =	simm.s32 $0x9;
	_ =	strace $0x80000051  }
0xb3: {  	_ =	swait.ge [sflag:s29], $0x1  }
0xb4: {  	[sflag:s29] =	ssyncadd.s32 $0xFFFFFFFF  }
0xb5: {  	_ =	strace $0x90000051  }
0xb6: {  	_ =	sfence  }
0xb7: {  	s30 =	sld [smem:$0x0];
	_ =	sdelay $0x2  }
0xb8: {  	s31 =	sshll.u32 s1, $0xD;
	s1 =	sshrl.u32 s1, $0x2  }
0xb9: {  	s3 =	sand.u32 $0x4000, s31;
	s1 =	sadd.s32 s1, s30  }
0xba: {  	s0 =	sor.u32 s3, s0;
	s1 =	sshll.u32 s1, $0x11  }
0xbb: {  	s0 =	sor.u32 s1, s0  }
0xbc: {  	s0 =	sadd.s32 $0x8F2B, s0  }
0xbd: {  	[sflag:s0] =	ssyncadd.remote.s32 $0x1  }
0xbe: {  	_ =	sfence.sel $0xFFFF  }
0xbf: {  	[dreg:$0x0] =	wrdreg $0xFFFFFFFF;
	(pc) =	sbr.abs _section_cstart, $3  }
0xc0: {  	[dreg:$0x1] =	wrdreg $0xFFFFFFFF  }
0xc1: {  	_ =	task.clear_ibuf [dreg:s6], $0x2FFFF;
	_ =	strace $0x9FFFFFFF  }
0xc2: {  	(tm) =	ssettm $0x7FFFFFFF  }
0xc3: {  	_ =	shalt  }
tec
execute0_lowered:
.L_overlay_start_1:
0x0: {  	(tag) =	ssettag $0x1  }
0x1: {  	s6 =	rddreg [dreg:$0x0]  }
0x2: {  	s1 =	rddreg [dreg:$0x1]  }
0x3: {  	s2 =	srdreg.scid;
	s0 =	rddreg [dreg:$0x2]  }
0x4: {  	s3 =	simm.s32 $0x0;
	s15 =	simm.s32 $0x1400;
	s16 =	simm.s32 $0x80  }
0x5: {  	s17 =	simm.s32 $0x2800;
	s18 =	simm.s32 $0x6800;
	s19 =	simm.s32 $0x1  }
0x6: {  	s20 =	simm.s32 $0x2;
	s21 =	simm.s32 $0x1380;
	s22 =	simm.s32 $0x2700  }
0x7: {  	s23 =	simm.s32 $0x2780;
	s5 =	sand.u32 $0x1, s2;
	s2 =	stileid.u32  }
0x8: {  	[smem:$0x7FF] =	sst s3;
	s4 =	sadd.s32 $0x18E00, s6;
	s7 =	smul.u32 $0x13C000, s5  }
0x9: {  	s9 =	sadd.s32 $0x4E00, s6;
	s10 =	sadd.s32 $0xEE00, s6;
	s8 =	smul.u32 $0x13C00, s2  }
0xa: {  	_ =	strace $0x80000050;
	s24 =	sshll.u32 s2, $0x1;
	s11 =	ssub.s32 $0x2, s5  }
0xb: {  	s25 =	smul.u32 $0x4F000, s2;
	s28 =	sshll.u32 s2, $0x6;
	s5 =	sor.u32 s5, s24  }
0xc: {  	s12 =	sshrl.u32 s11, $0x1;
	s24 =	simm.s32 $0x0;
	s7 =	sadd.s32 s8, s7  }
0xd: {  	s13 =	smul.u32 $0x2800, s5;
	s5 =	sadd.s32 $0x40000, s6;
	s26 =	sshrl.u32 s25, $0x2  }
0xe: {  	s12 =	ssub.s32 s11, s12;
	s7 =	sshrl.u32 s7, $0x3;
	s30 =	sadd.s32 s26, s1  }
0xf: {  	s12 =	smax.u32 s12, $0x1;
	s14 =	sadd.s32 s7, s6;
	s29 =	sshrl.u32 s13, $0x3  }
0x10: {  	s6 =	sor.u32 $0x1C03, s28;
	s13 =	sshrl.u32 s30, $0x3;
	s31 =	sadd.s32 $0x280, s29  }
0x11: {  	s7 =	sadd.s32 s9, s29;
	s8 =	sadd.s32 s10, s29;
	s11 =	sadd.s32 $0x69A00, s14  }
0x12: {  	s14 =	simm.s32 $0x3;
	s9 =	sadd.s32 s9, s31;
	s10 =	sadd.s32 s10, s31  }
.LBB2_1:
0x13: {  	[spmem:s13], [sflag:s6] =	dma.local [hbm:s5], $0x2780  }
0x14: {  	_ =	swait.ge [sflag:s14], $0x2780  }
0x15: {  	[sflag:s14] =	ssyncset.done $0x0  }
0x16: {  	[sflag:s14] =	ssyncadd.s32 $0xFFFFD880  }
0x17: {  	[bflag:$0x0] =	sbarrier.arrive $0xFFFF  }
0x18: {  	[tilespmem:s3], [sflag:$0x3] =	stream.linear.gather [hbm4b:s7+s3], $0x1400, $0x38;
	[tilespmem:$0x1E400] =	vst v63  }
0x19: {  	_ =	swait.ge [sflag:s14], $0x1400  }
0x1a: {  	[sflag:s14] =	ssyncset.done $0x0  }
0x1b: {  	[sflag:s14] =	ssyncadd.s32 $0xFFFFEC00  }
0x1c: {  	[tilespmem:s15], [sflag:$0x3] =	stream.linear.gather [hbm4b:s8+s3], $0x1400, $0x38;
	[tilespmem:$0x1E400] =	vst v63  }
0x1d: {  	_ =	swait.ge [sflag:s14], $0x1400  }
0x1e: {  	[sflag:s14] =	ssyncset.done $0x0  }
0x1f: {  	[sflag:s14] =	ssyncadd.s32 $0xFFFFEC00  }
0x20: {  	[tilespmem:s17], [sflag:$0x1] =	stream.indirect.gather [hbm4b:s4+s16], $0x80, s3, s16, $0xb8;
	[tilespmem:$0x1E400] =	vst v63  }
0x21: {  	s25 =	simm.s32 $0x80  }
0x22: {  	[tilespmem:s18], [sflag:$0x2] =	stream.indirect.gather [hbm4b:s4+s16], $0x80, s25, s16, $0xb8;
	[tilespmem:$0x1E400] =	vst v63  }
0x23: {  	_ =	swait.ge [sflag:s19], $0x4000  }
0x24: {  	[sflag:s19] =	ssyncset.done $0x0  }
0x25: {  	s29 =	simm.s32 $0x1400;
	[sflag:s19] =	ssyncadd.s32 $0xFFFFC000  }
0x26: {  	[spmem:s1] =	stream.indirect.scatter.add.f32 [tilespmem:s17], [sflag:$0x3], $0x80, s29, s16, $0xb8;
	[tilespmem:$0x1E400] =	vst v63  }
0x27: {  	_ =	swait.ge [sflag:s14], $0x4000  }
0x28: {  	[sflag:s14] =	ssyncset.done $0x0  }
0x29: {  	s30 =	simm.s32 $0x100;
	[sflag:s14] =	ssyncadd.s32 $0xFFFFC000  }
0x2a: {  	[tilespmem:s17], [sflag:$0x1] =	stream.indirect.gather [hbm4b:s4+s16], $0x80, s30, s16, $0xb8;
	[tilespmem:$0x1E400] =	vst v63  }
0x2b: {  	_ =	swait.ge [sflag:s20], $0x4000  }
0x2c: {  	[sflag:s20] =	ssyncset.done $0x0  }
0x2d: {  	s31 =	simm.s32 $0x1480;
	[sflag:s20] =	ssyncadd.s32 $0xFFFFC000  }
0x2e: {  	[spmem:s1] =	stream.indirect.scatter.add.f32 [tilespmem:s18], [sflag:$0x3], $0x80, s31, s16, $0xb8;
	[tilespmem:$0x1E400] =	vst v63  }
0x2f: {  	_ =	swait.ge [sflag:s14], $0x4000  }
0x30: {  	s26 =	simm.s32 $0x800;
	s25 =	simm.s32 $0x100;
	[sflag:s14] =	ssyncset.done $0x0  }
.LBB2_2:
0x31: {  	s28 =	sadd.s32 $0x80, s25  }
0x32: {  	[sflag:s14] =	ssyncadd.s32 $0xFFFFC000;
	s29 =	smov.u32 s26;
	s30 =	sadd.s32 $0x400, s26  }
0x33: {  	[tilespmem:s18], [sflag:$0x2] =	stream.indirect.gather [hbm4b:s4+s16], $0x80, s28, s16, $0xb8;
	[tilespmem:$0x1E400] =	vst v63  }
0x34: {  	p0 =	sne.s32 s26, $0x4800;
	_ =	swait.ge [sflag:s19], $0x4000  }
0x35: {  	[sflag:s19] =	ssyncset.done $0x0  }
0x36: {  	s26 =	sadd.s32 $0x1400, s25;
	[sflag:s19] =	ssyncadd.s32 $0xFFFFC000  }
0x37: {  	[spmem:s1] =	stream.indirect.scatter.add.f32 [tilespmem:s17], [sflag:$0x3], $0x80, s26, s16, $0xb8;
	[tilespmem:$0x1E400] =	vst v63  }
0x38: {  	_ =	swait.ge [sflag:s14], $0x4000  }
0x39: {  	[sflag:s14] =	ssyncset.done $0x0  }
0x3a: {  	s26 =	sadd.s32 $0x100, s25;
	[sflag:s14] =	ssyncadd.s32 $0xFFFFC000  }
0x3b: {  	[tilespmem:s17], [sflag:$0x1] =	stream.indirect.gather [hbm4b:s4+s16], $0x80, s26, s16, $0xb8;
	[tilespmem:$0x1E400] =	vst v63  }
0x3c: {  	_ =	swait.ge [sflag:s20], $0x4000  }
.Ltmp0:
0x3d: {  	[sflag:s20] =	ssyncset.done $0x0;
	(pc) =	sbr.rel @p0 .LBB2_2-.Ltmp0, $4  }
0x3e: {  	s25 =	sadd.s32 $0x1480, s25;
	[sflag:s20] =	ssyncadd.s32 $0xFFFFC000  }
0x3f: {  	[spmem:s1] =	stream.indirect.scatter.add.f32 [tilespmem:s18], [sflag:$0x3], $0x80, s25, s16, $0xb8;
	[tilespmem:$0x1E400] =	vst v63  }
0x40: {  	_ =	swait.ge [sflag:s14], $0x4000  }
0x41: {  	s26 =	smov.u32 s30;
	s25 =	sshra.s32 s29, $0x2;
	[sflag:s14] =	ssyncset.done $0x0  }
0x42: {  	s26 =	sadd.s32 $0x80, s25;
	[sflag:s14] =	ssyncadd.s32 $0xFFFFC000  }
0x43: {  	[tilespmem:s18], [sflag:$0x2] =	stream.indirect.gather [hbm4b:s4+s16], $0x80, s26, s16, $0xb8;
	[tilespmem:$0x1E400] =	vst v63  }
0x44: {  	_ =	swait.ge [sflag:s19], $0x4000  }
0x45: {  	[sflag:s19] =	ssyncset.done $0x0  }
0x46: {  	s29 =	sadd.s32 $0x1400, s25;
	[sflag:s19] =	ssyncadd.s32 $0xFFFFC000  }
0x47: {  	[spmem:s1] =	stream.indirect.scatter.add.f32 [tilespmem:s17], [sflag:$0x3], $0x80, s29, s16, $0xb8;
	[tilespmem:$0x1E400] =	vst v63  }
0x48: {  	_ =	swait.ge [sflag:s14], $0x4000  }
0x49: {  	[sflag:s14] =	ssyncset.done $0x0  }
0x4a: {  	s30 =	sadd.s32 $0x100, s25;
	[sflag:s14] =	ssyncadd.s32 $0xFFFFC000  }
0x4b: {  	[tilespmem:s17], [sflag:$0x1] =	stream.indirect.gather [hbm4b:s4+s16], $0x80, s30, s16, $0xb8;
	[tilespmem:$0x1E400] =	vst v63  }
0x4c: {  	_ =	swait.ge [sflag:s20], $0x4000  }
0x4d: {  	[sflag:s20] =	ssyncset.done $0x0  }
0x4e: {  	s31 =	sadd.s32 $0x1480, s25;
	[sflag:s20] =	ssyncadd.s32 $0xFFFFC000  }
0x4f: {  	[spmem:s1] =	stream.indirect.scatter.add.f32 [tilespmem:s18], [sflag:$0x3], $0x80, s31, s16, $0xb8;
	[tilespmem:$0x1E400] =	vst v63  }
0x50: {  	_ =	swait.ge [sflag:s14], $0x4000  }
0x51: {  	[sflag:s14] =	ssyncset.done $0x0  }
0x52: {  	[sflag:s14] =	ssyncadd.s32 $0xFFFFC000  }
0x53: {  	[tilespmem:s18], [sflag:$0x2] =	stream.indirect.gather [hbm4b:s4+s16], $0x80, s21, s16, $0xb8;
	[tilespmem:$0x1E400] =	vst v63  }
0x54: {  	_ =	swait.ge [sflag:s19], $0x4000  }
0x55: {  	[sflag:s19] =	ssyncset.done $0x0  }
0x56: {  	[sflag:s19] =	ssyncadd.s32 $0xFFFFC000  }
0x57: {  	[spmem:s1] =	stream.indirect.scatter.add.f32 [tilespmem:s17], [sflag:$0x3], $0x80, s22, s16, $0xb8;
	[tilespmem:$0x1E400] =	vst v63  }
0x58: {  	_ =	swait.ge [sflag:s14], $0x4000  }
0x59: {  	[sflag:s14] =	ssyncset.done $0x0  }
0x5a: {  	[sflag:s14] =	ssyncadd.s32 $0xFFFFC000  }
0x5b: {  	_ =	swait.ge [sflag:s20], $0x4000  }
0x5c: {  	[sflag:s20] =	ssyncset.done $0x0  }
0x5d: {  	[sflag:s20] =	ssyncadd.s32 $0xFFFFC000  }
0x5e: {  	[spmem:s1] =	stream.indirect.scatter.add.f32 [tilespmem:s18], [sflag:$0x3], $0x80, s23, s16, $0xb8;
	[tilespmem:$0x1E400] =	vst v63  }
0x5f: {  	_ =	swait.ge [sflag:s14], $0x4000  }
0x60: {  	[sflag:s14] =	ssyncset.done $0x0  }
0x61: {  	s26 =	simm.s32 $0x0;
	[sflag:s14] =	ssyncadd.s32 $0xFFFFC000  }
0x62: {  	[tilespmem:s26], [sflag:$0x3] =	stream.linear.gather [hbm4b:s9+s26], $0x1400, $0x38;
	[tilespmem:$0x1E400] =	vst v63  }
0x63: {  	_ =	swait.ge [sflag:s14], $0x1400  }
0x64: {  	[sflag:s14] =	ssyncset.done $0x0  }
0x65: {  	[sflag:s14] =	ssyncadd.s32 $0xFFFFEC00  }
0x66: {  	[tilespmem:s15], [sflag:$0x3] =	stream.linear.gather [hbm4b:s10+s26], $0x1400, $0x38;
	[tilespmem:$0x1E400] =	vst v63  }
0x67: {  	_ =	swait.ge [sflag:s14], $0x1400  }
0x68: {  	[sflag:s14] =	ssyncset.done $0x0  }
0x69: {  	[sflag:s14] =	ssyncadd.s32 $0xFFFFEC00  }
0x6a: {  	[tilespmem:s17], [sflag:$0x1] =	stream.indirect.gather [hbm4b:s4+s16], $0x80, s26, s16, $0xb8;
	[tilespmem:$0x1E400] =	vst v63  }
0x6b: {  	s28 =	simm.s32 $0x80  }
0x6c: {  	[tilespmem:s18], [sflag:$0x2] =	stream.indirect.gather [hbm4b:s4+s16], $0x80, s28, s16, $0xb8;
	[tilespmem:$0x1E400] =	vst v63  }
0x6d: {  	_ =	swait.ge [sflag:s19], $0x4000  }
0x6e: {  	[sflag:s19] =	ssyncset.done $0x0  }
0x6f: {  	s29 =	simm.s32 $0x1400;
	[sflag:s19] =	ssyncadd.s32 $0xFFFFC000  }
0x70: {  	[spmem:s1] =	stream.indirect.scatter.add.f32 [tilespmem:s17], [sflag:$0x3], $0x80, s29, s16, $0xb8;
	[tilespmem:$0x1E400] =	vst v63  }
0x71: {  	_ =	swait.ge [sflag:s14], $0x4000  }
0x72: {  	[sflag:s14] =	ssyncset.done $0x0  }
0x73: {  	s30 =	simm.s32 $0x100;
	[sflag:s14] =	ssyncadd.s32 $0xFFFFC000  }
0x74: {  	[tilespmem:s17], [sflag:$0x1] =	stream.indirect.gather [hbm4b:s4+s16], $0x80, s30, s16, $0xb8;
	[tilespmem:$0x1E400] =	vst v63  }
0x75: {  	_ =	swait.ge [sflag:s20], $0x4000  }
0x76: {  	[sflag:s20] =	ssyncset.done $0x0  }
0x77: {  	s31 =	simm.s32 $0x1480;
	[sflag:s20] =	ssyncadd.s32 $0xFFFFC000  }
0x78: {  	[spmem:s1] =	stream.indirect.scatter.add.f32 [tilespmem:s18], [sflag:$0x3], $0x80, s31, s16, $0xb8;
	[tilespmem:$0x1E400] =	vst v63  }
0x79: {  	_ =	swait.ge [sflag:s14], $0x4000  }
0x7a: {  	s25 =	simm.s32 $0x100;
	s26 =	simm.s32 $0x800;
	[sflag:s14] =	ssyncset.done $0x0  }
.LBB2_4:
0x7b: {  	s28 =	sadd.s32 $0x80, s25  }
0x7c: {  	[sflag:s14] =	ssyncadd.s32 $0xFFFFC000;
	s29 =	smov.u32 s26;
	s30 =	sadd.s32 $0x400, s26  }
0x7d: {  	[tilespmem:s18], [sflag:$0x2] =	stream.indirect.gather [hbm4b:s4+s16], $0x80, s28, s16, $0xb8;
	[tilespmem:$0x1E400] =	vst v63  }
0x7e: {  	p0 =	sne.s32 s26, $0x4800;
	_ =	swait.ge [sflag:s19], $0x4000  }
0x7f: {  	[sflag:s19] =	ssyncset.done $0x0  }
0x80: {  	s26 =	sadd.s32 $0x1400, s25;
	[sflag:s19] =	ssyncadd.s32 $0xFFFFC000  }
0x81: {  	[spmem:s1] =	stream.indirect.scatter.add.f32 [tilespmem:s17], [sflag:$0x3], $0x80, s26, s16, $0xb8;
	[tilespmem:$0x1E400] =	vst v63  }
0x82: {  	_ =	swait.ge [sflag:s14], $0x4000  }
0x83: {  	[sflag:s14] =	ssyncset.done $0x0  }
0x84: {  	s26 =	sadd.s32 $0x100, s25;
	[sflag:s14] =	ssyncadd.s32 $0xFFFFC000  }
0x85: {  	[tilespmem:s17], [sflag:$0x1] =	stream.indirect.gather [hbm4b:s4+s16], $0x80, s26, s16, $0xb8;
	[tilespmem:$0x1E400] =	vst v63  }
0x86: {  	_ =	swait.ge [sflag:s20], $0x4000  }
.Ltmp1:
0x87: {  	[sflag:s20] =	ssyncset.done $0x0;
	(pc) =	sbr.rel @p0 .LBB2_4-.Ltmp1, $4  }
0x88: {  	s25 =	sadd.s32 $0x1480, s25;
	[sflag:s20] =	ssyncadd.s32 $0xFFFFC000  }
0x89: {  	[spmem:s1] =	stream.indirect.scatter.add.f32 [tilespmem:s18], [sflag:$0x3], $0x80, s25, s16, $0xb8;
	[tilespmem:$0x1E400] =	vst v63  }
0x8a: {  	_ =	swait.ge [sflag:s14], $0x4000  }
0x8b: {  	s26 =	smov.u32 s30;
	s25 =	sshra.s32 s29, $0x2;
	[sflag:s14] =	ssyncset.done $0x0  }
0x8c: {  	s26 =	sadd.s32 $0x80, s25;
	[sflag:s14] =	ssyncadd.s32 $0xFFFFC000  }
0x8d: {  	[tilespmem:s18], [sflag:$0x2] =	stream.indirect.gather [hbm4b:s4+s16], $0x80, s26, s16, $0xb8;
	[tilespmem:$0x1E400] =	vst v63  }
0x8e: {  	_ =	swait.ge [sflag:s19], $0x4000  }
0x8f: {  	[sflag:s19] =	ssyncset.done $0x0  }
0x90: {  	s29 =	sadd.s32 $0x1400, s25;
	[sflag:s19] =	ssyncadd.s32 $0xFFFFC000  }
0x91: {  	[spmem:s1] =	stream.indirect.scatter.add.f32 [tilespmem:s17], [sflag:$0x3], $0x80, s29, s16, $0xb8;
	[tilespmem:$0x1E400] =	vst v63  }
0x92: {  	_ =	swait.ge [sflag:s14], $0x4000  }
0x93: {  	[sflag:s14] =	ssyncset.done $0x0  }
0x94: {  	s30 =	sadd.s32 $0x100, s25;
	[sflag:s14] =	ssyncadd.s32 $0xFFFFC000  }
0x95: {  	[tilespmem:s17], [sflag:$0x1] =	stream.indirect.gather [hbm4b:s4+s16], $0x80, s30, s16, $0xb8;
	[tilespmem:$0x1E400] =	vst v63  }
0x96: {  	_ =	swait.ge [sflag:s20], $0x4000  }
0x97: {  	[sflag:s20] =	ssyncset.done $0x0  }
0x98: {  	s31 =	sadd.s32 $0x1480, s25;
	[sflag:s20] =	ssyncadd.s32 $0xFFFFC000  }
0x99: {  	[spmem:s1] =	stream.indirect.scatter.add.f32 [tilespmem:s18], [sflag:$0x3], $0x80, s31, s16, $0xb8;
	[tilespmem:$0x1E400] =	vst v63  }
0x9a: {  	_ =	swait.ge [sflag:s14], $0x4000  }
0x9b: {  	[sflag:s14] =	ssyncset.done $0x0  }
0x9c: {  	[sflag:s14] =	ssyncadd.s32 $0xFFFFC000  }
0x9d: {  	[tilespmem:s18], [sflag:$0x2] =	stream.indirect.gather [hbm4b:s4+s16], $0x80, s21, s16, $0xb8;
	[tilespmem:$0x1E400] =	vst v63  }
0x9e: {  	_ =	swait.ge [sflag:s19], $0x4000  }
0x9f: {  	[sflag:s19] =	ssyncset.done $0x0  }
0xa0: {  	[sflag:s19] =	ssyncadd.s32 $0xFFFFC000  }
0xa1: {  	[spmem:s1] =	stream.indirect.scatter.add.f32 [tilespmem:s17], [sflag:$0x3], $0x80, s22, s16, $0xb8;
	[tilespmem:$0x1E400] =	vst v63  }
0xa2: {  	_ =	swait.ge [sflag:s14], $0x4000  }
0xa3: {  	[sflag:s14] =	ssyncset.done $0x0  }
0xa4: {  	[sflag:s14] =	ssyncadd.s32 $0xFFFFC000  }
0xa5: {  	_ =	swait.ge [sflag:s20], $0x4000  }
0xa6: {  	[sflag:s20] =	ssyncset.done $0x0  }
0xa7: {  	[sflag:s20] =	ssyncadd.s32 $0xFFFFC000  }
0xa8: {  	[spmem:s1] =	stream.indirect.scatter.add.f32 [tilespmem:s18], [sflag:$0x3], $0x80, s23, s16, $0xb8;
	[tilespmem:$0x1E400] =	vst v63  }
0xa9: {  	_ =	swait.ge [sflag:s14], $0x4000  }
0xaa: {  	s24 =	sadd.s32 $0x1, s24;
	[sflag:s14] =	ssyncset.done $0x0  }
0xab: {  	p0 =	sne.s32 s24, s12;
	[sflag:s14] =	ssyncadd.s32 $0xFFFFC000  }
.Ltmp2:
0xac: {  	[bflag:$0x0] =	sbarrier.arrive $0xFFFF;
	(pc) =	sbr.rel @p0 .LBB2_1-.Ltmp2, $4  }
0xad: {  	[hbm:s11], [sflag:s6] =	dma.local [spmem:s13], $0x2780  }
0xae: {  	_ =	swait.ge [sflag:s14], $0x2780  }
0xaf: {  	[sflag:s14] =	ssyncset.done $0x0  }
0xb0: {  	[sflag:s14] =	ssyncadd.s32 $0xFFFFD880  }
0xb1: {  	_ =	sfence.sel $0x180000  }
0xb2: {  	[bflag:$0x0] =	sbarrier.arrive $0xFFFF  }
0xb3: {  	p0 =	sne.s32 s2, $0x0;
	_ =	strace $0x90000050  }
0xb4: {  	s0 =	sadd.s32 @!p0 $0x100000, s0;
	[bflag:$0x2] =	sbarrier.arrive $0xFFFF  }
0xb5: {  	[sflag:s0] =	ssyncadd.tile.s32 @!p0 $0x1;
	_ =	shalt  }
.Lfunc_end2:
_tile_overlayer_lowered:
.L_overlay_start_2:
0xb6: {  	(tag) =	ssettag $0x2  }
0xb7: {  	s0 =	rddreg [dreg:$0x0];
	s2 =	stileid.u32  }
0xb8: {  	s1 =	rddreg [dreg:$0x1];
	p0 =	sne.s32 s2, $0x0  }
0xb9: {  	s3 =	rddreg [dreg:$0x2];
	[bflag:$0x3] =	sbarrier.arrive $0xFFFF;
	s2 =	simm.s32 @!p0 $0x1C03  }
0xba: {  	[timem:s3], [sflag:s2] =	dma.local @!p0 [hbm:s0], s1  }
0xbb: {  	s0 =	simm.s32 @!p0 $0x3  }
0xbc: {  	_ =	swait.ge @!p0 [sflag:s0], s1  }
0xbd: {  	s1 =	ssub.s32 @!p0 $0x0, s1;
	[sflag:s0] =	ssyncset.done @!p0 $0x0  }
0xbe: {  	[sflag:s0] =	ssyncadd.s32 @!p0 s1  }
0xbf: {  	[bflag:$0x3] =	sbarrier.arrive $0xFFFF  }
0xc0: {  	_ =	shalt  }

</sc_bundles>
